<compile_context>
chip_gen: v7x
topology: tpu7x:2x2x1
jax: 0.10.2.dev20260603
libtpu: 0.0.44.dev20260713+nightly
codegen_flags: <defaults>
</compile_context>

<pallas_src>
import jax
import jax.numpy as jnp
from jax import lax
from jax.experimental import pallas as pl
from jax.experimental.pallas import tpu as pltpu
from jax.experimental.pallas import tpu_sc as plsc

_N = 8192
_S = 4096
_BN = 256
_NW = 32
_RW = _N // _NW
_CR = 8
_LANES = 16



def _rank_body(xq_ref, sx_ref, dn_ref):
    xq = xq_ref[...]
    sx = sx_ref[...]
    xs = lax.dot_general(
        xq.astype(jnp.bfloat16), sx.astype(jnp.bfloat16),
        (((1,), (0,)), ((), ())),
        preferred_element_type=jnp.float32)
    xq2 = xq[:, 0:1] ** 2 + xq[:, 1:2] ** 2 + xq[:, 2:3] ** 2
    sx2 = sx[0:1, :] ** 2 + sx[1:2, :] ** 2 + sx[2:3, :] ** 2
    dn_ref[...] = (-2.0 * xs + xq2) + sx2



_GDN = lax.GatherDimensionNumbers(
    offset_dims=(), collapsed_slice_dims=(0,), start_index_map=(0,))


def _permute(v, p):
    return lax.gather(v, p[:, None], _GDN, (1,),
                      mode=lax.GatherScatterMode.PROMISE_IN_BOUNDS)


def _sc_body(dn_hbm, x0_hbm, sx_hbm, out_hbm, dnb0, dnb1, sxb, qb, ddsb,
             sem0, sem1):
    wid = lax.axis_index("s") * 2 + lax.axis_index("c")
    base = wid * _RW
    lane = lax.broadcasted_iota(jnp.int32, (_LANES,), 0)
    inf_v = jnp.full((_LANES,), jnp.inf, jnp.float32)
    zero_i = jnp.zeros((_LANES,), jnp.int32)
    perms = [(lane ^ sh) for sh in (8, 4, 2, 1)]

    def lex_min(v, i):
        for p in perms:
            vs = _permute(v, p)
            is_ = _permute(i, p)
            take = (vs < v) | ((vs == v) & (is_ < i))
            v = jnp.where(take, vs, v)
            i = jnp.where(take, is_, i)
        return v, i

    pltpu.sync_copy(sx_hbm, sxb)
    for c in range(3):
        pltpu.sync_copy(x0_hbm.at[pl.ds(c * _N + base, _RW)],
                        qb.at[pl.ds(c * _RW, _RW)])

    def _insert(carry, v, jv):
        m1, m2, m3, i1, i2, i3 = carry
        b1 = v < m1
        b2 = v < m2
        b3 = v < m3
        m3n = jnp.where(b3, jnp.where(b2, m2, v), m3)
        i3n = jnp.where(b3, jnp.where(b2, i2, jv), i3)
        m2n = jnp.where(b2, jnp.where(b1, m1, v), m2)
        i2n = jnp.where(b2, jnp.where(b1, i1, jv), i2)
        m1n = jnp.where(b1, v, m1)
        i1n = jnp.where(b1, jv, i1)
        return m1n, m2n, m3n, i1n, i2n, i3n

    def scan_row_pair(dnb, ra, rb):
        def step(j, carry):
            ca, cb = carry
            va = dnb[ra, pl.ds(j * _LANES, _LANES)]
            vb = dnb[rb, pl.ds(j * _LANES, _LANES)]
            jv = lane + j * _LANES
            return _insert(ca, va, jv), _insert(cb, vb, jv)

        init = (inf_v, inf_v, inf_v, zero_i, zero_i, zero_i)
        return lax.fori_loop(0, _S // _LANES, step, (init, init), unroll=4)

    def finish(ri, carry):
        m1, m2, m3, i1, i2, i3 = carry
        gis = []
        for k in range(3):
            g, gi = lex_min(m1, i1)
            gis.append(gi)
            pop = (m1 == g) & (i1 == gi)
            m1 = jnp.where(pop, m2, m1)
            i1 = jnp.where(pop, i2, i1)
            m2 = jnp.where(pop, m3, m2)
            i2 = jnp.where(pop, i3, i2)
            m3 = jnp.where(pop, inf_v, m3)
        iv = jnp.where(lane == 0, gis[0],
                       jnp.where(lane == 1, gis[1],
                                 jnp.where(lane == 2, gis[2], 0)))
        gx = plsc.load_gather(sxb, [iv])
        gy = plsc.load_gather(sxb, [iv + _S])
        gz = plsc.load_gather(sxb, [iv + 2 * _S])
        qx = plsc.load_gather(qb, [zero_i + ri])
        qy = plsc.load_gather(qb, [zero_i + (_RW + ri)])
        qz = plsc.load_gather(qb, [zero_i + (2 * _RW + ri)])
        ex = qx - gx
        ey = qy - gy
        ez = qz - gz
        dd = ex * ex + ey * ey + ez * ez
        plsc.store_scatter(ddsb, [ri * 3 + jnp.minimum(lane, 2)], dd,
                           mask=lane < 3)

    def process(dnb, ch):
        def do_pair(r4, _):
            ca, cb = scan_row_pair(dnb, 2 * r4, 2 * r4 + 1)
            finish(ch * _CR + 2 * r4, ca)
            finish(ch * _CR + 2 * r4 + 1, cb)
            return 0

        lax.fori_loop(0, _CR // 2, do_pair, 0)

    nch = _RW // _CR
    pltpu.async_copy(dn_hbm.at[pl.ds(base, _CR), :], dnb0, sem0)

    def outer(p, _):
        even = 2 * p
        pltpu.make_async_copy(dn_hbm.at[pl.ds(0, _CR), :], dnb0, sem0).wait()
        pltpu.async_copy(
            dn_hbm.at[pl.ds(base + (even + 1) * _CR, _CR), :], dnb1, sem1)
        process(dnb0, even)
        pltpu.make_async_copy(dn_hbm.at[pl.ds(0, _CR), :], dnb1, sem1).wait()

        @pl.when(p < nch // 2 - 1)
        def _():
            pltpu.async_copy(
                dn_hbm.at[pl.ds(base + (even + 2) * _CR, _CR), :], dnb0, sem0)

        process(dnb1, even + 1)
        return 0

    lax.fori_loop(0, nch // 2, outer, 0)
    pltpu.sync_copy(ddsb, out_hbm.at[wid])



def _out_body(dd_ref, ft_ref, out_ref):
    inv1 = 1.0 / jnp.maximum(jnp.sqrt(dd_ref[:, 0:1]), 1e-10)
    inv2 = 1.0 / jnp.maximum(jnp.sqrt(dd_ref[:, 1:2]), 1e-10)
    inv3 = 1.0 / jnp.maximum(jnp.sqrt(dd_ref[:, 2:3]), 1e-10)
    norm = inv1 + inv2 + inv3
    w = jnp.concatenate([inv1, inv2, inv3], axis=1) / norm
    out_ref[...] = lax.dot_general(
        ft_ref[...], w, (((1,), (1,)), ((), ())),
        preferred_element_type=jnp.float32)


def kernel(xyz, sparse_xyz, sparse_frame):
    xq = jnp.transpose(xyz[0])
    x0 = xyz[0]
    sx = sparse_xyz[0]
    ft = jnp.transpose(sparse_frame[0])

    dn = pl.pallas_call(
        _rank_body,
        grid=(_N // _BN,),
        in_specs=[
            pl.BlockSpec((_BN, 3), lambda i: (i, 0)),
            pl.BlockSpec((3, _S), lambda i: (0, 0)),
        ],
        out_specs=pl.BlockSpec((_BN, _S), lambda i: (i, 0)),
        out_shape=jax.ShapeDtypeStruct((_N, _S), jnp.float32),
    )(xq, sx)

    sc_fn = pl.kernel(
        _sc_body,
        mesh=plsc.VectorSubcoreMesh(core_axis_name="c", subcore_axis_name="s"),
        compiler_params=pltpu.CompilerParams(needs_layout_passes=False),
        out_type=jax.ShapeDtypeStruct((_NW, 3 * _RW), jnp.float32),
        scratch_types=[
            pltpu.VMEM((_CR, _S), jnp.float32),
            pltpu.VMEM((_CR, _S), jnp.float32),
            pltpu.VMEM((3 * _S,), jnp.float32),
            pltpu.VMEM((3 * _RW,), jnp.float32),
            pltpu.VMEM((3 * _RW,), jnp.float32),
            pltpu.SemaphoreType.DMA,
            pltpu.SemaphoreType.DMA,
        ],
    )
    dds = sc_fn(dn, x0.reshape(3 * _N), sx.reshape(3 * _S))
    dd3 = dds.reshape(_N, 3)

    out = pl.pallas_call(
        _out_body,
        grid=(_N // _BN,),
        in_specs=[
            pl.BlockSpec((_BN, 3), lambda i: (i, 0)),
            pl.BlockSpec((_S, 3), lambda i: (0, 0)),
        ],
        out_specs=pl.BlockSpec((_S, _BN), lambda i: (0, i)),
        out_shape=jax.ShapeDtypeStruct((_S, _N), jnp.float32),
    )(dd3, ft)
    return out[None]

# --- scband reference (transcript-rebuilt; emitter-appended) ---
"""Pipeline reference for scband-upsample-frame-17755394801904 (READ-ONLY COPY).

The authoritative reference and input builder live on the scoring server;
editing this copy changes nothing except your own understanding.
"""

import jax, jax.numpy as jnp
import numpy as np


def _square_distance(src, dst):
    # src: [B, N, C], dst: [B, M, C] -> [B, N, M]
    dist = -2.0 * jnp.matmul(src, jnp.transpose(dst, (0, 2, 1)))
    dist = dist + jnp.sum(src ** 2, axis=-1)[:, :, None]
    dist = dist + jnp.sum(dst ** 2, axis=-1)[:, None, :]
    return dist


def _index_points_group(points_t, knn_idx):
    # points_t: [B, S, C], knn_idx: [B, N, K] -> [B, N, K, C]
    return jnp.take_along_axis(points_t[:, None, :, :], knn_idx[..., None], axis=2)


def setup_inputs(seed: int = 0) -> dict:
    key = jax.random.key(seed)
    k1, k2, k3 = jax.random.split(key, 3)
    xyz = jax.random.normal(k1, (1, 3, 8192), dtype=jnp.float32)
    sparse_xyz = jax.random.normal(k2, (1, 3, 4096), dtype=jnp.float32)
    sparse_frame = jax.random.normal(k3, (1, 3, 4096), dtype=jnp.float32)
    return {"xyz": xyz, "sparse_xyz": sparse_xyz, "sparse_frame": sparse_frame}


def reference(xyz, sparse_xyz, sparse_frame):
    B, C, N = xyz.shape
    S = sparse_xyz.shape[2]
    xyz_t = jnp.transpose(xyz, (0, 2, 1))            # [B, N, C]
    sxyz_t = jnp.transpose(sparse_xyz, (0, 2, 1))    # [B, S, C]
    sflow_t = jnp.transpose(sparse_frame, (0, 2, 1)) # [B, S, C] (sparse_flow, unused downstream as in original)

    # knn_point(3, sparse_xyz, xyz)
    sqrdists = _square_distance(xyz_t, sxyz_t)       # [B, N, S]
    _, knn_idx = jax.lax.top_k(-sqrdists, 3)         # smallest-3 -> [B, N, 3]

    grouped_xyz = _index_points_group(sxyz_t, knn_idx)          # [B, N, 3, C]
    grouped_xyz_norm = grouped_xyz - xyz_t[:, :, None, :]
    dist = jnp.maximum(jnp.sqrt(jnp.sum(grouped_xyz_norm ** 2, axis=3)), 1e-10)  # [B, N, 3]
    norm = jnp.sum(1.0 / dist, axis=2, keepdims=True)
    weight = 1.0 / dist / norm                                   # [B, N, 3]

    grouped_flow = _index_points_group(sflow_t, knn_idx)         # computed as in original torch code (unused)

    # Faithful to original final line: weight.view(B,N,3,1) * sparse_frame (broadcast, B=1, C=3)
    dense_flow = jnp.transpose(
        jnp.sum(weight.reshape(B, N, 3, 1) * sparse_frame, axis=2), (0, 2, 1)
    )  # [B, S, N]
    return dense_flow

if __name__ == "__main__":
    import jax
    _d = setup_inputs()
    print(jax.jit(kernel)(*tuple(_d.values())))

</pallas_src>

<mosaic_0001>
#map = affine_map<(d0, d1) -> (0, 0)>
#map1 = affine_map<(d0, d1) -> (0)>
module attributes {stable_mosaic.version = 14 : i64} {
  func.func @_sc_body(%arg0: i32, %arg1: i32, %arg2: memref<8192x4096xf32, #tpu.memory_space<hbm>>, %arg3: memref<24576xf32, #tpu.memory_space<hbm>>, %arg4: memref<12288xf32, #tpu.memory_space<hbm>>, %arg5: memref<32x768xf32, #tpu.memory_space<hbm>>, %arg6: memref<8x4096xf32, #tpu.memory_space<vmem>>, %arg7: memref<8x4096xf32, #tpu.memory_space<vmem>>, %arg8: memref<12288xf32, #tpu.memory_space<vmem>>, %arg9: memref<768xf32, #tpu.memory_space<vmem>>, %arg10: memref<768xf32, #tpu.memory_space<vmem>>, %arg11: memref<!tpu.dma_semaphore, #tpu.memory_space<semaphore_mem>>, %arg12: memref<!tpu.dma_semaphore, #tpu.memory_space<semaphore_mem>>) attributes {dimension_semantics = [#tpu.dimension_semantics<core_parallel>, #tpu.dimension_semantics<subcore_parallel>], iteration_bounds = array<i64: 2, 16>, scalar_prefetch = 0 : i64, scratch_operands = 7 : i64, tpu.core_type = #tpu.core_type<sc_vector_subcore>, window_params = [{transform_indices = #map}, {transform_indices = #map1}, {transform_indices = #map1}, {transform_indices = #map}]} {
    %mul3A = arith.constant 2 : i32
    %mul3A_0 = arith.muli %arg1, %mul3A : i32
    %add3A = arith.addi %mul3A_0, %arg0 : i32
    %mul3A_1 = arith.constant 256 : i32
    %mul3A_2 = arith.muli %add3A, %mul3A_1 : i32
    %iota3A = tpu.iota {dimensions = array<i32: 0>} : vector<16xi32>
    %broadcast_in_dim3A = arith.constant 0x7F800000 : f32
    %broadcast_in_dim3A_3 = vector.broadcast %broadcast_in_dim3A : f32 to vector<16xf32>
    %broadcast_in_dim3A_4 = arith.constant 0 : i32
    %broadcast_in_dim3A_5 = vector.broadcast %broadcast_in_dim3A_4 : i32 to vector<16xi32>
    %xor3A = arith.constant 8 : i32
    %xor3A_6 = vector.broadcast %xor3A : i32 to vector<16xi32>
    %xor3A_7 = arith.xori %iota3A, %xor3A_6 : vector<16xi32>
    %xor3A_8 = arith.constant 4 : i32
    %xor3A_9 = vector.broadcast %xor3A_8 : i32 to vector<16xi32>
    %xor3A_10 = arith.xori %iota3A, %xor3A_9 : vector<16xi32>
    %xor3A_11 = arith.constant 2 : i32
    %xor3A_12 = vector.broadcast %xor3A_11 : i32 to vector<16xi32>
    %xor3A_13 = arith.xori %iota3A, %xor3A_12 : vector<16xi32>
    %xor3A_14 = arith.constant 1 : i32
    %xor3A_15 = vector.broadcast %xor3A_14 : i32 to vector<16xi32>
    %xor3A_16 = arith.xori %iota3A, %xor3A_15 : vector<16xi32>
    "tpu.region"() ({
      %run_scoped3A = tpu.sem_alloc : memref<!tpu.dma_semaphore, #tpu.memory_space<semaphore_mem>>
      tpu.enqueue_dma source(%arg4 : memref<12288xf32, #tpu.memory_space<hbm>>) target(%arg8 : memref<12288xf32, #tpu.memory_space<vmem>>) target_semaphore(%run_scoped3A : memref<!tpu.dma_semaphore, #tpu.memory_space<semaphore_mem>>)
      tpu.wait_dma2 semaphore(%run_scoped3A : memref<!tpu.dma_semaphore, #tpu.memory_space<semaphore_mem>>) src(%arg4 : memref<12288xf32, #tpu.memory_space<hbm>>) dst(%arg8 : memref<12288xf32, #tpu.memory_space<vmem>>)
      tpu.yield
    }) : () -> ()
    %add3A_17 = arith.constant 0 : i32
    %add3A_18 = arith.addi %add3A_17, %mul3A_2 : i32
    "tpu.region"() ({
      %run_scoped3A = tpu.sem_alloc : memref<!tpu.dma_semaphore, #tpu.memory_space<semaphore_mem>>
      %dma_start3A_32 = arith.constant 0 : i32
      %dma_start3A_33 = tpu.memref_slice %arg9[%dma_start3A_32] : memref<768xf32, #tpu.memory_space<vmem>> -> memref<256xf32, #tpu.memory_space<vmem>>
      %dma_start3A_34 = tpu.memref_slice %arg3[%add3A_18] : memref<24576xf32, #tpu.memory_space<hbm>> -> memref<256xf32, #tpu.memory_space<hbm>>
      %dma_start3A_35 = arith.constant 0 : i32
      %dma_start3A_36 = tpu.memref_slice %arg9[%dma_start3A_35] : memref<768xf32, #tpu.memory_space<vmem>> -> memref<256xf32, #tpu.memory_space<vmem>>
      %dma_start3A_37 = tpu.memref_slice %arg3[%add3A_18] : memref<24576xf32, #tpu.memory_space<hbm>> -> memref<256xf32, #tpu.memory_space<hbm>>
      tpu.enqueue_dma source(%dma_start3A_37 : memref<256xf32, #tpu.memory_space<hbm>>) target(%dma_start3A_36 : memref<256xf32, #tpu.memory_space<vmem>>) target_semaphore(%run_scoped3A : memref<!tpu.dma_semaphore, #tpu.memory_space<semaphore_mem>>)
      %dma_wait3A = arith.constant 0 : i32
      %dma_wait3A_38 = tpu.memref_slice %arg9[%dma_wait3A] : memref<768xf32, #tpu.memory_space<vmem>> -> memref<256xf32, #tpu.memory_space<vmem>>
      %dma_wait3A_39 = tpu.memref_slice %arg3[%add3A_18] : memref<24576xf32, #tpu.memory_space<hbm>> -> memref<256xf32, #tpu.memory_space<hbm>>
      %dma_wait3A_40 = arith.constant 0 : i32
      %dma_wait3A_41 = tpu.memref_slice %arg9[%dma_wait3A_40] : memref<768xf32, #tpu.memory_space<vmem>> -> memref<256xf32, #tpu.memory_space<vmem>>
      %dma_wait3A_42 = tpu.memref_slice %arg3[%add3A_18] : memref<24576xf32, #tpu.memory_space<hbm>> -> memref<256xf32, #tpu.memory_space<hbm>>
      tpu.wait_dma2 semaphore(%run_scoped3A : memref<!tpu.dma_semaphore, #tpu.memory_space<semaphore_mem>>) src(%dma_wait3A_42 : memref<256xf32, #tpu.memory_space<hbm>>) dst(%dma_wait3A_41 : memref<256xf32, #tpu.memory_space<vmem>>)
      tpu.yield
    }) : () -> ()
    %add3A_19 = arith.constant 8192 : i32
    %add3A_20 = arith.addi %add3A_19, %mul3A_2 : i32
    "tpu.region"() ({
      %run_scoped3A = tpu.sem_alloc : memref<!tpu.dma_semaphore, #tpu.memory_space<semaphore_mem>>
      %dma_start3A_32 = arith.constant 256 : i32
      %dma_start3A_33 = tpu.memref_slice %arg9[%dma_start3A_32] : memref<768xf32, #tpu.memory_space<vmem>> -> memref<256xf32, #tpu.memory_space<vmem>>
      %dma_start3A_34 = tpu.memref_slice %arg3[%add3A_20] : memref<24576xf32, #tpu.memory_space<hbm>> -> memref<256xf32, #tpu.memory_space<hbm>>
      %dma_start3A_35 = arith.constant 256 : i32
      %dma_start3A_36 = tpu.memref_slice %arg9[%dma_start3A_35] : memref<768xf32, #tpu.memory_space<vmem>> -> memref<256xf32, #tpu.memory_space<vmem>>
      %dma_start3A_37 = tpu.memref_slice %arg3[%add3A_20] : memref<24576xf32, #tpu.memory_space<hbm>> -> memref<256xf32, #tpu.memory_space<hbm>>
      tpu.enqueue_dma source(%dma_start3A_37 : memref<256xf32, #tpu.memory_space<hbm>>) target(%dma_start3A_36 : memref<256xf32, #tpu.memory_space<vmem>>) target_semaphore(%run_scoped3A : memref<!tpu.dma_semaphore, #tpu.memory_space<semaphore_mem>>)
      %dma_wait3A = arith.constant 256 : i32
      %dma_wait3A_38 = tpu.memref_slice %arg9[%dma_wait3A] : memref<768xf32, #tpu.memory_space<vmem>> -> memref<256xf32, #tpu.memory_space<vmem>>
      %dma_wait3A_39 = tpu.memref_slice %arg3[%add3A_20] : memref<24576xf32, #tpu.memory_space<hbm>> -> memref<256xf32, #tpu.memory_space<hbm>>
      %dma_wait3A_40 = arith.constant 256 : i32
      %dma_wait3A_41 = tpu.memref_slice %arg9[%dma_wait3A_40] : memref<768xf32, #tpu.memory_space<vmem>> -> memref<256xf32, #tpu.memory_space<vmem>>
      %dma_wait3A_42 = tpu.memref_slice %arg3[%add3A_20] : memref<24576xf32, #tpu.memory_space<hbm>> -> memref<256xf32, #tpu.memory_space<hbm>>
      tpu.wait_dma2 semaphore(%run_scoped3A : memref<!tpu.dma_semaphore, #tpu.memory_space<semaphore_mem>>) src(%dma_wait3A_42 : memref<256xf32, #tpu.memory_space<hbm>>) dst(%dma_wait3A_41 : memref<256xf32, #tpu.memory_space<vmem>>)
      tpu.yield
    }) : () -> ()
    %add3A_21 = arith.constant 16384 : i32
    %add3A_22 = arith.addi %add3A_21, %mul3A_2 : i32
    "tpu.region"() ({
      %run_scoped3A = tpu.sem_alloc : memref<!tpu.dma_semaphore, #tpu.memory_space<semaphore_mem>>
      %dma_start3A_32 = arith.constant 512 : i32
      %dma_start3A_33 = tpu.memref_slice %arg9[%dma_start3A_32] : memref<768xf32, #tpu.memory_space<vmem>> -> memref<256xf32, #tpu.memory_space<vmem>>
      %dma_start3A_34 = tpu.memref_slice %arg3[%add3A_22] : memref<24576xf32, #tpu.memory_space<hbm>> -> memref<256xf32, #tpu.memory_space<hbm>>
      %dma_start3A_35 = arith.constant 512 : i32
      %dma_start3A_36 = tpu.memref_slice %arg9[%dma_start3A_35] : memref<768xf32, #tpu.memory_space<vmem>> -> memref<256xf32, #tpu.memory_space<vmem>>
      %dma_start3A_37 = tpu.memref_slice %arg3[%add3A_22] : memref<24576xf32, #tpu.memory_space<hbm>> -> memref<256xf32, #tpu.memory_space<hbm>>
      tpu.enqueue_dma source(%dma_start3A_37 : memref<256xf32, #tpu.memory_space<hbm>>) target(%dma_start3A_36 : memref<256xf32, #tpu.memory_space<vmem>>) target_semaphore(%run_scoped3A : memref<!tpu.dma_semaphore, #tpu.memory_space<semaphore_mem>>)
      %dma_wait3A = arith.constant 512 : i32
      %dma_wait3A_38 = tpu.memref_slice %arg9[%dma_wait3A] : memref<768xf32, #tpu.memory_space<vmem>> -> memref<256xf32, #tpu.memory_space<vmem>>
      %dma_wait3A_39 = tpu.memref_slice %arg3[%add3A_22] : memref<24576xf32, #tpu.memory_space<hbm>> -> memref<256xf32, #tpu.memory_space<hbm>>
      %dma_wait3A_40 = arith.constant 512 : i32
      %dma_wait3A_41 = tpu.memref_slice %arg9[%dma_wait3A_40] : memref<768xf32, #tpu.memory_space<vmem>> -> memref<256xf32, #tpu.memory_space<vmem>>
      %dma_wait3A_42 = tpu.memref_slice %arg3[%add3A_22] : memref<24576xf32, #tpu.memory_space<hbm>> -> memref<256xf32, #tpu.memory_space<hbm>>
      tpu.wait_dma2 semaphore(%run_scoped3A : memref<!tpu.dma_semaphore, #tpu.memory_space<semaphore_mem>>) src(%dma_wait3A_42 : memref<256xf32, #tpu.memory_space<hbm>>) dst(%dma_wait3A_41 : memref<256xf32, #tpu.memory_space<vmem>>)
      tpu.yield
    }) : () -> ()
    %dma_start3A = arith.constant 0 : i32
    %dma_start3A_23 = tpu.memref_slice %arg2[%mul3A_2, %dma_start3A] : memref<8192x4096xf32, #tpu.memory_space<hbm>> -> memref<8x4096xf32, #tpu.memory_space<hbm>>
    %dma_start3A_24 = arith.constant 0 : i32
    %dma_start3A_25 = tpu.memref_slice %arg2[%mul3A_2, %dma_start3A_24] : memref<8192x4096xf32, #tpu.memory_space<hbm>> -> memref<8x4096xf32, #tpu.memory_space<hbm>>
    tpu.enqueue_dma source(%dma_start3A_25 : memref<8x4096xf32, #tpu.memory_space<hbm>>) target(%arg6 : memref<8x4096xf32, #tpu.memory_space<vmem>>) target_semaphore(%arg11 : memref<!tpu.dma_semaphore, #tpu.memory_space<semaphore_mem>>)
    %scan3A = arith.constant 0 : i32
    %scan3A_26 = arith.constant 0 : i32
    %scan3A_27 = arith.constant 16 : i32
    %scan3A_28 = arith.addi %scan3A_26, %scan3A_27 : i32
    %scan3A_29 = arith.constant 1 : i32
    %scan3A_30 = scf.for %scan3A_32 = %scan3A_26 to %scan3A_28 step %scan3A_29 iter_args(%scan3A_33 = %scan3A) -> (i32)  : i32 {
      %mul3A_34 = arith.constant 2 : i32
      %mul3A_35 = arith.muli %mul3A_34, %scan3A_32 : i32
      %dma_wait3A = arith.constant 0 : i32
      %dma_wait3A_36 = arith.constant 0 : i32
      %dma_wait3A_37 = tpu.memref_slice %arg2[%dma_wait3A, %dma_wait3A_36] : memref<8192x4096xf32, #tpu.memory_space<hbm>> -> memref<8x4096xf32, #tpu.memory_space<hbm>>
      %dma_wait3A_38 = arith.constant 0 : i32
      %dma_wait3A_39 = arith.constant 0 : i32
      %dma_wait3A_40 = tpu.memref_slice %arg2[%dma_wait3A_38, %dma_wait3A_39] : memref<8192x4096xf32, #tpu.memory_space<hbm>> -> memref<8x4096xf32, #tpu.memory_space<hbm>>
      tpu.wait_dma2 semaphore(%arg11 : memref<!tpu.dma_semaphore, #tpu.memory_space<semaphore_mem>>) src(%dma_wait3A_40 : memref<8x4096xf32, #tpu.memory_space<hbm>>) dst(%arg6 : memref<8x4096xf32, #tpu.memory_space<vmem>>)
      %add3A_41 = arith.constant 1 : i32
      %add3A_42 = arith.addi %mul3A_35, %add3A_41 : i32
      %mul3A_43 = arith.constant 8 : i32
      %mul3A_44 = arith.muli %add3A_42, %mul3A_43 : i32
      %add3A_45 = arith.addi %mul3A_2, %mul3A_44 : i32
      %dma_start3A_46 = arith.constant 0 : i32
      %dma_start3A_47 = tpu.memref_slice %arg2[%add3A_45, %dma_start3A_46] : memref<8192x4096xf32, #tpu.memory_space<hbm>> -> memref<8x4096xf32, #tpu.memory_space<hbm>>
      %dma_start3A_48 = arith.constant 0 : i32
      %dma_start3A_49 = tpu.memref_slice %arg2[%add3A_45, %dma_start3A_48] : memref<8192x4096xf32, #tpu.memory_space<hbm>> -> memref<8x4096xf32, #tpu.memory_space<hbm>>
      tpu.enqueue_dma source(%dma_start3A_49 : memref<8x4096xf32, #tpu.memory_space<hbm>>) target(%arg7 : memref<8x4096xf32, #tpu.memory_space<vmem>>) target_semaphore(%arg12 : memref<!tpu.dma_semaphore, #tpu.memory_space<semaphore_mem>>)
      %scan3A_50 = arith.constant 0 : i32
      %scan3A_51 = arith.constant 0 : i32
      %scan3A_52 = arith.constant 4 : i32
      %scan3A_53 = arith.addi %scan3A_51, %scan3A_52 : i32
      %scan3A_54 = arith.constant 1 : i32
      %scan3A_55 = scf.for %scan3A_75 = %scan3A_51 to %scan3A_53 step %scan3A_54 iter_args(%scan3A_76 = %scan3A_50) -> (i32)  : i32 {
        %mul3A_77 = arith.constant 2 : i32
        %mul3A_78 = arith.muli %mul3A_77, %scan3A_75 : i32
        %mul3A_79 = arith.constant 2 : i32
        %mul3A_80 = arith.muli %mul3A_79, %scan3A_75 : i32
        %add3A_81 = arith.constant 1 : i32
        %add3A_82 = arith.addi %mul3A_80, %add3A_81 : i32
        %scan3A_83 = arith.constant 0 : i32
        %scan3A_84 = arith.constant 256 : i32
        %scan3A_85 = arith.addi %scan3A_83, %scan3A_84 : i32
        %scan3A_86 = arith.constant 4 : i32
        %scan3A_87:12 = scf.for %scan3A_562 = %scan3A_83 to %scan3A_85 step %scan3A_86 iter_args(%scan3A_563 = %broadcast_in_dim3A_3, %scan3A_564 = %broadcast_in_dim3A_3, %scan3A_565 = %broadcast_in_dim3A_3, %scan3A_566 = %broadcast_in_dim3A_5, %scan3A_567 = %broadcast_in_dim3A_5, %scan3A_568 = %broadcast_in_dim3A_5, %scan3A_569 = %broadcast_in_dim3A_3, %scan3A_570 = %broadcast_in_dim3A_3, %scan3A_571 = %broadcast_in_dim3A_3, %scan3A_572 = %broadcast_in_dim3A_5, %scan3A_573 = %broadcast_in_dim3A_5, %scan3A_574 = %broadcast_in_dim3A_5) -> (vector<16xf32>, vector<16xf32>, vector<16xf32>, vector<16xi32>, vector<16xi32>, vector<16xi32>, vector<16xf32>, vector<16xf32>, vector<16xf32>, vector<16xi32>, vector<16xi32>, vector<16xi32>)  : i32 {
          %mul3A_575 = arith.constant 16 : i32
          %mul3A_576 = arith.muli %scan3A_562, %mul3A_575 : i32
          %get3A = arith.index_cast %mul3A_78 : i32 to index
          %get3A_577 = arith.index_cast %mul3A_576 : i32 to index
          %get3A_578 = tpu.vector_load %arg6[%get3A, %get3A_577] {strides = array<i32>} : memref<8x4096xf32, #tpu.memory_space<vmem>>, vector<16xf32>,
          %mul3A_579 = arith.constant 16 : i32
          %mul3A_580 = arith.muli %scan3A_562, %mul3A_579 : i32
          %get3A_581 = arith.index_cast %add3A_82 : i32 to index
          %get3A_582 = arith.index_cast %mul3A_580 : i32 to index
          %get3A_583 = tpu.vector_load %arg6[%get3A_581, %get3A_582] {strides = array<i32>} : memref<8x4096xf32, #tpu.memory_space<vmem>>, vector<16xf32>,
          %mul3A_584 = arith.constant 16 : i32
          %mul3A_585 = arith.muli %scan3A_562, %mul3A_584 : i32
          %add3A_586 = vector.broadcast %mul3A_585 : i32 to vector<16xi32>
          %add3A_587 = arith.addi %iota3A, %add3A_586 : vector<16xi32>
          %lt3A_588 = arith.cmpf olt, %get3A_578, %scan3A_563 : vector<16xf32>
          %lt3A_589 = arith.cmpf olt, %get3A_578, %scan3A_564 : vector<16xf32>
          %lt3A_590 = arith.cmpf olt, %get3A_578, %scan3A_565 : vector<16xf32>
          %select_n3A_591 = arith.select %lt3A_589, %scan3A_564, %get3A_578 : vector<16xi1>, vector<16xf32>
          %select_n3A_592 = arith.select %lt3A_590, %select_n3A_591, %scan3A_565 : vector<16xi1>, vector<16xf32>
          %select_n3A_593 = arith.select %lt3A_589, %scan3A_567, %add3A_587 : vector<16xi1>, vector<16xi32>
          %select_n3A_594 = arith.select %lt3A_590, %select_n3A_593, %scan3A_568 : vector<16xi1>, vector<16xi32>
          %select_n3A_595 = arith.select %lt3A_588, %scan3A_563, %get3A_578 : vector<16xi1>, vector<16xf32>
          %select_n3A_596 = arith.select %lt3A_589, %select_n3A_595, %scan3A_564 : vector<16xi1>, vector<16xf32>
          %select_n3A_597 = arith.select %lt3A_588, %scan3A_566, %add3A_587 : vector<16xi1>, vector<16xi32>
          %select_n3A_598 = arith.select %lt3A_589, %select_n3A_597, %scan3A_567 : vector<16xi1>, vector<16xi32>
          %select_n3A_599 = arith.select %lt3A_588, %get3A_578, %scan3A_563 : vector<16xi1>, vector<16xf32>
          %select_n3A_600 = arith.select %lt3A_588, %add3A_587, %scan3A_566 : vector<16xi1>, vector<16xi32>
          %lt3A_601 = arith.cmpf olt, %get3A_583, %scan3A_569 : vector<16xf32>
          %lt3A_602 = arith.cmpf olt, %get3A_583, %scan3A_570 : vector<16xf32>
          %lt3A_603 = arith.cmpf olt, %get3A_583, %scan3A_571 : vector<16xf32>
          %select_n3A_604 = arith.select %lt3A_602, %scan3A_570, %get3A_583 : vector<16xi1>, vector<16xf32>
          %select_n3A_605 = arith.select %lt3A_603, %select_n3A_604, %scan3A_571 : vector<16xi1>, vector<16xf32>
          %select_n3A_606 = arith.select %lt3A_602, %scan3A_573, %add3A_587 : vector<16xi1>, vector<16xi32>
          %select_n3A_607 = arith.select %lt3A_603, %select_n3A_606, %scan3A_574 : vector<16xi1>, vector<16xi32>
          %select_n3A_608 = arith.select %lt3A_601, %scan3A_569, %get3A_583 : vector<16xi1>, vector<16xf32>
          %select_n3A_609 = arith.select %lt3A_602, %select_n3A_608, %scan3A_570 : vector<16xi1>, vector<16xf32>
          %select_n3A_610 = arith.select %lt3A_601, %scan3A_572, %add3A_587 : vector<16xi1>, vector<16xi32>
          %select_n3A_611 = arith.select %lt3A_602, %select_n3A_610, %scan3A_573 : vector<16xi1>, vector<16xi32>
          %select_n3A_612 = arith.select %lt3A_601, %get3A_583, %scan3A_569 : vector<16xi1>, vector<16xf32>
          %select_n3A_613 = arith.select %lt3A_601, %add3A_587, %scan3A_572 : vector<16xi1>, vector<16xi32>
          %scan3A_614 = arith.constant 1 : i32
          %scan3A_615 = arith.addi %scan3A_562, %scan3A_614 : i32
          %mul3A_616 = arith.constant 16 : i32
          %mul3A_617 = arith.muli %scan3A_615, %mul3A_616 : i32
          %get3A_618 = arith.index_cast %mul3A_78 : i32 to index
          %get3A_619 = arith.index_cast %mul3A_617 : i32 to index
          %get3A_620 = tpu.vector_load %arg6[%get3A_618, %get3A_619] {strides = array<i32>} : memref<8x4096xf32, #tpu.memory_space<vmem>>, vector<16xf32>,
          %mul3A_621 = arith.constant 16 : i32
          %mul3A_622 = arith.muli %scan3A_615, %mul3A_621 : i32
          %get3A_623 = arith.index_cast %add3A_82 : i32 to index
          %get3A_624 = arith.index_cast %mul3A_622 : i32 to index
          %get3A_625 = tpu.vector_load %arg6[%get3A_623, %get3A_624] {strides = array<i32>} : memref<8x4096xf32, #tpu.memory_space<vmem>>, vector<16xf32>,
          %mul3A_626 = arith.constant 16 : i32
          %mul3A_627 = arith.muli %scan3A_615, %mul3A_626 : i32
          %add3A_628 = vector.broadcast %mul3A_627 : i32 to vector<16xi32>
          %add3A_629 = arith.addi %iota3A, %add3A_628 : vector<16xi32>
          %lt3A_630 = arith.cmpf olt, %get3A_620, %select_n3A_599 : vector<16xf32>
          %lt3A_631 = arith.cmpf olt, %get3A_620, %select_n3A_596 : vector<16xf32>
          %lt3A_632 = arith.cmpf olt, %get3A_620, %select_n3A_592 : vector<16xf32>
          %select_n3A_633 = arith.select %lt3A_631, %select_n3A_596, %get3A_620 : vector<16xi1>, vector<16xf32>
          %select_n3A_634 = arith.select %lt3A_632, %select_n3A_633, %select_n3A_592 : vector<16xi1>, vector<16xf32>
          %select_n3A_635 = arith.select %lt3A_631, %select_n3A_598, %add3A_629 : vector<16xi1>, vector<16xi32>
          %select_n3A_636 = arith.select %lt3A_632, %select_n3A_635, %select_n3A_594 : vector<16xi1>, vector<16xi32>
          %select_n3A_637 = arith.select %lt3A_630, %select_n3A_599, %get3A_620 : vector<16xi1>, vector<16xf32>
          %select_n3A_638 = arith.select %lt3A_631, %select_n3A_637, %select_n3A_596 : vector<16xi1>, vector<16xf32>
          %select_n3A_639 = arith.select %lt3A_630, %select_n3A_600, %add3A_629 : vector<16xi1>, vector<16xi32>
          %select_n3A_640 = arith.select %lt3A_631, %select_n3A_639, %select_n3A_598 : vector<16xi1>, vector<16xi32>
          %select_n3A_641 = arith.select %lt3A_630, %get3A_620, %select_n3A_599 : vector<16xi1>, vector<16xf32>
          %select_n3A_642 = arith.select %lt3A_630, %add3A_629, %select_n3A_600 : vector<16xi1>, vector<16xi32>
          %lt3A_643 = arith.cmpf olt, %get3A_625, %select_n3A_612 : vector<16xf32>
          %lt3A_644 = arith.cmpf olt, %get3A_625, %select_n3A_609 : vector<16xf32>
          %lt3A_645 = arith.cmpf olt, %get3A_625, %select_n3A_605 : vector<16xf32>
          %select_n3A_646 = arith.select %lt3A_644, %select_n3A_609, %get3A_625 : vector<16xi1>, vector<16xf32>
          %select_n3A_647 = arith.select %lt3A_645, %select_n3A_646, %select_n3A_605 : vector<16xi1>, vector<16xf32>
          %select_n3A_648 = arith.select %lt3A_644, %select_n3A_611, %add3A_629 : vector<16xi1>, vector<16xi32>
          %select_n3A_649 = arith.select %lt3A_645, %select_n3A_648, %select_n3A_607 : vector<16xi1>, vector<16xi32>
          %select_n3A_650 = arith.select %lt3A_643, %select_n3A_612, %get3A_625 : vector<16xi1>, vector<16xf32>
          %select_n3A_651 = arith.select %lt3A_644, %select_n3A_650, %select_n3A_609 : vector<16xi1>, vector<16xf32>
          %select_n3A_652 = arith.select %lt3A_643, %select_n3A_613, %add3A_629 : vector<16xi1>, vector<16xi32>
          %select_n3A_653 = arith.select %lt3A_644, %select_n3A_652, %select_n3A_611 : vector<16xi1>, vector<16xi32>
          %select_n3A_654 = arith.select %lt3A_643, %get3A_625, %select_n3A_612 : vector<16xi1>, vector<16xf32>
          %select_n3A_655 = arith.select %lt3A_643, %add3A_629, %select_n3A_613 : vector<16xi1>, vector<16xi32>
          %scan3A_656 = arith.constant 2 : i32
          %scan3A_657 = arith.addi %scan3A_562, %scan3A_656 : i32
          %mul3A_658 = arith.constant 16 : i32
          %mul3A_659 = arith.muli %scan3A_657, %mul3A_658 : i32
          %get3A_660 = arith.index_cast %mul3A_78 : i32 to index
          %get3A_661 = arith.index_cast %mul3A_659 : i32 to index
          %get3A_662 = tpu.vector_load %arg6[%get3A_660, %get3A_661] {strides = array<i32>} : memref<8x4096xf32, #tpu.memory_space<vmem>>, vector<16xf32>,
          %mul3A_663 = arith.constant 16 : i32
          %mul3A_664 = arith.muli %scan3A_657, %mul3A_663 : i32
          %get3A_665 = arith.index_cast %add3A_82 : i32 to index
          %get3A_666 = arith.index_cast %mul3A_664 : i32 to index
          %get3A_667 = tpu.vector_load %arg6[%get3A_665, %get3A_666] {strides = array<i32>} : memref<8x4096xf32, #tpu.memory_space<vmem>>, vector<16xf32>,
          %mul3A_668 = arith.constant 16 : i32
          %mul3A_669 = arith.muli %scan3A_657, %mul3A_668 : i32
          %add3A_670 = vector.broadcast %mul3A_669 : i32 to vector<16xi32>
          %add3A_671 = arith.addi %iota3A, %add3A_670 : vector<16xi32>
          %lt3A_672 = arith.cmpf olt, %get3A_662, %select_n3A_641 : vector<16xf32>
          %lt3A_673 = arith.cmpf olt, %get3A_662, %select_n3A_638 : vector<16xf32>
          %lt3A_674 = arith.cmpf olt, %get3A_662, %select_n3A_634 : vector<16xf32>
          %select_n3A_675 = arith.select %lt3A_673, %select_n3A_638, %get3A_662 : vector<16xi1>, vector<16xf32>
          %select_n3A_676 = arith.select %lt3A_674, %select_n3A_675, %select_n3A_634 : vector<16xi1>, vector<16xf32>
          %select_n3A_677 = arith.select %lt3A_673, %select_n3A_640, %add3A_671 : vector<16xi1>, vector<16xi32>
          %select_n3A_678 = arith.select %lt3A_674, %select_n3A_677, %select_n3A_636 : vector<16xi1>, vector<16xi32>
          %select_n3A_679 = arith.select %lt3A_672, %select_n3A_641, %get3A_662 : vector<16xi1>, vector<16xf32>
          %select_n3A_680 = arith.select %lt3A_673, %select_n3A_679, %select_n3A_638 : vector<16xi1>, vector<16xf32>
          %select_n3A_681 = arith.select %lt3A_672, %select_n3A_642, %add3A_671 : vector<16xi1>, vector<16xi32>
          %select_n3A_682 = arith.select %lt3A_673, %select_n3A_681, %select_n3A_640 : vector<16xi1>, vector<16xi32>
          %select_n3A_683 = arith.select %lt3A_672, %get3A_662, %select_n3A_641 : vector<16xi1>, vector<16xf32>
          %select_n3A_684 = arith.select %lt3A_672, %add3A_671, %select_n3A_642 : vector<16xi1>, vector<16xi32>
          %lt3A_685 = arith.cmpf olt, %get3A_667, %select_n3A_654 : vector<16xf32>
          %lt3A_686 = arith.cmpf olt, %get3A_667, %select_n3A_651 : vector<16xf32>
          %lt3A_687 = arith.cmpf olt, %get3A_667, %select_n3A_647 : vector<16xf32>
          %select_n3A_688 = arith.select %lt3A_686, %select_n3A_651, %get3A_667 : vector<16xi1>, vector<16xf32>
          %select_n3A_689 = arith.select %lt3A_687, %select_n3A_688, %select_n3A_647 : vector<16xi1>, vector<16xf32>
          %select_n3A_690 = arith.select %lt3A_686, %select_n3A_653, %add3A_671 : vector<16xi1>, vector<16xi32>
          %select_n3A_691 = arith.select %lt3A_687, %select_n3A_690, %select_n3A_649 : vector<16xi1>, vector<16xi32>
          %select_n3A_692 = arith.select %lt3A_685, %select_n3A_654, %get3A_667 : vector<16xi1>, vector<16xf32>
          %select_n3A_693 = arith.select %lt3A_686, %select_n3A_692, %select_n3A_651 : vector<16xi1>, vector<16xf32>
          %select_n3A_694 = arith.select %lt3A_685, %select_n3A_655, %add3A_671 : vector<16xi1>, vector<16xi32>
          %select_n3A_695 = arith.select %lt3A_686, %select_n3A_694, %select_n3A_653 : vector<16xi1>, vector<16xi32>
          %select_n3A_696 = arith.select %lt3A_685, %get3A_667, %select_n3A_654 : vector<16xi1>, vector<16xf32>
          %select_n3A_697 = arith.select %lt3A_685, %add3A_671, %select_n3A_655 : vector<16xi1>, vector<16xi32>
          %scan3A_698 = arith.constant 3 : i32
          %scan3A_699 = arith.addi %scan3A_562, %scan3A_698 : i32
          %mul3A_700 = arith.constant 16 : i32
          %mul3A_701 = arith.muli %scan3A_699, %mul3A_700 : i32
          %get3A_702 = arith.index_cast %mul3A_78 : i32 to index
          %get3A_703 = arith.index_cast %mul3A_701 : i32 to index
          %get3A_704 = tpu.vector_load %arg6[%get3A_702, %get3A_703] {strides = array<i32>} : memref<8x4096xf32, #tpu.memory_space<vmem>>, vector<16xf32>,
          %mul3A_705 = arith.constant 16 : i32
          %mul3A_706 = arith.muli %scan3A_699, %mul3A_705 : i32
          %get3A_707 = arith.index_cast %add3A_82 : i32 to index
          %get3A_708 = arith.index_cast %mul3A_706 : i32 to index
          %get3A_709 = tpu.vector_load %arg6[%get3A_707, %get3A_708] {strides = array<i32>} : memref<8x4096xf32, #tpu.memory_space<vmem>>, vector<16xf32>,
          %mul3A_710 = arith.constant 16 : i32
          %mul3A_711 = arith.muli %scan3A_699, %mul3A_710 : i32
          %add3A_712 = vector.broadcast %mul3A_711 : i32 to vector<16xi32>
          %add3A_713 = arith.addi %iota3A, %add3A_712 : vector<16xi32>
          %lt3A_714 = arith.cmpf olt, %get3A_704, %select_n3A_683 : vector<16xf32>
          %lt3A_715 = arith.cmpf olt, %get3A_704, %select_n3A_680 : vector<16xf32>
          %lt3A_716 = arith.cmpf olt, %get3A_704, %select_n3A_676 : vector<16xf32>
          %select_n3A_717 = arith.select %lt3A_715, %select_n3A_680, %get3A_704 : vector<16xi1>, vector<16xf32>
          %select_n3A_718 = arith.select %lt3A_716, %select_n3A_717, %select_n3A_676 : vector<16xi1>, vector<16xf32>
          %select_n3A_719 = arith.select %lt3A_715, %select_n3A_682, %add3A_713 : vector<16xi1>, vector<16xi32>
          %select_n3A_720 = arith.select %lt3A_716, %select_n3A_719, %select_n3A_678 : vector<16xi1>, vector<16xi32>
          %select_n3A_721 = arith.select %lt3A_714, %select_n3A_683, %get3A_704 : vector<16xi1>, vector<16xf32>
          %select_n3A_722 = arith.select %lt3A_715, %select_n3A_721, %select_n3A_680 : vector<16xi1>, vector<16xf32>
          %select_n3A_723 = arith.select %lt3A_714, %select_n3A_684, %add3A_713 : vector<16xi1>, vector<16xi32>
          %select_n3A_724 = arith.select %lt3A_715, %select_n3A_723, %select_n3A_682 : vector<16xi1>, vector<16xi32>
          %select_n3A_725 = arith.select %lt3A_714, %get3A_704, %select_n3A_683 : vector<16xi1>, vector<16xf32>
          %select_n3A_726 = arith.select %lt3A_714, %add3A_713, %select_n3A_684 : vector<16xi1>, vector<16xi32>
          %lt3A_727 = arith.cmpf olt, %get3A_709, %select_n3A_696 : vector<16xf32>
          %lt3A_728 = arith.cmpf olt, %get3A_709, %select_n3A_693 : vector<16xf32>
          %lt3A_729 = arith.cmpf olt, %get3A_709, %select_n3A_689 : vector<16xf32>
          %select_n3A_730 = arith.select %lt3A_728, %select_n3A_693, %get3A_709 : vector<16xi1>, vector<16xf32>
          %select_n3A_731 = arith.select %lt3A_729, %select_n3A_730, %select_n3A_689 : vector<16xi1>, vector<16xf32>
          %select_n3A_732 = arith.select %lt3A_728, %select_n3A_695, %add3A_713 : vector<16xi1>, vector<16xi32>
          %select_n3A_733 = arith.select %lt3A_729, %select_n3A_732, %select_n3A_691 : vector<16xi1>, vector<16xi32>
          %select_n3A_734 = arith.select %lt3A_727, %select_n3A_696, %get3A_709 : vector<16xi1>, vector<16xf32>
          %select_n3A_735 = arith.select %lt3A_728, %select_n3A_734, %select_n3A_693 : vector<16xi1>, vector<16xf32>
          %select_n3A_736 = arith.select %lt3A_727, %select_n3A_697, %add3A_713 : vector<16xi1>, vector<16xi32>
          %select_n3A_737 = arith.select %lt3A_728, %select_n3A_736, %select_n3A_695 : vector<16xi1>, vector<16xi32>
          %select_n3A_738 = arith.select %lt3A_727, %get3A_709, %select_n3A_696 : vector<16xi1>, vector<16xf32>
          %select_n3A_739 = arith.select %lt3A_727, %add3A_713, %select_n3A_697 : vector<16xi1>, vector<16xi32>
          scf.yield %select_n3A_725, %select_n3A_722, %select_n3A_718, %select_n3A_726, %select_n3A_724, %select_n3A_720, %select_n3A_738, %select_n3A_735, %select_n3A_731, %select_n3A_739, %select_n3A_737, %select_n3A_733 : vector<16xf32>, vector<16xf32>, vector<16xf32>, vector<16xi32>, vector<16xi32>, vector<16xi32>, vector<16xf32>, vector<16xf32>, vector<16xf32>, vector<16xi32>, vector<16xi32>, vector<16xi32>
        }
        %scan3A_88 = arith.constant 256 : i32
        %mul3A_89 = arith.constant 8 : i32
        %mul3A_90 = arith.muli %mul3A_35, %mul3A_89 : i32
        %mul3A_91 = arith.constant 2 : i32
        %mul3A_92 = arith.muli %mul3A_91, %scan3A_75 : i32
        %add3A_93 = arith.addi %mul3A_90, %mul3A_92 : i32
        %broadcast_in_dim3A_94 = vector.shape_cast %xor3A_7 : vector<16xi32> to vector<16x1xi32>
        %gather3A = vector.shape_cast %broadcast_in_dim3A_94 : vector<16x1xi32> to vector<16xi32>
        %gather3A_95 = tpu.dynamic_gather %scan3A_87#0[%gather3A] in [0] : vector<16xf32>, vector<16xi32> -> vector<16xf32>
        %broadcast_in_dim3A_96 = vector.shape_cast %xor3A_7 : vector<16xi32> to vector<16x1xi32>
        %gather3A_97 = vector.shape_cast %broadcast_in_dim3A_96 : vector<16x1xi32> to vector<16xi32>
        %gather3A_98 = tpu.dynamic_gather %scan3A_87#3[%gather3A_97] in [0] : vector<16xi32>, vector<16xi32> -> vector<16xi32>
        %lt3A_99 = arith.cmpf olt, %gather3A_95, %scan3A_87#0 : vector<16xf32>
        %eq3A = arith.cmpf oeq, %gather3A_95, %scan3A_87#0 : vector<16xf32>
        %lt3A_100 = arith.cmpi slt, %gather3A_98, %scan3A_87#3 : vector<16xi32>
        %and3A = arith.andi %eq3A, %lt3A_100 : vector<16xi1>
        %or3A = arith.ori %lt3A_99, %and3A : vector<16xi1>
        %select_n3A = arith.select %or3A, %gather3A_95, %scan3A_87#0 : vector<16xi1>, vector<16xf32>
        %select_n3A_101 = arith.select %or3A, %gather3A_98, %scan3A_87#3 : vector<16xi1>, vector<16xi32>
        %broadcast_in_dim3A_102 = vector.shape_cast %xor3A_10 : vector<16xi32> to vector<16x1xi32>
        %gather3A_103 = vector.shape_cast %broadcast_in_dim3A_102 : vector<16x1xi32> to vector<16xi32>
        %gather3A_104 = tpu.dynamic_gather %select_n3A[%gather3A_103] in [0] : vector<16xf32>, vector<16xi32> -> vector<16xf32>
        %broadcast_in_dim3A_105 = vector.shape_cast %xor3A_10 : vector<16xi32> to vector<16x1xi32>
        %gather3A_106 = vector.shape_cast %broadcast_in_dim3A_105 : vector<16x1xi32> to vector<16xi32>
        %gather3A_107 = tpu.dynamic_gather %select_n3A_101[%gather3A_106] in [0] : vector<16xi32>, vector<16xi32> -> vector<16xi32>
        %lt3A_108 = arith.cmpf olt, %gather3A_104, %select_n3A : vector<16xf32>
        %eq3A_109 = arith.cmpf oeq, %gather3A_104, %select_n3A : vector<16xf32>
        %lt3A_110 = arith.cmpi slt, %gather3A_107, %select_n3A_101 : vector<16xi32>
        %and3A_111 = arith.andi %eq3A_109, %lt3A_110 : vector<16xi1>
        %or3A_112 = arith.ori %lt3A_108, %and3A_111 : vector<16xi1>
        %select_n3A_113 = arith.select %or3A_112, %gather3A_104, %select_n3A : vector<16xi1>, vector<16xf32>
        %select_n3A_114 = arith.select %or3A_112, %gather3A_107, %select_n3A_101 : vector<16xi1>, vector<16xi32>
        %broadcast_in_dim3A_115 = vector.shape_cast %xor3A_13 : vector<16xi32> to vector<16x1xi32>
        %gather3A_116 = vector.shape_cast %broadcast_in_dim3A_115 : vector<16x1xi32> to vector<16xi32>
        %gather3A_117 = tpu.dynamic_gather %select_n3A_113[%gather3A_116] in [0] : vector<16xf32>, vector<16xi32> -> vector<16xf32>
        %broadcast_in_dim3A_118 = vector.shape_cast %xor3A_13 : vector<16xi32> to vector<16x1xi32>
        %gather3A_119 = vector.shape_cast %broadcast_in_dim3A_118 : vector<16x1xi32> to vector<16xi32>
        %gather3A_120 = tpu.dynamic_gather %select_n3A_114[%gather3A_119] in [0] : vector<16xi32>, vector<16xi32> -> vector<16xi32>
        %lt3A_121 = arith.cmpf olt, %gather3A_117, %select_n3A_113 : vector<16xf32>
        %eq3A_122 = arith.cmpf oeq, %gather3A_117, %select_n3A_113 : vector<16xf32>
        %lt3A_123 = arith.cmpi slt, %gather3A_120, %select_n3A_114 : vector<16xi32>
        %and3A_124 = arith.andi %eq3A_122, %lt3A_123 : vector<16xi1>
        %or3A_125 = arith.ori %lt3A_121, %and3A_124 : vector<16xi1>
        %select_n3A_126 = arith.select %or3A_125, %gather3A_117, %select_n3A_113 : vector<16xi1>, vector<16xf32>
        %select_n3A_127 = arith.select %or3A_125, %gather3A_120, %select_n3A_114 : vector<16xi1>, vector<16xi32>
        %broadcast_in_dim3A_128 = vector.shape_cast %xor3A_16 : vector<16xi32> to vector<16x1xi32>
        %gather3A_129 = vector.shape_cast %broadcast_in_dim3A_128 : vector<16x1xi32> to vector<16xi32>
        %gather3A_130 = tpu.dynamic_gather %select_n3A_126[%gather3A_129] in [0] : vector<16xf32>, vector<16xi32> -> vector<16xf32>
        %broadcast_in_dim3A_131 = vector.shape_cast %xor3A_16 : vector<16xi32> to vector<16x1xi32>
        %gather3A_132 = vector.shape_cast %broadcast_in_dim3A_131 : vector<16x1xi32> to vector<16xi32>
        %gather3A_133 = tpu.dynamic_gather %select_n3A_127[%gather3A_132] in [0] : vector<16xi32>, vector<16xi32> -> vector<16xi32>
        %lt3A_134 = arith.cmpf olt, %gather3A_130, %select_n3A_126 : vector<16xf32>
        %eq3A_135 = arith.cmpf oeq, %gather3A_130, %select_n3A_126 : vector<16xf32>
        %lt3A_136 = arith.cmpi slt, %gather3A_133, %select_n3A_127 : vector<16xi32>
        %and3A_137 = arith.andi %eq3A_135, %lt3A_136 : vector<16xi1>
        %or3A_138 = arith.ori %lt3A_134, %and3A_137 : vector<16xi1>
        %select_n3A_139 = arith.select %or3A_138, %gather3A_130, %select_n3A_126 : vector<16xi1>, vector<16xf32>
        %select_n3A_140 = arith.select %or3A_138, %gather3A_133, %select_n3A_127 : vector<16xi1>, vector<16xi32>
        %eq3A_141 = arith.cmpf oeq, %scan3A_87#0, %select_n3A_139 : vector<16xf32>
        %eq3A_142 = arith.cmpi eq, %scan3A_87#3, %select_n3A_140 : vector<16xi32>
        %and3A_143 = arith.andi %eq3A_141, %eq3A_142 : vector<16xi1>
        %select_n3A_144 = arith.select %and3A_143, %scan3A_87#1, %scan3A_87#0 : vector<16xi1>, vector<16xf32>
        %select_n3A_145 = arith.select %and3A_143, %scan3A_87#4, %scan3A_87#3 : vector<16xi1>, vector<16xi32>
        %select_n3A_146 = arith.select %and3A_143, %scan3A_87#2, %scan3A_87#1 : vector<16xi1>, vector<16xf32>
        %select_n3A_147 = arith.select %and3A_143, %scan3A_87#5, %scan3A_87#4 : vector<16xi1>, vector<16xi32>
        %select_n3A_148 = arith.select %and3A_143, %broadcast_in_dim3A_3, %scan3A_87#2 : vector<16xi1>, vector<16xf32>
        %broadcast_in_dim3A_149 = vector.shape_cast %xor3A_7 : vector<16xi32> to vector<16x1xi32>
        %gather3A_150 = vector.shape_cast %broadcast_in_dim3A_149 : vector<16x1xi32> to vector<16xi32>
        %gather3A_151 = tpu.dynamic_gather %select_n3A_144[%gather3A_150] in [0] : vector<16xf32>, vector<16xi32> -> vector<16xf32>
        %broadcast_in_dim3A_152 = vector.shape_cast %xor3A_7 : vector<16xi32> to vector<16x1xi32>
        %gather3A_153 = vector.shape_cast %broadcast_in_dim3A_152 : vector<16x1xi32> to vector<16xi32>
        %gather3A_154 = tpu.dynamic_gather %select_n3A_145[%gather3A_153] in [0] : vector<16xi32>, vector<16xi32> -> vector<16xi32>
        %lt3A_155 = arith.cmpf olt, %gather3A_151, %select_n3A_144 : vector<16xf32>
        %eq3A_156 = arith.cmpf oeq, %gather3A_151, %select_n3A_144 : vector<16xf32>
        %lt3A_157 = arith.cmpi slt, %gather3A_154, %select_n3A_145 : vector<16xi32>
        %and3A_158 = arith.andi %eq3A_156, %lt3A_157 : vector<16xi1>
        %or3A_159 = arith.ori %lt3A_155, %and3A_158 : vector<16xi1>
        %select_n3A_160 = arith.select %or3A_159, %gather3A_151, %select_n3A_144 : vector<16xi1>, vector<16xf32>
        %select_n3A_161 = arith.select %or3A_159, %gather3A_154, %select_n3A_145 : vector<16xi1>, vector<16xi32>
        %broadcast_in_dim3A_162 = vector.shape_cast %xor3A_10 : vector<16xi32> to vector<16x1xi32>
        %gather3A_163 = vector.shape_cast %broadcast_in_dim3A_162 : vector<16x1xi32> to vector<16xi32>
        %gather3A_164 = tpu.dynamic_gather %select_n3A_160[%gather3A_163] in [0] : vector<16xf32>, vector<16xi32> -> vector<16xf32>
        %broadcast_in_dim3A_165 = vector.shape_cast %xor3A_10 : vector<16xi32> to vector<16x1xi32>
        %gather3A_166 = vector.shape_cast %broadcast_in_dim3A_165 : vector<16x1xi32> to vector<16xi32>
        %gather3A_167 = tpu.dynamic_gather %select_n3A_161[%gather3A_166] in [0] : vector<16xi32>, vector<16xi32> -> vector<16xi32>
        %lt3A_168 = arith.cmpf olt, %gather3A_164, %select_n3A_160 : vector<16xf32>
        %eq3A_169 = arith.cmpf oeq, %gather3A_164, %select_n3A_160 : vector<16xf32>
        %lt3A_170 = arith.cmpi slt, %gather3A_167, %select_n3A_161 : vector<16xi32>
        %and3A_171 = arith.andi %eq3A_169, %lt3A_170 : vector<16xi1>
        %or3A_172 = arith.ori %lt3A_168, %and3A_171 : vector<16xi1>
        %select_n3A_173 = arith.select %or3A_172, %gather3A_164, %select_n3A_160 : vector<16xi1>, vector<16xf32>
        %select_n3A_174 = arith.select %or3A_172, %gather3A_167, %select_n3A_161 : vector<16xi1>, vector<16xi32>
        %broadcast_in_dim3A_175 = vector.shape_cast %xor3A_13 : vector<16xi32> to vector<16x1xi32>
        %gather3A_176 = vector.shape_cast %broadcast_in_dim3A_175 : vector<16x1xi32> to vector<16xi32>
        %gather3A_177 = tpu.dynamic_gather %select_n3A_173[%gather3A_176] in [0] : vector<16xf32>, vector<16xi32> -> vector<16xf32>
        %broadcast_in_dim3A_178 = vector.shape_cast %xor3A_13 : vector<16xi32> to vector<16x1xi32>
        %gather3A_179 = vector.shape_cast %broadcast_in_dim3A_178 : vector<16x1xi32> to vector<16xi32>
        %gather3A_180 = tpu.dynamic_gather %select_n3A_174[%gather3A_179] in [0] : vector<16xi32>, vector<16xi32> -> vector<16xi32>
        %lt3A_181 = arith.cmpf olt, %gather3A_177, %select_n3A_173 : vector<16xf32>
        %eq3A_182 = arith.cmpf oeq, %gather3A_177, %select_n3A_173 : vector<16xf32>
        %lt3A_183 = arith.cmpi slt, %gather3A_180, %select_n3A_174 : vector<16xi32>
        %and3A_184 = arith.andi %eq3A_182, %lt3A_183 : vector<16xi1>
        %or3A_185 = arith.ori %lt3A_181, %and3A_184 : vector<16xi1>
        %select_n3A_186 = arith.select %or3A_185, %gather3A_177, %select_n3A_173 : vector<16xi1>, vector<16xf32>
        %select_n3A_187 = arith.select %or3A_185, %gather3A_180, %select_n3A_174 : vector<16xi1>, vector<16xi32>
        %broadcast_in_dim3A_188 = vector.shape_cast %xor3A_16 : vector<16xi32> to vector<16x1xi32>
        %gather3A_189 = vector.shape_cast %broadcast_in_dim3A_188 : vector<16x1xi32> to vector<16xi32>
        %gather3A_190 = tpu.dynamic_gather %select_n3A_186[%gather3A_189] in [0] : vector<16xf32>, vector<16xi32> -> vector<16xf32>
        %broadcast_in_dim3A_191 = vector.shape_cast %xor3A_16 : vector<16xi32> to vector<16x1xi32>
        %gather3A_192 = vector.shape_cast %broadcast_in_dim3A_191 : vector<16x1xi32> to vector<16xi32>
        %gather3A_193 = tpu.dynamic_gather %select_n3A_187[%gather3A_192] in [0] : vector<16xi32>, vector<16xi32> -> vector<16xi32>
        %lt3A_194 = arith.cmpf olt, %gather3A_190, %select_n3A_186 : vector<16xf32>
        %eq3A_195 = arith.cmpf oeq, %gather3A_190, %select_n3A_186 : vector<16xf32>
        %lt3A_196 = arith.cmpi slt, %gather3A_193, %select_n3A_187 : vector<16xi32>
        %and3A_197 = arith.andi %eq3A_195, %lt3A_196 : vector<16xi1>
        %or3A_198 = arith.ori %lt3A_194, %and3A_197 : vector<16xi1>
        %select_n3A_199 = arith.select %or3A_198, %gather3A_190, %select_n3A_186 : vector<16xi1>, vector<16xf32>
        %select_n3A_200 = arith.select %or3A_198, %gather3A_193, %select_n3A_187 : vector<16xi1>, vector<16xi32>
        %eq3A_201 = arith.cmpf oeq, %select_n3A_144, %select_n3A_199 : vector<16xf32>
        %eq3A_202 = arith.cmpi eq, %select_n3A_145, %select_n3A_200 : vector<16xi32>
        %and3A_203 = arith.andi %eq3A_201, %eq3A_202 : vector<16xi1>
        %select_n3A_204 = arith.select %and3A_203, %select_n3A_146, %select_n3A_144 : vector<16xi1>, vector<16xf32>
        %select_n3A_205 = arith.select %and3A_203, %select_n3A_147, %select_n3A_145 : vector<16xi1>, vector<16xi32>
        %select_n3A_206 = arith.select %and3A_203, %select_n3A_148, %select_n3A_146 : vector<16xi1>, vector<16xf32>
        %select_n3A_207 = arith.select %and3A_203, %scan3A_87#5, %select_n3A_147 : vector<16xi1>, vector<16xi32>
        %select_n3A_208 = arith.select %and3A_203, %broadcast_in_dim3A_3, %select_n3A_148 : vector<16xi1>, vector<16xf32>
        %broadcast_in_dim3A_209 = vector.shape_cast %xor3A_7 : vector<16xi32> to vector<16x1xi32>
        %gather3A_210 = vector.shape_cast %broadcast_in_dim3A_209 : vector<16x1xi32> to vector<16xi32>
        %gather3A_211 = tpu.dynamic_gather %select_n3A_204[%gather3A_210] in [0] : vector<16xf32>, vector<16xi32> -> vector<16xf32>
        %broadcast_in_dim3A_212 = vector.shape_cast %xor3A_7 : vector<16xi32> to vector<16x1xi32>
        %gather3A_213 = vector.shape_cast %broadcast_in_dim3A_212 : vector<16x1xi32> to vector<16xi32>
        %gather3A_214 = tpu.dynamic_gather %select_n3A_205[%gather3A_213] in [0] : vector<16xi32>, vector<16xi32> -> vector<16xi32>
        %lt3A_215 = arith.cmpf olt, %gather3A_211, %select_n3A_204 : vector<16xf32>
        %eq3A_216 = arith.cmpf oeq, %gather3A_211, %select_n3A_204 : vector<16xf32>
        %lt3A_217 = arith.cmpi slt, %gather3A_214, %select_n3A_205 : vector<16xi32>
        %and3A_218 = arith.andi %eq3A_216, %lt3A_217 : vector<16xi1>
        %or3A_219 = arith.ori %lt3A_215, %and3A_218 : vector<16xi1>
        %select_n3A_220 = arith.select %or3A_219, %gather3A_211, %select_n3A_204 : vector<16xi1>, vector<16xf32>
        %select_n3A_221 = arith.select %or3A_219, %gather3A_214, %select_n3A_205 : vector<16xi1>, vector<16xi32>
        %broadcast_in_dim3A_222 = vector.shape_cast %xor3A_10 : vector<16xi32> to vector<16x1xi32>
        %gather3A_223 = vector.shape_cast %broadcast_in_dim3A_222 : vector<16x1xi32> to vector<16xi32>
        %gather3A_224 = tpu.dynamic_gather %select_n3A_220[%gather3A_223] in [0] : vector<16xf32>, vector<16xi32> -> vector<16xf32>
        %broadcast_in_dim3A_225 = vector.shape_cast %xor3A_10 : vector<16xi32> to vector<16x1xi32>
        %gather3A_226 = vector.shape_cast %broadcast_in_dim3A_225 : vector<16x1xi32> to vector<16xi32>
        %gather3A_227 = tpu.dynamic_gather %select_n3A_221[%gather3A_226] in [0] : vector<16xi32>, vector<16xi32> -> vector<16xi32>
        %lt3A_228 = arith.cmpf olt, %gather3A_224, %select_n3A_220 : vector<16xf32>
        %eq3A_229 = arith.cmpf oeq, %gather3A_224, %select_n3A_220 : vector<16xf32>
        %lt3A_230 = arith.cmpi slt, %gather3A_227, %select_n3A_221 : vector<16xi32>
        %and3A_231 = arith.andi %eq3A_229, %lt3A_230 : vector<16xi1>
        %or3A_232 = arith.ori %lt3A_228, %and3A_231 : vector<16xi1>
        %select_n3A_233 = arith.select %or3A_232, %gather3A_224, %select_n3A_220 : vector<16xi1>, vector<16xf32>
        %select_n3A_234 = arith.select %or3A_232, %gather3A_227, %select_n3A_221 : vector<16xi1>, vector<16xi32>
        %broadcast_in_dim3A_235 = vector.shape_cast %xor3A_13 : vector<16xi32> to vector<16x1xi32>
        %gather3A_236 = vector.shape_cast %broadcast_in_dim3A_235 : vector<16x1xi32> to vector<16xi32>
        %gather3A_237 = tpu.dynamic_gather %select_n3A_233[%gather3A_236] in [0] : vector<16xf32>, vector<16xi32> -> vector<16xf32>
        %broadcast_in_dim3A_238 = vector.shape_cast %xor3A_13 : vector<16xi32> to vector<16x1xi32>
        %gather3A_239 = vector.shape_cast %broadcast_in_dim3A_238 : vector<16x1xi32> to vector<16xi32>
        %gather3A_240 = tpu.dynamic_gather %select_n3A_234[%gather3A_239] in [0] : vector<16xi32>, vector<16xi32> -> vector<16xi32>
        %lt3A_241 = arith.cmpf olt, %gather3A_237, %select_n3A_233 : vector<16xf32>
        %eq3A_242 = arith.cmpf oeq, %gather3A_237, %select_n3A_233 : vector<16xf32>
        %lt3A_243 = arith.cmpi slt, %gather3A_240, %select_n3A_234 : vector<16xi32>
        %and3A_244 = arith.andi %eq3A_242, %lt3A_243 : vector<16xi1>
        %or3A_245 = arith.ori %lt3A_241, %and3A_244 : vector<16xi1>
        %select_n3A_246 = arith.select %or3A_245, %gather3A_237, %select_n3A_233 : vector<16xi1>, vector<16xf32>
        %select_n3A_247 = arith.select %or3A_245, %gather3A_240, %select_n3A_234 : vector<16xi1>, vector<16xi32>
        %broadcast_in_dim3A_248 = vector.shape_cast %xor3A_16 : vector<16xi32> to vector<16x1xi32>
        %gather3A_249 = vector.shape_cast %broadcast_in_dim3A_248 : vector<16x1xi32> to vector<16xi32>
        %gather3A_250 = tpu.dynamic_gather %select_n3A_246[%gather3A_249] in [0] : vector<16xf32>, vector<16xi32> -> vector<16xf32>
        %broadcast_in_dim3A_251 = vector.shape_cast %xor3A_16 : vector<16xi32> to vector<16x1xi32>
        %gather3A_252 = vector.shape_cast %broadcast_in_dim3A_251 : vector<16x1xi32> to vector<16xi32>
        %gather3A_253 = tpu.dynamic_gather %select_n3A_247[%gather3A_252] in [0] : vector<16xi32>, vector<16xi32> -> vector<16xi32>
        %lt3A_254 = arith.cmpf olt, %gather3A_250, %select_n3A_246 : vector<16xf32>
        %eq3A_255 = arith.cmpf oeq, %gather3A_250, %select_n3A_246 : vector<16xf32>
        %lt3A_256 = arith.cmpi slt, %gather3A_253, %select_n3A_247 : vector<16xi32>
        %and3A_257 = arith.andi %eq3A_255, %lt3A_256 : vector<16xi1>
        %or3A_258 = arith.ori %lt3A_254, %and3A_257 : vector<16xi1>
        %select_n3A_259 = arith.select %or3A_258, %gather3A_250, %select_n3A_246 : vector<16xi1>, vector<16xf32>
        %select_n3A_260 = arith.select %or3A_258, %gather3A_253, %select_n3A_247 : vector<16xi1>, vector<16xi32>
        %eq3A_261 = arith.cmpf oeq, %select_n3A_204, %select_n3A_259 : vector<16xf32>
        %eq3A_262 = arith.cmpi eq, %select_n3A_205, %select_n3A_260 : vector<16xi32>
        %and3A_263 = arith.andi %eq3A_261, %eq3A_262 : vector<16xi1>
        %select_n3A_264 = arith.select %and3A_263, %select_n3A_206, %select_n3A_204 : vector<16xi1>, vector<16xf32>
        %select_n3A_265 = arith.select %and3A_263, %select_n3A_207, %select_n3A_205 : vector<16xi1>, vector<16xi32>
        %select_n3A_266 = arith.select %and3A_263, %select_n3A_208, %select_n3A_206 : vector<16xi1>, vector<16xf32>
        %select_n3A_267 = arith.select %and3A_263, %scan3A_87#5, %select_n3A_207 : vector<16xi1>, vector<16xi32>
        %select_n3A_268 = arith.select %and3A_263, %broadcast_in_dim3A_3, %select_n3A_208 : vector<16xi1>, vector<16xf32>
        %eq3A_269 = arith.constant 0 : i32
        %eq3A_270 = vector.broadcast %eq3A_269 : i32 to vector<16xi32>
        %eq3A_271 = arith.cmpi eq, %iota3A, %eq3A_270 : vector<16xi32>
        %eq3A_272 = arith.constant 1 : i32
        %eq3A_273 = vector.broadcast %eq3A_272 : i32 to vector<16xi32>
        %eq3A_274 = arith.cmpi eq, %iota3A, %eq3A_273 : vector<16xi32>
        %eq3A_275 = arith.constant 2 : i32
        %eq3A_276 = vector.broadcast %eq3A_275 : i32 to vector<16xi32>
        %eq3A_277 = arith.cmpi eq, %iota3A, %eq3A_276 : vector<16xi32>
        %jit3A = arith.constant 0 : i32
        %broadcast_in_dim3A_278 = vector.broadcast %jit3A : i32 to vector<16xi32>
        %select_n3A_279 = arith.select %eq3A_277, %select_n3A_260, %broadcast_in_dim3A_278 : vector<16xi1>, vector<16xi32>
        %select_n3A_280 = arith.select %eq3A_274, %select_n3A_200, %select_n3A_279 : vector<16xi1>, vector<16xi32>
        %select_n3A_281 = arith.select %eq3A_271, %select_n3A_140, %select_n3A_280 : vector<16xi1>, vector<16xi32>
        %gather3A_282 = tpu.vector_load_idx %arg8[%select_n3A_281] : memref<12288xf32, #tpu.memory_space<vmem>>[vector<16xi32>], vector<16xf32>,
        %add3A_283 = arith.constant 4096 : i32
        %add3A_284 = vector.broadcast %add3A_283 : i32 to vector<16xi32>
        %add3A_285 = arith.addi %select_n3A_281, %add3A_284 : vector<16xi32>
        %gather3A_286 = tpu.vector_load_idx %arg8[%add3A_285] : memref<12288xf32, #tpu.memory_space<vmem>>[vector<16xi32>], vector<16xf32>,
        %add3A_287 = arith.constant 8192 : i32
        %add3A_288 = vector.broadcast %add3A_287 : i32 to vector<16xi32>
        %add3A_289 = arith.addi %select_n3A_281, %add3A_288 : vector<16xi32>
        %gather3A_290 = tpu.vector_load_idx %arg8[%add3A_289] : memref<12288xf32, #tpu.memory_space<vmem>>[vector<16xi32>], vector<16xf32>,
        %add3A_291 = vector.broadcast %add3A_93 : i32 to vector<16xi32>
        %add3A_292 = arith.addi %broadcast_in_dim3A_5, %add3A_291 : vector<16xi32>
        %gather3A_293 = tpu.vector_load_idx %arg9[%add3A_292] : memref<768xf32, #tpu.memory_space<vmem>>[vector<16xi32>], vector<16xf32>,
        %add3A_294 = arith.constant 256 : i32
        %add3A_295 = arith.addi %add3A_294, %add3A_93 : i32
        %add3A_296 = vector.broadcast %add3A_295 : i32 to vector<16xi32>
        %add3A_297 = arith.addi %broadcast_in_dim3A_5, %add3A_296 : vector<16xi32>
        %gather3A_298 = tpu.vector_load_idx %arg9[%add3A_297] : memref<768xf32, #tpu.memory_space<vmem>>[vector<16xi32>], vector<16xf32>,
        %add3A_299 = arith.constant 512 : i32
        %add3A_300 = arith.addi %add3A_299, %add3A_93 : i32
        %add3A_301 = vector.broadcast %add3A_300 : i32 to vector<16xi32>
        %add3A_302 = arith.addi %broadcast_in_dim3A_5, %add3A_301 : vector<16xi32>
        %gather3A_303 = tpu.vector_load_idx %arg9[%add3A_302] : memref<768xf32, #tpu.memory_space<vmem>>[vector<16xi32>], vector<16xf32>,
        %sub3A = arith.subf %gather3A_293, %gather3A_282 : vector<16xf32>
        %sub3A_304 = arith.subf %gather3A_298, %gather3A_286 : vector<16xf32>
        %sub3A_305 = arith.subf %gather3A_303, %gather3A_290 : vector<16xf32>
        %mul3A_306 = arith.mulf %sub3A, %sub3A : vector<16xf32>
        %mul3A_307 = arith.mulf %sub3A_304, %sub3A_304 : vector<16xf32>
        %add3A_308 = arith.addf %mul3A_306, %mul3A_307 : vector<16xf32>
        %mul3A_309 = arith.mulf %sub3A_305, %sub3A_305 : vector<16xf32>
        %add3A_310 = arith.addf %add3A_308, %mul3A_309 : vector<16xf32>
        %mul3A_311 = arith.constant 3 : i32
        %mul3A_312 = arith.muli %add3A_93, %mul3A_311 : i32
        %min3A = arith.constant 2 : i32
        %min3A_313 = vector.broadcast %min3A : i32 to vector<16xi32>
        %min3A_314 = arith.minsi %iota3A, %min3A_313 : vector<16xi32>
        %add3A_315 = vector.broadcast %mul3A_312 : i32 to vector<16xi32>
        %add3A_316 = arith.addi %add3A_315, %min3A_314 : vector<16xi32>
        %lt3A_317 = arith.constant 3 : i32
        %lt3A_318 = vector.broadcast %lt3A_317 : i32 to vector<16xi32>
        %lt3A_319 = arith.cmpi slt, %iota3A, %lt3A_318 : vector<16xi32>
        tpu.vector_store_idx %arg10[%add3A_316], %add3A_310 masked %lt3A_319 : memref<768xf32, #tpu.memory_space<vmem>>[vector<16xi32>], vector<16xf32>, vector<16xi1>
        %mul3A_320 = arith.constant 8 : i32
        %mul3A_321 = arith.muli %mul3A_35, %mul3A_320 : i32
        %mul3A_322 = arith.constant 2 : i32
        %mul3A_323 = arith.muli %mul3A_322, %scan3A_75 : i32
        %add3A_324 = arith.addi %mul3A_321, %mul3A_323 : i32
        %add3A_325 = arith.constant 1 : i32
        %add3A_326 = arith.addi %add3A_324, %add3A_325 : i32
        %broadcast_in_dim3A_327 = vector.shape_cast %xor3A_7 : vector<16xi32> to vector<16x1xi32>
        %gather3A_328 = vector.shape_cast %broadcast_in_dim3A_327 : vector<16x1xi32> to vector<16xi32>
        %gather3A_329 = tpu.dynamic_gather %scan3A_87#6[%gather3A_328] in [0] : vector<16xf32>, vector<16xi32> -> vector<16xf32>
        %broadcast_in_dim3A_330 = vector.shape_cast %xor3A_7 : vector<16xi32> to vector<16x1xi32>
        %gather3A_331 = vector.shape_cast %broadcast_in_dim3A_330 : vector<16x1xi32> to vector<16xi32>
        %gather3A_332 = tpu.dynamic_gather %scan3A_87#9[%gather3A_331] in [0] : vector<16xi32>, vector<16xi32> -> vector<16xi32>
        %lt3A_333 = arith.cmpf olt, %gather3A_329, %scan3A_87#6 : vector<16xf32>
        %eq3A_334 = arith.cmpf oeq, %gather3A_329, %scan3A_87#6 : vector<16xf32>
        %lt3A_335 = arith.cmpi slt, %gather3A_332, %scan3A_87#9 : vector<16xi32>
        %and3A_336 = arith.andi %eq3A_334, %lt3A_335 : vector<16xi1>
        %or3A_337 = arith.ori %lt3A_333, %and3A_336 : vector<16xi1>
        %select_n3A_338 = arith.select %or3A_337, %gather3A_329, %scan3A_87#6 : vector<16xi1>, vector<16xf32>
        %select_n3A_339 = arith.select %or3A_337, %gather3A_332, %scan3A_87#9 : vector<16xi1>, vector<16xi32>
        %broadcast_in_dim3A_340 = vector.shape_cast %xor3A_10 : vector<16xi32> to vector<16x1xi32>
        %gather3A_341 = vector.shape_cast %broadcast_in_dim3A_340 : vector<16x1xi32> to vector<16xi32>
        %gather3A_342 = tpu.dynamic_gather %select_n3A_338[%gather3A_341] in [0] : vector<16xf32>, vector<16xi32> -> vector<16xf32>
        %broadcast_in_dim3A_343 = vector.shape_cast %xor3A_10 : vector<16xi32> to vector<16x1xi32>
        %gather3A_344 = vector.shape_cast %broadcast_in_dim3A_343 : vector<16x1xi32> to vector<16xi32>
        %gather3A_345 = tpu.dynamic_gather %select_n3A_339[%gather3A_344] in [0] : vector<16xi32>, vector<16xi32> -> vector<16xi32>
        %lt3A_346 = arith.cmpf olt, %gather3A_342, %select_n3A_338 : vector<16xf32>
        %eq3A_347 = arith.cmpf oeq, %gather3A_342, %select_n3A_338 : vector<16xf32>
        %lt3A_348 = arith.cmpi slt, %gather3A_345, %select_n3A_339 : vector<16xi32>
        %and3A_349 = arith.andi %eq3A_347, %lt3A_348 : vector<16xi1>
        %or3A_350 = arith.ori %lt3A_346, %and3A_349 : vector<16xi1>
        %select_n3A_351 = arith.select %or3A_350, %gather3A_342, %select_n3A_338 : vector<16xi1>, vector<16xf32>
        %select_n3A_352 = arith.select %or3A_350, %gather3A_345, %select_n3A_339 : vector<16xi1>, vector<16xi32>
        %broadcast_in_dim3A_353 = vector.shape_cast %xor3A_13 : vector<16xi32> to vector<16x1xi32>
        %gather3A_354 = vector.shape_cast %broadcast_in_dim3A_353 : vector<16x1xi32> to vector<16xi32>
        %gather3A_355 = tpu.dynamic_gather %select_n3A_351[%gather3A_354] in [0] : vector<16xf32>, vector<16xi32> -> vector<16xf32>
        %broadcast_in_dim3A_356 = vector.shape_cast %xor3A_13 : vector<16xi32> to vector<16x1xi32>
        %gather3A_357 = vector.shape_cast %broadcast_in_dim3A_356 : vector<16x1xi32> to vector<16xi32>
        %gather3A_358 = tpu.dynamic_gather %select_n3A_352[%gather3A_357] in [0] : vector<16xi32>, vector<16xi32> -> vector<16xi32>
        %lt3A_359 = arith.cmpf olt, %gather3A_355, %select_n3A_351 : vector<16xf32>
        %eq3A_360 = arith.cmpf oeq, %gather3A_355, %select_n3A_351 : vector<16xf32>
        %lt3A_361 = arith.cmpi slt, %gather3A_358, %select_n3A_352 : vector<16xi32>
        %and3A_362 = arith.andi %eq3A_360, %lt3A_361 : vector<16xi1>
        %or3A_363 = arith.ori %lt3A_359, %and3A_362 : vector<16xi1>
        %select_n3A_364 = arith.select %or3A_363, %gather3A_355, %select_n3A_351 : vector<16xi1>, vector<16xf32>
        %select_n3A_365 = arith.select %or3A_363, %gather3A_358, %select_n3A_352 : vector<16xi1>, vector<16xi32>
        %broadcast_in_dim3A_366 = vector.shape_cast %xor3A_16 : vector<16xi32> to vector<16x1xi32>
        %gather3A_367 = vector.shape_cast %broadcast_in_dim3A_366 : vector<16x1xi32> to vector<16xi32>
        %gather3A_368 = tpu.dynamic_gather %select_n3A_364[%gather3A_367] in [0] : vector<16xf32>, vector<16xi32> -> vector<16xf32>
        %broadcast_in_dim3A_369 = vector.shape_cast %xor3A_16 : vector<16xi32> to vector<16x1xi32>
        %gather3A_370 = vector.shape_cast %broadcast_in_dim3A_369 : vector<16x1xi32> to vector<16xi32>
        %gather3A_371 = tpu.dynamic_gather %select_n3A_365[%gather3A_370] in [0] : vector<16xi32>, vector<16xi32> -> vector<16xi32>
        %lt3A_372 = arith.cmpf olt, %gather3A_368, %select_n3A_364 : vector<16xf32>
        %eq3A_373 = arith.cmpf oeq, %gather3A_368, %select_n3A_364 : vector<16xf32>
        %lt3A_374 = arith.cmpi slt, %gather3A_371, %select_n3A_365 : vector<16xi32>
        %and3A_375 = arith.andi %eq3A_373, %lt3A_374 : vector<16xi1>
        %or3A_376 = arith.ori %lt3A_372, %and3A_375 : vector<16xi1>
        %select_n3A_377 = arith.select %or3A_376, %gather3A_368, %select_n3A_364 : vector<16xi1>, vector<16xf32>
        %select_n3A_378 = arith.select %or3A_376, %gather3A_371, %select_n3A_365 : vector<16xi1>, vector<16xi32>
        %eq3A_379 = arith.cmpf oeq, %scan3A_87#6, %select_n3A_377 : vector<16xf32>
        %eq3A_380 = arith.cmpi eq, %scan3A_87#9, %select_n3A_378 : vector<16xi32>
        %and3A_381 = arith.andi %eq3A_379, %eq3A_380 : vector<16xi1>
        %select_n3A_382 = arith.select %and3A_381, %scan3A_87#7, %scan3A_87#6 : vector<16xi1>, vector<16xf32>
        %select_n3A_383 = arith.select %and3A_381, %scan3A_87#10, %scan3A_87#9 : vector<16xi1>, vector<16xi32>
        %select_n3A_384 = arith.select %and3A_381, %scan3A_87#8, %scan3A_87#7 : vector<16xi1>, vector<16xf32>
        %select_n3A_385 = arith.select %and3A_381, %scan3A_87#11, %scan3A_87#10 : vector<16xi1>, vector<16xi32>
        %select_n3A_386 = arith.select %and3A_381, %broadcast_in_dim3A_3, %scan3A_87#8 : vector<16xi1>, vector<16xf32>
        %broadcast_in_dim3A_387 = vector.shape_cast %xor3A_7 : vector<16xi32> to vector<16x1xi32>
        %gather3A_388 = vector.shape_cast %broadcast_in_dim3A_387 : vector<16x1xi32> to vector<16xi32>
        %gather3A_389 = tpu.dynamic_gather %select_n3A_382[%gather3A_388] in [0] : vector<16xf32>, vector<16xi32> -> vector<16xf32>
        %broadcast_in_dim3A_390 = vector.shape_cast %xor3A_7 : vector<16xi32> to vector<16x1xi32>
        %gather3A_391 = vector.shape_cast %broadcast_in_dim3A_390 : vector<16x1xi32> to vector<16xi32>
        %gather3A_392 = tpu.dynamic_gather %select_n3A_383[%gather3A_391] in [0] : vector<16xi32>, vector<16xi32> -> vector<16xi32>
        %lt3A_393 = arith.cmpf olt, %gather3A_389, %select_n3A_382 : vector<16xf32>
        %eq3A_394 = arith.cmpf oeq, %gather3A_389, %select_n3A_382 : vector<16xf32>
        %lt3A_395 = arith.cmpi slt, %gather3A_392, %select_n3A_383 : vector<16xi32>
        %and3A_396 = arith.andi %eq3A_394, %lt3A_395 : vector<16xi1>
        %or3A_397 = arith.ori %lt3A_393, %and3A_396 : vector<16xi1>
        %select_n3A_398 = arith.select %or3A_397, %gather3A_389, %select_n3A_382 : vector<16xi1>, vector<16xf32>
        %select_n3A_399 = arith.select %or3A_397, %gather3A_392, %select_n3A_383 : vector<16xi1>, vector<16xi32>
        %broadcast_in_dim3A_400 = vector.shape_cast %xor3A_10 : vector<16xi32> to vector<16x1xi32>
        %gather3A_401 = vector.shape_cast %broadcast_in_dim3A_400 : vector<16x1xi32> to vector<16xi32>
        %gather3A_402 = tpu.dynamic_gather %select_n3A_398[%gather3A_401] in [0] : vector<16xf32>, vector<16xi32> -> vector<16xf32>
        %broadcast_in_dim3A_403 = vector.shape_cast %xor3A_10 : vector<16xi32> to vector<16x1xi32>
        %gather3A_404 = vector.shape_cast %broadcast_in_dim3A_403 : vector<16x1xi32> to vector<16xi32>
        %gather3A_405 = tpu.dynamic_gather %select_n3A_399[%gather3A_404] in [0] : vector<16xi32>, vector<16xi32> -> vector<16xi32>
        %lt3A_406 = arith.cmpf olt, %gather3A_402, %select_n3A_398 : vector<16xf32>
        %eq3A_407 = arith.cmpf oeq, %gather3A_402, %select_n3A_398 : vector<16xf32>
        %lt3A_408 = arith.cmpi slt, %gather3A_405, %select_n3A_399 : vector<16xi32>
        %and3A_409 = arith.andi %eq3A_407, %lt3A_408 : vector<16xi1>
        %or3A_410 = arith.ori %lt3A_406, %and3A_409 : vector<16xi1>
        %select_n3A_411 = arith.select %or3A_410, %gather3A_402, %select_n3A_398 : vector<16xi1>, vector<16xf32>
        %select_n3A_412 = arith.select %or3A_410, %gather3A_405, %select_n3A_399 : vector<16xi1>, vector<16xi32>
        %broadcast_in_dim3A_413 = vector.shape_cast %xor3A_13 : vector<16xi32> to vector<16x1xi32>
        %gather3A_414 = vector.shape_cast %broadcast_in_dim3A_413 : vector<16x1xi32> to vector<16xi32>
        %gather3A_415 = tpu.dynamic_gather %select_n3A_411[%gather3A_414] in [0] : vector<16xf32>, vector<16xi32> -> vector<16xf32>
        %broadcast_in_dim3A_416 = vector.shape_cast %xor3A_13 : vector<16xi32> to vector<16x1xi32>
        %gather3A_417 = vector.shape_cast %broadcast_in_dim3A_416 : vector<16x1xi32> to vector<16xi32>
        %gather3A_418 = tpu.dynamic_gather %select_n3A_412[%gather3A_417] in [0] : vector<16xi32>, vector<16xi32> -> vector<16xi32>
        %lt3A_419 = arith.cmpf olt, %gather3A_415, %select_n3A_411 : vector<16xf32>
        %eq3A_420 = arith.cmpf oeq, %gather3A_415, %select_n3A_411 : vector<16xf32>
        %lt3A_421 = arith.cmpi slt, %gather3A_418, %select_n3A_412 : vector<16xi32>
        %and3A_422 = arith.andi %eq3A_420, %lt3A_421 : vector<16xi1>
        %or3A_423 = arith.ori %lt3A_419, %and3A_422 : vector<16xi1>
        %select_n3A_424 = arith.select %or3A_423, %gather3A_415, %select_n3A_411 : vector<16xi1>, vector<16xf32>
        %select_n3A_425 = arith.select %or3A_423, %gather3A_418, %select_n3A_412 : vector<16xi1>, vector<16xi32>
        %broadcast_in_dim3A_426 = vector.shape_cast %xor3A_16 : vector<16xi32> to vector<16x1xi32>
        %gather3A_427 = vector.shape_cast %broadcast_in_dim3A_426 : vector<16x1xi32> to vector<16xi32>
        %gather3A_428 = tpu.dynamic_gather %select_n3A_424[%gather3A_427] in [0] : vector<16xf32>, vector<16xi32> -> vector<16xf32>
        %broadcast_in_dim3A_429 = vector.shape_cast %xor3A_16 : vector<16xi32> to vector<16x1xi32>
        %gather3A_430 = vector.shape_cast %broadcast_in_dim3A_429 : vector<16x1xi32> to vector<16xi32>
        %gather3A_431 = tpu.dynamic_gather %select_n3A_425[%gather3A_430] in [0] : vector<16xi32>, vector<16xi32> -> vector<16xi32>
        %lt3A_432 = arith.cmpf olt, %gather3A_428, %select_n3A_424 : vector<16xf32>
        %eq3A_433 = arith.cmpf oeq, %gather3A_428, %select_n3A_424 : vector<16xf32>
        %lt3A_434 = arith.cmpi slt, %gather3A_431, %select_n3A_425 : vector<16xi32>
        %and3A_435 = arith.andi %eq3A_433, %lt3A_434 : vector<16xi1>
        %or3A_436 = arith.ori %lt3A_432, %and3A_435 : vector<16xi1>
        %select_n3A_437 = arith.select %or3A_436, %gather3A_428, %select_n3A_424 : vector<16xi1>, vector<16xf32>
        %select_n3A_438 = arith.select %or3A_436, %gather3A_431, %select_n3A_425 : vector<16xi1>, vector<16xi32>
        %eq3A_439 = arith.cmpf oeq, %select_n3A_382, %select_n3A_437 : vector<16xf32>
        %eq3A_440 = arith.cmpi eq, %select_n3A_383, %select_n3A_438 : vector<16xi32>
        %and3A_441 = arith.andi %eq3A_439, %eq3A_440 : vector<16xi1>
        %select_n3A_442 = arith.select %and3A_441, %select_n3A_384, %select_n3A_382 : vector<16xi1>, vector<16xf32>
        %select_n3A_443 = arith.select %and3A_441, %select_n3A_385, %select_n3A_383 : vector<16xi1>, vector<16xi32>
        %select_n3A_444 = arith.select %and3A_441, %select_n3A_386, %select_n3A_384 : vector<16xi1>, vector<16xf32>
        %select_n3A_445 = arith.select %and3A_441, %scan3A_87#11, %select_n3A_385 : vector<16xi1>, vector<16xi32>
        %select_n3A_446 = arith.select %and3A_441, %broadcast_in_dim3A_3, %select_n3A_386 : vector<16xi1>, vector<16xf32>
        %broadcast_in_dim3A_447 = vector.shape_cast %xor3A_7 : vector<16xi32> to vector<16x1xi32>
        %gather3A_448 = vector.shape_cast %broadcast_in_dim3A_447 : vector<16x1xi32> to vector<16xi32>
        %gather3A_449 = tpu.dynamic_gather %select_n3A_442[%gather3A_448] in [0] : vector<16xf32>, vector<16xi32> -> vector<16xf32>
        %broadcast_in_dim3A_450 = vector.shape_cast %xor3A_7 : vector<16xi32> to vector<16x1xi32>
        %gather3A_451 = vector.shape_cast %broadcast_in_dim3A_450 : vector<16x1xi32> to vector<16xi32>
        %gather3A_452 = tpu.dynamic_gather %select_n3A_443[%gather3A_451] in [0] : vector<16xi32>, vector<16xi32> -> vector<16xi32>
        %lt3A_453 = arith.cmpf olt, %gather3A_449, %select_n3A_442 : vector<16xf32>
        %eq3A_454 = arith.cmpf oeq, %gather3A_449, %select_n3A_442 : vector<16xf32>
        %lt3A_455 = arith.cmpi slt, %gather3A_452, %select_n3A_443 : vector<16xi32>
        %and3A_456 = arith.andi %eq3A_454, %lt3A_455 : vector<16xi1>
        %or3A_457 = arith.ori %lt3A_453, %and3A_456 : vector<16xi1>
        %select_n3A_458 = arith.select %or3A_457, %gather3A_449, %select_n3A_442 : vector<16xi1>, vector<16xf32>
        %select_n3A_459 = arith.select %or3A_457, %gather3A_452, %select_n3A_443 : vector<16xi1>, vector<16xi32>
        %broadcast_in_dim3A_460 = vector.shape_cast %xor3A_10 : vector<16xi32> to vector<16x1xi32>
        %gather3A_461 = vector.shape_cast %broadcast_in_dim3A_460 : vector<16x1xi32> to vector<16xi32>
        %gather3A_462 = tpu.dynamic_gather %select_n3A_458[%gather3A_461] in [0] : vector<16xf32>, vector<16xi32> -> vector<16xf32>
        %broadcast_in_dim3A_463 = vector.shape_cast %xor3A_10 : vector<16xi32> to vector<16x1xi32>
        %gather3A_464 = vector.shape_cast %broadcast_in_dim3A_463 : vector<16x1xi32> to vector<16xi32>
        %gather3A_465 = tpu.dynamic_gather %select_n3A_459[%gather3A_464] in [0] : vector<16xi32>, vector<16xi32> -> vector<16xi32>
        %lt3A_466 = arith.cmpf olt, %gather3A_462, %select_n3A_458 : vector<16xf32>
        %eq3A_467 = arith.cmpf oeq, %gather3A_462, %select_n3A_458 : vector<16xf32>
        %lt3A_468 = arith.cmpi slt, %gather3A_465, %select_n3A_459 : vector<16xi32>
        %and3A_469 = arith.andi %eq3A_467, %lt3A_468 : vector<16xi1>
        %or3A_470 = arith.ori %lt3A_466, %and3A_469 : vector<16xi1>
        %select_n3A_471 = arith.select %or3A_470, %gather3A_462, %select_n3A_458 : vector<16xi1>, vector<16xf32>
        %select_n3A_472 = arith.select %or3A_470, %gather3A_465, %select_n3A_459 : vector<16xi1>, vector<16xi32>
        %broadcast_in_dim3A_473 = vector.shape_cast %xor3A_13 : vector<16xi32> to vector<16x1xi32>
        %gather3A_474 = vector.shape_cast %broadcast_in_dim3A_473 : vector<16x1xi32> to vector<16xi32>
        %gather3A_475 = tpu.dynamic_gather %select_n3A_471[%gather3A_474] in [0] : vector<16xf32>, vector<16xi32> -> vector<16xf32>
        %broadcast_in_dim3A_476 = vector.shape_cast %xor3A_13 : vector<16xi32> to vector<16x1xi32>
        %gather3A_477 = vector.shape_cast %broadcast_in_dim3A_476 : vector<16x1xi32> to vector<16xi32>
        %gather3A_478 = tpu.dynamic_gather %select_n3A_472[%gather3A_477] in [0] : vector<16xi32>, vector<16xi32> -> vector<16xi32>
        %lt3A_479 = arith.cmpf olt, %gather3A_475, %select_n3A_471 : vector<16xf32>
        %eq3A_480 = arith.cmpf oeq, %gather3A_475, %select_n3A_471 : vector<16xf32>
        %lt3A_481 = arith.cmpi slt, %gather3A_478, %select_n3A_472 : vector<16xi32>
        %and3A_482 = arith.andi %eq3A_480, %lt3A_481 : vector<16xi1>
        %or3A_483 = arith.ori %lt3A_479, %and3A_482 : vector<16xi1>
        %select_n3A_484 = arith.select %or3A_483, %gather3A_475, %select_n3A_471 : vector<16xi1>, vector<16xf32>
        %select_n3A_485 = arith.select %or3A_483, %gather3A_478, %select_n3A_472 : vector<16xi1>, vector<16xi32>
        %broadcast_in_dim3A_486 = vector.shape_cast %xor3A_16 : vector<16xi32> to vector<16x1xi32>
        %gather3A_487 = vector.shape_cast %broadcast_in_dim3A_486 : vector<16x1xi32> to vector<16xi32>
        %gather3A_488 = tpu.dynamic_gather %select_n3A_484[%gather3A_487] in [0] : vector<16xf32>, vector<16xi32> -> vector<16xf32>
        %broadcast_in_dim3A_489 = vector.shape_cast %xor3A_16 : vector<16xi32> to vector<16x1xi32>
        %gather3A_490 = vector.shape_cast %broadcast_in_dim3A_489 : vector<16x1xi32> to vector<16xi32>
        %gather3A_491 = tpu.dynamic_gather %select_n3A_485[%gather3A_490] in [0] : vector<16xi32>, vector<16xi32> -> vector<16xi32>
        %lt3A_492 = arith.cmpf olt, %gather3A_488, %select_n3A_484 : vector<16xf32>
        %eq3A_493 = arith.cmpf oeq, %gather3A_488, %select_n3A_484 : vector<16xf32>
        %lt3A_494 = arith.cmpi slt, %gather3A_491, %select_n3A_485 : vector<16xi32>
        %and3A_495 = arith.andi %eq3A_493, %lt3A_494 : vector<16xi1>
        %or3A_496 = arith.ori %lt3A_492, %and3A_495 : vector<16xi1>
        %select_n3A_497 = arith.select %or3A_496, %gather3A_488, %select_n3A_484 : vector<16xi1>, vector<16xf32>
        %select_n3A_498 = arith.select %or3A_496, %gather3A_491, %select_n3A_485 : vector<16xi1>, vector<16xi32>
        %eq3A_499 = arith.cmpf oeq, %select_n3A_442, %select_n3A_497 : vector<16xf32>
        %eq3A_500 = arith.cmpi eq, %select_n3A_443, %select_n3A_498 : vector<16xi32>
        %and3A_501 = arith.andi %eq3A_499, %eq3A_500 : vector<16xi1>
        %select_n3A_502 = arith.select %and3A_501, %select_n3A_444, %select_n3A_442 : vector<16xi1>, vector<16xf32>
        %select_n3A_503 = arith.select %and3A_501, %select_n3A_445, %select_n3A_443 : vector<16xi1>, vector<16xi32>
        %select_n3A_504 = arith.select %and3A_501, %select_n3A_446, %select_n3A_444 : vector<16xi1>, vector<16xf32>
        %select_n3A_505 = arith.select %and3A_501, %scan3A_87#11, %select_n3A_445 : vector<16xi1>, vector<16xi32>
        %select_n3A_506 = arith.select %and3A_501, %broadcast_in_dim3A_3, %select_n3A_446 : vector<16xi1>, vector<16xf32>
        %eq3A_507 = arith.constant 0 : i32
        %eq3A_508 = vector.broadcast %eq3A_507 : i32 to vector<16xi32>
        %eq3A_509 = arith.cmpi eq, %iota3A, %eq3A_508 : vector<16xi32>
        %eq3A_510 = arith.constant 1 : i32
        %eq3A_511 = vector.broadcast %eq3A_510 : i32 to vector<16xi32>
        %eq3A_512 = arith.cmpi eq, %iota3A, %eq3A_511 : vector<16xi32>
        %eq3A_513 = arith.constant 2 : i32
        %eq3A_514 = vector.broadcast %eq3A_513 : i32 to vector<16xi32>
        %eq3A_515 = arith.cmpi eq, %iota3A, %eq3A_514 : vector<16xi32>
        %jit3A_516 = arith.constant 0 : i32
        %broadcast_in_dim3A_517 = vector.broadcast %jit3A_516 : i32 to vector<16xi32>
        %select_n3A_518 = arith.select %eq3A_515, %select_n3A_498, %broadcast_in_dim3A_517 : vector<16xi1>, vector<16xi32>
        %select_n3A_519 = arith.select %eq3A_512, %select_n3A_438, %select_n3A_518 : vector<16xi1>, vector<16xi32>
        %select_n3A_520 = arith.select %eq3A_509, %select_n3A_378, %select_n3A_519 : vector<16xi1>, vector<16xi32>
        %gather3A_521 = tpu.vector_load_idx %arg8[%select_n3A_520] : memref<12288xf32, #tpu.memory_space<vmem>>[vector<16xi32>], vector<16xf32>,
        %add3A_522 = arith.constant 4096 : i32
        %add3A_523 = vector.broadcast %add3A_522 : i32 to vector<16xi32>
        %add3A_524 = arith.addi %select_n3A_520, %add3A_523 : vector<16xi32>
        %gather3A_525 = tpu.vector_load_idx %arg8[%add3A_524] : memref<12288xf32, #tpu.memory_space<vmem>>[vector<16xi32>], vector<16xf32>,
        %add3A_526 = arith.constant 8192 : i32
        %add3A_527 = vector.broadcast %add3A_526 : i32 to vector<16xi32>
        %add3A_528 = arith.addi %select_n3A_520, %add3A_527 : vector<16xi32>
        %gather3A_529 = tpu.vector_load_idx %arg8[%add3A_528] : memref<12288xf32, #tpu.memory_space<vmem>>[vector<16xi32>], vector<16xf32>,
        %add3A_530 = vector.broadcast %add3A_326 : i32 to vector<16xi32>
        %add3A_531 = arith.addi %broadcast_in_dim3A_5, %add3A_530 : vector<16xi32>
        %gather3A_532 = tpu.vector_load_idx %arg9[%add3A_531] : memref<768xf32, #tpu.memory_space<vmem>>[vector<16xi32>], vector<16xf32>,
        %add3A_533 = arith.constant 256 : i32
        %add3A_534 = arith.addi %add3A_533, %add3A_326 : i32
        %add3A_535 = vector.broadcast %add3A_534 : i32 to vector<16xi32>
        %add3A_536 = arith.addi %broadcast_in_dim3A_5, %add3A_535 : vector<16xi32>
        %gather3A_537 = tpu.vector_load_idx %arg9[%add3A_536] : memref<768xf32, #tpu.memory_space<vmem>>[vector<16xi32>], vector<16xf32>,
        %add3A_538 = arith.constant 512 : i32
        %add3A_539 = arith.addi %add3A_538, %add3A_326 : i32
        %add3A_540 = vector.broadcast %add3A_539 : i32 to vector<16xi32>
        %add3A_541 = arith.addi %broadcast_in_dim3A_5, %add3A_540 : vector<16xi32>
        %gather3A_542 = tpu.vector_load_idx %arg9[%add3A_541] : memref<768xf32, #tpu.memory_space<vmem>>[vector<16xi32>], vector<16xf32>,
        %sub3A_543 = arith.subf %gather3A_532, %gather3A_521 : vector<16xf32>
        %sub3A_544 = arith.subf %gather3A_537, %gather3A_525 : vector<16xf32>
        %sub3A_545 = arith.subf %gather3A_542, %gather3A_529 : vector<16xf32>
        %mul3A_546 = arith.mulf %sub3A_543, %sub3A_543 : vector<16xf32>
        %mul3A_547 = arith.mulf %sub3A_544, %sub3A_544 : vector<16xf32>
        %add3A_548 = arith.addf %mul3A_546, %mul3A_547 : vector<16xf32>
        %mul3A_549 = arith.mulf %sub3A_545, %sub3A_545 : vector<16xf32>
        %add3A_550 = arith.addf %add3A_548, %mul3A_549 : vector<16xf32>
        %mul3A_551 = arith.constant 3 : i32
        %mul3A_552 = arith.muli %add3A_326, %mul3A_551 : i32
        %min3A_553 = arith.constant 2 : i32
        %min3A_554 = vector.broadcast %min3A_553 : i32 to vector<16xi32>
        %min3A_555 = arith.minsi %iota3A, %min3A_554 : vector<16xi32>
        %add3A_556 = vector.broadcast %mul3A_552 : i32 to vector<16xi32>
        %add3A_557 = arith.addi %add3A_556, %min3A_555 : vector<16xi32>
        %lt3A_558 = arith.constant 3 : i32
        %lt3A_559 = vector.broadcast %lt3A_558 : i32 to vector<16xi32>
        %lt3A_560 = arith.cmpi slt, %iota3A, %lt3A_559 : vector<16xi32>
        tpu.vector_store_idx %arg10[%add3A_557], %add3A_550 masked %lt3A_560 : memref<768xf32, #tpu.memory_space<vmem>>[vector<16xi32>], vector<16xf32>, vector<16xi1>
        %scan3A_561 = arith.constant 0 : i32
        scf.yield %scan3A_561 : i32
      }
      %scan3A_56 = arith.constant 4 : i32
      %dma_wait3A_57 = arith.constant 0 : i32
      %dma_wait3A_58 = arith.constant 0 : i32
      %dma_wait3A_59 = tpu.memref_slice %arg2[%dma_wait3A_57, %dma_wait3A_58] : memref<8192x4096xf32, #tpu.memory_space<hbm>> -> memref<8x4096xf32, #tpu.memory_space<hbm>>
      %dma_wait3A_60 = arith.constant 0 : i32
      %dma_wait3A_61 = arith.constant 0 : i32
      %dma_wait3A_62 = tpu.memref_slice %arg2[%dma_wait3A_60, %dma_wait3A_61] : memref<8192x4096xf32, #tpu.memory_space<hbm>> -> memref<8x4096xf32, #tpu.memory_space<hbm>>
      tpu.wait_dma2 semaphore(%arg12 : memref<!tpu.dma_semaphore, #tpu.memory_space<semaphore_mem>>) src(%dma_wait3A_62 : memref<8x4096xf32, #tpu.memory_space<hbm>>) dst(%arg7 : memref<8x4096xf32, #tpu.memory_space<vmem>>)
      %lt3A = arith.constant 15 : i32
      %lt3A_63 = arith.cmpi slt, %scan3A_32, %lt3A : i32
      %convert_element_type3A = arith.extui %lt3A_63 : i1 to i32
      %cond3A = arith.constant 0 : i32
      %cond3A_64 = arith.cmpi ne, %convert_element_type3A, %cond3A : i32
      scf.if %cond3A_64 {
        %add3A_75 = arith.constant 2 : i32
        %add3A_76 = arith.addi %mul3A_35, %add3A_75 : i32
        %mul3A_77 = arith.constant 8 : i32
        %mul3A_78 = arith.muli %add3A_76, %mul3A_77 : i32
        %add3A_79 = arith.addi %mul3A_2, %mul3A_78 : i32
        %dma_start3A_80 = arith.constant 0 : i32
        %dma_start3A_81 = tpu.memref_slice %arg2[%add3A_79, %dma_start3A_80] : memref<8192x4096xf32, #tpu.memory_space<hbm>> -> memref<8x4096xf32, #tpu.memory_space<hbm>>
        %dma_start3A_82 = arith.constant 0 : i32
        %dma_start3A_83 = tpu.memref_slice %arg2[%add3A_79, %dma_start3A_82] : memref<8192x4096xf32, #tpu.memory_space<hbm>> -> memref<8x4096xf32, #tpu.memory_space<hbm>>
        tpu.enqueue_dma source(%dma_start3A_83 : memref<8x4096xf32, #tpu.memory_space<hbm>>) target(%arg6 : memref<8x4096xf32, #tpu.memory_space<vmem>>) target_semaphore(%arg11 : memref<!tpu.dma_semaphore, #tpu.memory_space<semaphore_mem>>)
      } else {
      }
      %add3A_65 = arith.constant 1 : i32
      %add3A_66 = arith.addi %mul3A_35, %add3A_65 : i32
      %scan3A_67 = arith.constant 0 : i32
      %scan3A_68 = arith.constant 0 : i32
      %scan3A_69 = arith.constant 4 : i32
      %scan3A_70 = arith.addi %scan3A_68, %scan3A_69 : i32
      %scan3A_71 = arith.constant 1 : i32
      %scan3A_72 = scf.for %scan3A_75 = %scan3A_68 to %scan3A_70 step %scan3A_71 iter_args(%scan3A_76 = %scan3A_67) -> (i32)  : i32 {
        %mul3A_77 = arith.constant 2 : i32
        %mul3A_78 = arith.muli %mul3A_77, %scan3A_75 : i32
        %mul3A_79 = arith.constant 2 : i32
        %mul3A_80 = arith.muli %mul3A_79, %scan3A_75 : i32
        %add3A_81 = arith.constant 1 : i32
        %add3A_82 = arith.addi %mul3A_80, %add3A_81 : i32
        %scan3A_83 = arith.constant 0 : i32
        %scan3A_84 = arith.constant 256 : i32
        %scan3A_85 = arith.addi %scan3A_83, %scan3A_84 : i32
        %scan3A_86 = arith.constant 4 : i32
        %scan3A_87:12 = scf.for %scan3A_562 = %scan3A_83 to %scan3A_85 step %scan3A_86 iter_args(%scan3A_563 = %broadcast_in_dim3A_3, %scan3A_564 = %broadcast_in_dim3A_3, %scan3A_565 = %broadcast_in_dim3A_3, %scan3A_566 = %broadcast_in_dim3A_5, %scan3A_567 = %broadcast_in_dim3A_5, %scan3A_568 = %broadcast_in_dim3A_5, %scan3A_569 = %broadcast_in_dim3A_3, %scan3A_570 = %broadcast_in_dim3A_3, %scan3A_571 = %broadcast_in_dim3A_3, %scan3A_572 = %broadcast_in_dim3A_5, %scan3A_573 = %broadcast_in_dim3A_5, %scan3A_574 = %broadcast_in_dim3A_5) -> (vector<16xf32>, vector<16xf32>, vector<16xf32>, vector<16xi32>, vector<16xi32>, vector<16xi32>, vector<16xf32>, vector<16xf32>, vector<16xf32>, vector<16xi32>, vector<16xi32>, vector<16xi32>)  : i32 {
          %mul3A_575 = arith.constant 16 : i32
          %mul3A_576 = arith.muli %scan3A_562, %mul3A_575 : i32
          %get3A = arith.index_cast %mul3A_78 : i32 to index
          %get3A_577 = arith.index_cast %mul3A_576 : i32 to index
          %get3A_578 = tpu.vector_load %arg7[%get3A, %get3A_577] {strides = array<i32>} : memref<8x4096xf32, #tpu.memory_space<vmem>>, vector<16xf32>,
          %mul3A_579 = arith.constant 16 : i32
          %mul3A_580 = arith.muli %scan3A_562, %mul3A_579 : i32
          %get3A_581 = arith.index_cast %add3A_82 : i32 to index
          %get3A_582 = arith.index_cast %mul3A_580 : i32 to index
          %get3A_583 = tpu.vector_load %arg7[%get3A_581, %get3A_582] {strides = array<i32>} : memref<8x4096xf32, #tpu.memory_space<vmem>>, vector<16xf32>,
          %mul3A_584 = arith.constant 16 : i32
          %mul3A_585 = arith.muli %scan3A_562, %mul3A_584 : i32
          %add3A_586 = vector.broadcast %mul3A_585 : i32 to vector<16xi32>
          %add3A_587 = arith.addi %iota3A, %add3A_586 : vector<16xi32>
          %lt3A_588 = arith.cmpf olt, %get3A_578, %scan3A_563 : vector<16xf32>
          %lt3A_589 = arith.cmpf olt, %get3A_578, %scan3A_564 : vector<16xf32>
          %lt3A_590 = arith.cmpf olt, %get3A_578, %scan3A_565 : vector<16xf32>
          %select_n3A_591 = arith.select %lt3A_589, %scan3A_564, %get3A_578 : vector<16xi1>, vector<16xf32>
          %select_n3A_592 = arith.select %lt3A_590, %select_n3A_591, %scan3A_565 : vector<16xi1>, vector<16xf32>
          %select_n3A_593 = arith.select %lt3A_589, %scan3A_567, %add3A_587 : vector<16xi1>, vector<16xi32>
          %select_n3A_594 = arith.select %lt3A_590, %select_n3A_593, %scan3A_568 : vector<16xi1>, vector<16xi32>
          %select_n3A_595 = arith.select %lt3A_588, %scan3A_563, %get3A_578 : vector<16xi1>, vector<16xf32>
          %select_n3A_596 = arith.select %lt3A_589, %select_n3A_595, %scan3A_564 : vector<16xi1>, vector<16xf32>
          %select_n3A_597 = arith.select %lt3A_588, %scan3A_566, %add3A_587 : vector<16xi1>, vector<16xi32>
          %select_n3A_598 = arith.select %lt3A_589, %select_n3A_597, %scan3A_567 : vector<16xi1>, vector<16xi32>
          %select_n3A_599 = arith.select %lt3A_588, %get3A_578, %scan3A_563 : vector<16xi1>, vector<16xf32>
          %select_n3A_600 = arith.select %lt3A_588, %add3A_587, %scan3A_566 : vector<16xi1>, vector<16xi32>
          %lt3A_601 = arith.cmpf olt, %get3A_583, %scan3A_569 : vector<16xf32>
          %lt3A_602 = arith.cmpf olt, %get3A_583, %scan3A_570 : vector<16xf32>
          %lt3A_603 = arith.cmpf olt, %get3A_583, %scan3A_571 : vector<16xf32>
          %select_n3A_604 = arith.select %lt3A_602, %scan3A_570, %get3A_583 : vector<16xi1>, vector<16xf32>
          %select_n3A_605 = arith.select %lt3A_603, %select_n3A_604, %scan3A_571 : vector<16xi1>, vector<16xf32>
          %select_n3A_606 = arith.select %lt3A_602, %scan3A_573, %add3A_587 : vector<16xi1>, vector<16xi32>
          %select_n3A_607 = arith.select %lt3A_603, %select_n3A_606, %scan3A_574 : vector<16xi1>, vector<16xi32>
          %select_n3A_608 = arith.select %lt3A_601, %scan3A_569, %get3A_583 : vector<16xi1>, vector<16xf32>
          %select_n3A_609 = arith.select %lt3A_602, %select_n3A_608, %scan3A_570 : vector<16xi1>, vector<16xf32>
          %select_n3A_610 = arith.select %lt3A_601, %scan3A_572, %add3A_587 : vector<16xi1>, vector<16xi32>
          %select_n3A_611 = arith.select %lt3A_602, %select_n3A_610, %scan3A_573 : vector<16xi1>, vector<16xi32>
          %select_n3A_612 = arith.select %lt3A_601, %get3A_583, %scan3A_569 : vector<16xi1>, vector<16xf32>
          %select_n3A_613 = arith.select %lt3A_601, %add3A_587, %scan3A_572 : vector<16xi1>, vector<16xi32>
          %scan3A_614 = arith.constant 1 : i32
          %scan3A_615 = arith.addi %scan3A_562, %scan3A_614 : i32
          %mul3A_616 = arith.constant 16 : i32
          %mul3A_617 = arith.muli %scan3A_615, %mul3A_616 : i32
          %get3A_618 = arith.index_cast %mul3A_78 : i32 to index
          %get3A_619 = arith.index_cast %mul3A_617 : i32 to index
          %get3A_620 = tpu.vector_load %arg7[%get3A_618, %get3A_619] {strides = array<i32>} : memref<8x4096xf32, #tpu.memory_space<vmem>>, vector<16xf32>,
          %mul3A_621 = arith.constant 16 : i32
          %mul3A_622 = arith.muli %scan3A_615, %mul3A_621 : i32
          %get3A_623 = arith.index_cast %add3A_82 : i32 to index
          %get3A_624 = arith.index_cast %mul3A_622 : i32 to index
          %get3A_625 = tpu.vector_load %arg7[%get3A_623, %get3A_624] {strides = array<i32>} : memref<8x4096xf32, #tpu.memory_space<vmem>>, vector<16xf32>,
          %mul3A_626 = arith.constant 16 : i32
          %mul3A_627 = arith.muli %scan3A_615, %mul3A_626 : i32
          %add3A_628 = vector.broadcast %mul3A_627 : i32 to vector<16xi32>
          %add3A_629 = arith.addi %iota3A, %add3A_628 : vector<16xi32>
          %lt3A_630 = arith.cmpf olt, %get3A_620, %select_n3A_599 : vector<16xf32>
          %lt3A_631 = arith.cmpf olt, %get3A_620, %select_n3A_596 : vector<16xf32>
          %lt3A_632 = arith.cmpf olt, %get3A_620, %select_n3A_592 : vector<16xf32>
          %select_n3A_633 = arith.select %lt3A_631, %select_n3A_596, %get3A_620 : vector<16xi1>, vector<16xf32>
          %select_n3A_634 = arith.select %lt3A_632, %select_n3A_633, %select_n3A_592 : vector<16xi1>, vector<16xf32>
          %select_n3A_635 = arith.select %lt3A_631, %select_n3A_598, %add3A_629 : vector<16xi1>, vector<16xi32>
          %select_n3A_636 = arith.select %lt3A_632, %select_n3A_635, %select_n3A_594 : vector<16xi1>, vector<16xi32>
          %select_n3A_637 = arith.select %lt3A_630, %select_n3A_599, %get3A_620 : vector<16xi1>, vector<16xf32>
          %select_n3A_638 = arith.select %lt3A_631, %select_n3A_637, %select_n3A_596 : vector<16xi1>, vector<16xf32>
          %select_n3A_639 = arith.select %lt3A_630, %select_n3A_600, %add3A_629 : vector<16xi1>, vector<16xi32>
          %select_n3A_640 = arith.select %lt3A_631, %select_n3A_639, %select_n3A_598 : vector<16xi1>, vector<16xi32>
          %select_n3A_641 = arith.select %lt3A_630, %get3A_620, %select_n3A_599 : vector<16xi1>, vector<16xf32>
          %select_n3A_642 = arith.select %lt3A_630, %add3A_629, %select_n3A_600 : vector<16xi1>, vector<16xi32>
          %lt3A_643 = arith.cmpf olt, %get3A_625, %select_n3A_612 : vector<16xf32>
          %lt3A_644 = arith.cmpf olt, %get3A_625, %select_n3A_609 : vector<16xf32>
          %lt3A_645 = arith.cmpf olt, %get3A_625, %select_n3A_605 : vector<16xf32>
          %select_n3A_646 = arith.select %lt3A_644, %select_n3A_609, %get3A_625 : vector<16xi1>, vector<16xf32>
          %select_n3A_647 = arith.select %lt3A_645, %select_n3A_646, %select_n3A_605 : vector<16xi1>, vector<16xf32>
          %select_n3A_648 = arith.select %lt3A_644, %select_n3A_611, %add3A_629 : vector<16xi1>, vector<16xi32>
          %select_n3A_649 = arith.select %lt3A_645, %select_n3A_648, %select_n3A_607 : vector<16xi1>, vector<16xi32>
          %select_n3A_650 = arith.select %lt3A_643, %select_n3A_612, %get3A_625 : vector<16xi1>, vector<16xf32>
          %select_n3A_651 = arith.select %lt3A_644, %select_n3A_650, %select_n3A_609 : vector<16xi1>, vector<16xf32>
          %select_n3A_652 = arith.select %lt3A_643, %select_n3A_613, %add3A_629 : vector<16xi1>, vector<16xi32>
          %select_n3A_653 = arith.select %lt3A_644, %select_n3A_652, %select_n3A_611 : vector<16xi1>, vector<16xi32>
          %select_n3A_654 = arith.select %lt3A_643, %get3A_625, %select_n3A_612 : vector<16xi1>, vector<16xf32>
          %select_n3A_655 = arith.select %lt3A_643, %add3A_629, %select_n3A_613 : vector<16xi1>, vector<16xi32>
          %scan3A_656 = arith.constant 2 : i32
          %scan3A_657 = arith.addi %scan3A_562, %scan3A_656 : i32
          %mul3A_658 = arith.constant 16 : i32
          %mul3A_659 = arith.muli %scan3A_657, %mul3A_658 : i32
          %get3A_660 = arith.index_cast %mul3A_78 : i32 to index
          %get3A_661 = arith.index_cast %mul3A_659 : i32 to index
          %get3A_662 = tpu.vector_load %arg7[%get3A_660, %get3A_661] {strides = array<i32>} : memref<8x4096xf32, #tpu.memory_space<vmem>>, vector<16xf32>,
          %mul3A_663 = arith.constant 16 : i32
          %mul3A_664 = arith.muli %scan3A_657, %mul3A_663 : i32
          %get3A_665 = arith.index_cast %add3A_82 : i32 to index
          %get3A_666 = arith.index_cast %mul3A_664 : i32 to index
          %get3A_667 = tpu.vector_load %arg7[%get3A_665, %get3A_666] {strides = array<i32>} : memref<8x4096xf32, #tpu.memory_space<vmem>>, vector<16xf32>,
          %mul3A_668 = arith.constant 16 : i32
          %mul3A_669 = arith.muli %scan3A_657, %mul3A_668 : i32
          %add3A_670 = vector.broadcast %mul3A_669 : i32 to vector<16xi32>
          %add3A_671 = arith.addi %iota3A, %add3A_670 : vector<16xi32>
          %lt3A_672 = arith.cmpf olt, %get3A_662, %select_n3A_641 : vector<16xf32>
          %lt3A_673 = arith.cmpf olt, %get3A_662, %select_n3A_638 : vector<16xf32>
          %lt3A_674 = arith.cmpf olt, %get3A_662, %select_n3A_634 : vector<16xf32>
          %select_n3A_675 = arith.select %lt3A_673, %select_n3A_638, %get3A_662 : vector<16xi1>, vector<16xf32>
          %select_n3A_676 = arith.select %lt3A_674, %select_n3A_675, %select_n3A_634 : vector<16xi1>, vector<16xf32>
          %select_n3A_677 = arith.select %lt3A_673, %select_n3A_640, %add3A_671 : vector<16xi1>, vector<16xi32>
          %select_n3A_678 = arith.select %lt3A_674, %select_n3A_677, %select_n3A_636 : vector<16xi1>, vector<16xi32>
          %select_n3A_679 = arith.select %lt3A_672, %select_n3A_641, %get3A_662 : vector<16xi1>, vector<16xf32>
          %select_n3A_680 = arith.select %lt3A_673, %select_n3A_679, %select_n3A_638 : vector<16xi1>, vector<16xf32>
          %select_n3A_681 = arith.select %lt3A_672, %select_n3A_642, %add3A_671 : vector<16xi1>, vector<16xi32>
          %select_n3A_682 = arith.select %lt3A_673, %select_n3A_681, %select_n3A_640 : vector<16xi1>, vector<16xi32>
          %select_n3A_683 = arith.select %lt3A_672, %get3A_662, %select_n3A_641 : vector<16xi1>, vector<16xf32>
          %select_n3A_684 = arith.select %lt3A_672, %add3A_671, %select_n3A_642 : vector<16xi1>, vector<16xi32>
          %lt3A_685 = arith.cmpf olt, %get3A_667, %select_n3A_654 : vector<16xf32>
          %lt3A_686 = arith.cmpf olt, %get3A_667, %select_n3A_651 : vector<16xf32>
          %lt3A_687 = arith.cmpf olt, %get3A_667, %select_n3A_647 : vector<16xf32>
          %select_n3A_688 = arith.select %lt3A_686, %select_n3A_651, %get3A_667 : vector<16xi1>, vector<16xf32>
          %select_n3A_689 = arith.select %lt3A_687, %select_n3A_688, %select_n3A_647 : vector<16xi1>, vector<16xf32>
          %select_n3A_690 = arith.select %lt3A_686, %select_n3A_653, %add3A_671 : vector<16xi1>, vector<16xi32>
          %select_n3A_691 = arith.select %lt3A_687, %select_n3A_690, %select_n3A_649 : vector<16xi1>, vector<16xi32>
          %select_n3A_692 = arith.select %lt3A_685, %select_n3A_654, %get3A_667 : vector<16xi1>, vector<16xf32>
          %select_n3A_693 = arith.select %lt3A_686, %select_n3A_692, %select_n3A_651 : vector<16xi1>, vector<16xf32>
          %select_n3A_694 = arith.select %lt3A_685, %select_n3A_655, %add3A_671 : vector<16xi1>, vector<16xi32>
          %select_n3A_695 = arith.select %lt3A_686, %select_n3A_694, %select_n3A_653 : vector<16xi1>, vector<16xi32>
          %select_n3A_696 = arith.select %lt3A_685, %get3A_667, %select_n3A_654 : vector<16xi1>, vector<16xf32>
          %select_n3A_697 = arith.select %lt3A_685, %add3A_671, %select_n3A_655 : vector<16xi1>, vector<16xi32>
          %scan3A_698 = arith.constant 3 : i32
          %scan3A_699 = arith.addi %scan3A_562, %scan3A_698 : i32
          %mul3A_700 = arith.constant 16 : i32
          %mul3A_701 = arith.muli %scan3A_699, %mul3A_700 : i32
          %get3A_702 = arith.index_cast %mul3A_78 : i32 to index
          %get3A_703 = arith.index_cast %mul3A_701 : i32 to index
          %get3A_704 = tpu.vector_load %arg7[%get3A_702, %get3A_703] {strides = array<i32>} : memref<8x4096xf32, #tpu.memory_space<vmem>>, vector<16xf32>,
          %mul3A_705 = arith.constant 16 : i32
          %mul3A_706 = arith.muli %scan3A_699, %mul3A_705 : i32
          %get3A_707 = arith.index_cast %add3A_82 : i32 to index
          %get3A_708 = arith.index_cast %mul3A_706 : i32 to index
          %get3A_709 = tpu.vector_load %arg7[%get3A_707, %get3A_708] {strides = array<i32>} : memref<8x4096xf32, #tpu.memory_space<vmem>>, vector<16xf32>,
          %mul3A_710 = arith.constant 16 : i32
          %mul3A_711 = arith.muli %scan3A_699, %mul3A_710 : i32
          %add3A_712 = vector.broadcast %mul3A_711 : i32 to vector<16xi32>
          %add3A_713 = arith.addi %iota3A, %add3A_712 : vector<16xi32>
          %lt3A_714 = arith.cmpf olt, %get3A_704, %select_n3A_683 : vector<16xf32>
          %lt3A_715 = arith.cmpf olt, %get3A_704, %select_n3A_680 : vector<16xf32>
          %lt3A_716 = arith.cmpf olt, %get3A_704, %select_n3A_676 : vector<16xf32>
          %select_n3A_717 = arith.select %lt3A_715, %select_n3A_680, %get3A_704 : vector<16xi1>, vector<16xf32>
          %select_n3A_718 = arith.select %lt3A_716, %select_n3A_717, %select_n3A_676 : vector<16xi1>, vector<16xf32>
          %select_n3A_719 = arith.select %lt3A_715, %select_n3A_682, %add3A_713 : vector<16xi1>, vector<16xi32>
          %select_n3A_720 = arith.select %lt3A_716, %select_n3A_719, %select_n3A_678 : vector<16xi1>, vector<16xi32>
          %select_n3A_721 = arith.select %lt3A_714, %select_n3A_683, %get3A_704 : vector<16xi1>, vector<16xf32>
          %select_n3A_722 = arith.select %lt3A_715, %select_n3A_721, %select_n3A_680 : vector<16xi1>, vector<16xf32>
          %select_n3A_723 = arith.select %lt3A_714, %select_n3A_684, %add3A_713 : vector<16xi1>, vector<16xi32>
          %select_n3A_724 = arith.select %lt3A_715, %select_n3A_723, %select_n3A_682 : vector<16xi1>, vector<16xi32>
          %select_n3A_725 = arith.select %lt3A_714, %get3A_704, %select_n3A_683 : vector<16xi1>, vector<16xf32>
          %select_n3A_726 = arith.select %lt3A_714, %add3A_713, %select_n3A_684 : vector<16xi1>, vector<16xi32>
          %lt3A_727 = arith.cmpf olt, %get3A_709, %select_n3A_696 : vector<16xf32>
          %lt3A_728 = arith.cmpf olt, %get3A_709, %select_n3A_693 : vector<16xf32>
          %lt3A_729 = arith.cmpf olt, %get3A_709, %select_n3A_689 : vector<16xf32>
          %select_n3A_730 = arith.select %lt3A_728, %select_n3A_693, %get3A_709 : vector<16xi1>, vector<16xf32>
          %select_n3A_731 = arith.select %lt3A_729, %select_n3A_730, %select_n3A_689 : vector<16xi1>, vector<16xf32>
          %select_n3A_732 = arith.select %lt3A_728, %select_n3A_695, %add3A_713 : vector<16xi1>, vector<16xi32>
          %select_n3A_733 = arith.select %lt3A_729, %select_n3A_732, %select_n3A_691 : vector<16xi1>, vector<16xi32>
          %select_n3A_734 = arith.select %lt3A_727, %select_n3A_696, %get3A_709 : vector<16xi1>, vector<16xf32>
          %select_n3A_735 = arith.select %lt3A_728, %select_n3A_734, %select_n3A_693 : vector<16xi1>, vector<16xf32>
          %select_n3A_736 = arith.select %lt3A_727, %select_n3A_697, %add3A_713 : vector<16xi1>, vector<16xi32>
          %select_n3A_737 = arith.select %lt3A_728, %select_n3A_736, %select_n3A_695 : vector<16xi1>, vector<16xi32>
          %select_n3A_738 = arith.select %lt3A_727, %get3A_709, %select_n3A_696 : vector<16xi1>, vector<16xf32>
          %select_n3A_739 = arith.select %lt3A_727, %add3A_713, %select_n3A_697 : vector<16xi1>, vector<16xi32>
          scf.yield %select_n3A_725, %select_n3A_722, %select_n3A_718, %select_n3A_726, %select_n3A_724, %select_n3A_720, %select_n3A_738, %select_n3A_735, %select_n3A_731, %select_n3A_739, %select_n3A_737, %select_n3A_733 : vector<16xf32>, vector<16xf32>, vector<16xf32>, vector<16xi32>, vector<16xi32>, vector<16xi32>, vector<16xf32>, vector<16xf32>, vector<16xf32>, vector<16xi32>, vector<16xi32>, vector<16xi32>
        }
        %scan3A_88 = arith.constant 256 : i32
        %mul3A_89 = arith.constant 8 : i32
        %mul3A_90 = arith.muli %add3A_66, %mul3A_89 : i32
        %mul3A_91 = arith.constant 2 : i32
        %mul3A_92 = arith.muli %mul3A_91, %scan3A_75 : i32
        %add3A_93 = arith.addi %mul3A_90, %mul3A_92 : i32
        %broadcast_in_dim3A_94 = vector.shape_cast %xor3A_7 : vector<16xi32> to vector<16x1xi32>
        %gather3A = vector.shape_cast %broadcast_in_dim3A_94 : vector<16x1xi32> to vector<16xi32>
        %gather3A_95 = tpu.dynamic_gather %scan3A_87#0[%gather3A] in [0] : vector<16xf32>, vector<16xi32> -> vector<16xf32>
        %broadcast_in_dim3A_96 = vector.shape_cast %xor3A_7 : vector<16xi32> to vector<16x1xi32>
        %gather3A_97 = vector.shape_cast %broadcast_in_dim3A_96 : vector<16x1xi32> to vector<16xi32>
        %gather3A_98 = tpu.dynamic_gather %scan3A_87#3[%gather3A_97] in [0] : vector<16xi32>, vector<16xi32> -> vector<16xi32>
        %lt3A_99 = arith.cmpf olt, %gather3A_95, %scan3A_87#0 : vector<16xf32>
        %eq3A = arith.cmpf oeq, %gather3A_95, %scan3A_87#0 : vector<16xf32>
        %lt3A_100 = arith.cmpi slt, %gather3A_98, %scan3A_87#3 : vector<16xi32>
        %and3A = arith.andi %eq3A, %lt3A_100 : vector<16xi1>
        %or3A = arith.ori %lt3A_99, %and3A : vector<16xi1>
        %select_n3A = arith.select %or3A, %gather3A_95, %scan3A_87#0 : vector<16xi1>, vector<16xf32>
        %select_n3A_101 = arith.select %or3A, %gather3A_98, %scan3A_87#3 : vector<16xi1>, vector<16xi32>
        %broadcast_in_dim3A_102 = vector.shape_cast %xor3A_10 : vector<16xi32> to vector<16x1xi32>
        %gather3A_103 = vector.shape_cast %broadcast_in_dim3A_102 : vector<16x1xi32> to vector<16xi32>
        %gather3A_104 = tpu.dynamic_gather %select_n3A[%gather3A_103] in [0] : vector<16xf32>, vector<16xi32> -> vector<16xf32>
        %broadcast_in_dim3A_105 = vector.shape_cast %xor3A_10 : vector<16xi32> to vector<16x1xi32>
        %gather3A_106 = vector.shape_cast %broadcast_in_dim3A_105 : vector<16x1xi32> to vector<16xi32>
        %gather3A_107 = tpu.dynamic_gather %select_n3A_101[%gather3A_106] in [0] : vector<16xi32>, vector<16xi32> -> vector<16xi32>
        %lt3A_108 = arith.cmpf olt, %gather3A_104, %select_n3A : vector<16xf32>
        %eq3A_109 = arith.cmpf oeq, %gather3A_104, %select_n3A : vector<16xf32>
        %lt3A_110 = arith.cmpi slt, %gather3A_107, %select_n3A_101 : vector<16xi32>
        %and3A_111 = arith.andi %eq3A_109, %lt3A_110 : vector<16xi1>
        %or3A_112 = arith.ori %lt3A_108, %and3A_111 : vector<16xi1>
        %select_n3A_113 = arith.select %or3A_112, %gather3A_104, %select_n3A : vector<16xi1>, vector<16xf32>
        %select_n3A_114 = arith.select %or3A_112, %gather3A_107, %select_n3A_101 : vector<16xi1>, vector<16xi32>
        %broadcast_in_dim3A_115 = vector.shape_cast %xor3A_13 : vector<16xi32> to vector<16x1xi32>
        %gather3A_116 = vector.shape_cast %broadcast_in_dim3A_115 : vector<16x1xi32> to vector<16xi32>
        %gather3A_117 = tpu.dynamic_gather %select_n3A_113[%gather3A_116] in [0] : vector<16xf32>, vector<16xi32> -> vector<16xf32>
        %broadcast_in_dim3A_118 = vector.shape_cast %xor3A_13 : vector<16xi32> to vector<16x1xi32>
        %gather3A_119 = vector.shape_cast %broadcast_in_dim3A_118 : vector<16x1xi32> to vector<16xi32>
        %gather3A_120 = tpu.dynamic_gather %select_n3A_114[%gather3A_119] in [0] : vector<16xi32>, vector<16xi32> -> vector<16xi32>
        %lt3A_121 = arith.cmpf olt, %gather3A_117, %select_n3A_113 : vector<16xf32>
        %eq3A_122 = arith.cmpf oeq, %gather3A_117, %select_n3A_113 : vector<16xf32>
        %lt3A_123 = arith.cmpi slt, %gather3A_120, %select_n3A_114 : vector<16xi32>
        %and3A_124 = arith.andi %eq3A_122, %lt3A_123 : vector<16xi1>
        %or3A_125 = arith.ori %lt3A_121, %and3A_124 : vector<16xi1>
        %select_n3A_126 = arith.select %or3A_125, %gather3A_117, %select_n3A_113 : vector<16xi1>, vector<16xf32>
        %select_n3A_127 = arith.select %or3A_125, %gather3A_120, %select_n3A_114 : vector<16xi1>, vector<16xi32>
        %broadcast_in_dim3A_128 = vector.shape_cast %xor3A_16 : vector<16xi32> to vector<16x1xi32>
        %gather3A_129 = vector.shape_cast %broadcast_in_dim3A_128 : vector<16x1xi32> to vector<16xi32>
        %gather3A_130 = tpu.dynamic_gather %select_n3A_126[%gather3A_129] in [0] : vector<16xf32>, vector<16xi32> -> vector<16xf32>
        %broadcast_in_dim3A_131 = vector.shape_cast %xor3A_16 : vector<16xi32> to vector<16x1xi32>
        %gather3A_132 = vector.shape_cast %broadcast_in_dim3A_131 : vector<16x1xi32> to vector<16xi32>
        %gather3A_133 = tpu.dynamic_gather %select_n3A_127[%gather3A_132] in [0] : vector<16xi32>, vector<16xi32> -> vector<16xi32>
        %lt3A_134 = arith.cmpf olt, %gather3A_130, %select_n3A_126 : vector<16xf32>
        %eq3A_135 = arith.cmpf oeq, %gather3A_130, %select_n3A_126 : vector<16xf32>
        %lt3A_136 = arith.cmpi slt, %gather3A_133, %select_n3A_127 : vector<16xi32>
        %and3A_137 = arith.andi %eq3A_135, %lt3A_136 : vector<16xi1>
        %or3A_138 = arith.ori %lt3A_134, %and3A_137 : vector<16xi1>
        %select_n3A_139 = arith.select %or3A_138, %gather3A_130, %select_n3A_126 : vector<16xi1>, vector<16xf32>
        %select_n3A_140 = arith.select %or3A_138, %gather3A_133, %select_n3A_127 : vector<16xi1>, vector<16xi32>
        %eq3A_141 = arith.cmpf oeq, %scan3A_87#0, %select_n3A_139 : vector<16xf32>
        %eq3A_142 = arith.cmpi eq, %scan3A_87#3, %select_n3A_140 : vector<16xi32>
        %and3A_143 = arith.andi %eq3A_141, %eq3A_142 : vector<16xi1>
        %select_n3A_144 = arith.select %and3A_143, %scan3A_87#1, %scan3A_87#0 : vector<16xi1>, vector<16xf32>
        %select_n3A_145 = arith.select %and3A_143, %scan3A_87#4, %scan3A_87#3 : vector<16xi1>, vector<16xi32>
        %select_n3A_146 = arith.select %and3A_143, %scan3A_87#2, %scan3A_87#1 : vector<16xi1>, vector<16xf32>
        %select_n3A_147 = arith.select %and3A_143, %scan3A_87#5, %scan3A_87#4 : vector<16xi1>, vector<16xi32>
        %select_n3A_148 = arith.select %and3A_143, %broadcast_in_dim3A_3, %scan3A_87#2 : vector<16xi1>, vector<16xf32>
        %broadcast_in_dim3A_149 = vector.shape_cast %xor3A_7 : vector<16xi32> to vector<16x1xi32>
        %gather3A_150 = vector.shape_cast %broadcast_in_dim3A_149 : vector<16x1xi32> to vector<16xi32>
        %gather3A_151 = tpu.dynamic_gather %select_n3A_144[%gather3A_150] in [0] : vector<16xf32>, vector<16xi32> -> vector<16xf32>
        %broadcast_in_dim3A_152 = vector.shape_cast %xor3A_7 : vector<16xi32> to vector<16x1xi32>
        %gather3A_153 = vector.shape_cast %broadcast_in_dim3A_152 : vector<16x1xi32> to vector<16xi32>
        %gather3A_154 = tpu.dynamic_gather %select_n3A_145[%gather3A_153] in [0] : vector<16xi32>, vector<16xi32> -> vector<16xi32>
        %lt3A_155 = arith.cmpf olt, %gather3A_151, %select_n3A_144 : vector<16xf32>
        %eq3A_156 = arith.cmpf oeq, %gather3A_151, %select_n3A_144 : vector<16xf32>
        %lt3A_157 = arith.cmpi slt, %gather3A_154, %select_n3A_145 : vector<16xi32>
        %and3A_158 = arith.andi %eq3A_156, %lt3A_157 : vector<16xi1>
        %or3A_159 = arith.ori %lt3A_155, %and3A_158 : vector<16xi1>
        %select_n3A_160 = arith.select %or3A_159, %gather3A_151, %select_n3A_144 : vector<16xi1>, vector<16xf32>
        %select_n3A_161 = arith.select %or3A_159, %gather3A_154, %select_n3A_145 : vector<16xi1>, vector<16xi32>
        %broadcast_in_dim3A_162 = vector.shape_cast %xor3A_10 : vector<16xi32> to vector<16x1xi32>
        %gather3A_163 = vector.shape_cast %broadcast_in_dim3A_162 : vector<16x1xi32> to vector<16xi32>
        %gather3A_164 = tpu.dynamic_gather %select_n3A_160[%gather3A_163] in [0] : vector<16xf32>, vector<16xi32> -> vector<16xf32>
        %broadcast_in_dim3A_165 = vector.shape_cast %xor3A_10 : vector<16xi32> to vector<16x1xi32>
        %gather3A_166 = vector.shape_cast %broadcast_in_dim3A_165 : vector<16x1xi32> to vector<16xi32>
        %gather3A_167 = tpu.dynamic_gather %select_n3A_161[%gather3A_166] in [0] : vector<16xi32>, vector<16xi32> -> vector<16xi32>
        %lt3A_168 = arith.cmpf olt, %gather3A_164, %select_n3A_160 : vector<16xf32>
        %eq3A_169 = arith.cmpf oeq, %gather3A_164, %select_n3A_160 : vector<16xf32>
        %lt3A_170 = arith.cmpi slt, %gather3A_167, %select_n3A_161 : vector<16xi32>
        %and3A_171 = arith.andi %eq3A_169, %lt3A_170 : vector<16xi1>
        %or3A_172 = arith.ori %lt3A_168, %and3A_171 : vector<16xi1>
        %select_n3A_173 = arith.select %or3A_172, %gather3A_164, %select_n3A_160 : vector<16xi1>, vector<16xf32>
        %select_n3A_174 = arith.select %or3A_172, %gather3A_167, %select_n3A_161 : vector<16xi1>, vector<16xi32>
        %broadcast_in_dim3A_175 = vector.shape_cast %xor3A_13 : vector<16xi32> to vector<16x1xi32>
        %gather3A_176 = vector.shape_cast %broadcast_in_dim3A_175 : vector<16x1xi32> to vector<16xi32>
        %gather3A_177 = tpu.dynamic_gather %select_n3A_173[%gather3A_176] in [0] : vector<16xf32>, vector<16xi32> -> vector<16xf32>
        %broadcast_in_dim3A_178 = vector.shape_cast %xor3A_13 : vector<16xi32> to vector<16x1xi32>
        %gather3A_179 = vector.shape_cast %broadcast_in_dim3A_178 : vector<16x1xi32> to vector<16xi32>
        %gather3A_180 = tpu.dynamic_gather %select_n3A_174[%gather3A_179] in [0] : vector<16xi32>, vector<16xi32> -> vector<16xi32>
        %lt3A_181 = arith.cmpf olt, %gather3A_177, %select_n3A_173 : vector<16xf32>
        %eq3A_182 = arith.cmpf oeq, %gather3A_177, %select_n3A_173 : vector<16xf32>
        %lt3A_183 = arith.cmpi slt, %gather3A_180, %select_n3A_174 : vector<16xi32>
        %and3A_184 = arith.andi %eq3A_182, %lt3A_183 : vector<16xi1>
        %or3A_185 = arith.ori %lt3A_181, %and3A_184 : vector<16xi1>
        %select_n3A_186 = arith.select %or3A_185, %gather3A_177, %select_n3A_173 : vector<16xi1>, vector<16xf32>
        %select_n3A_187 = arith.select %or3A_185, %gather3A_180, %select_n3A_174 : vector<16xi1>, vector<16xi32>
        %broadcast_in_dim3A_188 = vector.shape_cast %xor3A_16 : vector<16xi32> to vector<16x1xi32>
        %gather3A_189 = vector.shape_cast %broadcast_in_dim3A_188 : vector<16x1xi32> to vector<16xi32>
        %gather3A_190 = tpu.dynamic_gather %select_n3A_186[%gather3A_189] in [0] : vector<16xf32>, vector<16xi32> -> vector<16xf32>
        %broadcast_in_dim3A_191 = vector.shape_cast %xor3A_16 : vector<16xi32> to vector<16x1xi32>
        %gather3A_192 = vector.shape_cast %broadcast_in_dim3A_191 : vector<16x1xi32> to vector<16xi32>
        %gather3A_193 = tpu.dynamic_gather %select_n3A_187[%gather3A_192] in [0] : vector<16xi32>, vector<16xi32> -> vector<16xi32>
        %lt3A_194 = arith.cmpf olt, %gather3A_190, %select_n3A_186 : vector<16xf32>
        %eq3A_195 = arith.cmpf oeq, %gather3A_190, %select_n3A_186 : vector<16xf32>
        %lt3A_196 = arith.cmpi slt, %gather3A_193, %select_n3A_187 : vector<16xi32>
        %and3A_197 = arith.andi %eq3A_195, %lt3A_196 : vector<16xi1>
        %or3A_198 = arith.ori %lt3A_194, %and3A_197 : vector<16xi1>
        %select_n3A_199 = arith.select %or3A_198, %gather3A_190, %select_n3A_186 : vector<16xi1>, vector<16xf32>
        %select_n3A_200 = arith.select %or3A_198, %gather3A_193, %select_n3A_187 : vector<16xi1>, vector<16xi32>
        %eq3A_201 = arith.cmpf oeq, %select_n3A_144, %select_n3A_199 : vector<16xf32>
        %eq3A_202 = arith.cmpi eq, %select_n3A_145, %select_n3A_200 : vector<16xi32>
        %and3A_203 = arith.andi %eq3A_201, %eq3A_202 : vector<16xi1>
        %select_n3A_204 = arith.select %and3A_203, %select_n3A_146, %select_n3A_144 : vector<16xi1>, vector<16xf32>
        %select_n3A_205 = arith.select %and3A_203, %select_n3A_147, %select_n3A_145 : vector<16xi1>, vector<16xi32>
        %select_n3A_206 = arith.select %and3A_203, %select_n3A_148, %select_n3A_146 : vector<16xi1>, vector<16xf32>
        %select_n3A_207 = arith.select %and3A_203, %scan3A_87#5, %select_n3A_147 : vector<16xi1>, vector<16xi32>
        %select_n3A_208 = arith.select %and3A_203, %broadcast_in_dim3A_3, %select_n3A_148 : vector<16xi1>, vector<16xf32>
        %broadcast_in_dim3A_209 = vector.shape_cast %xor3A_7 : vector<16xi32> to vector<16x1xi32>
        %gather3A_210 = vector.shape_cast %broadcast_in_dim3A_209 : vector<16x1xi32> to vector<16xi32>
        %gather3A_211 = tpu.dynamic_gather %select_n3A_204[%gather3A_210] in [0] : vector<16xf32>, vector<16xi32> -> vector<16xf32>
        %broadcast_in_dim3A_212 = vector.shape_cast %xor3A_7 : vector<16xi32> to vector<16x1xi32>
        %gather3A_213 = vector.shape_cast %broadcast_in_dim3A_212 : vector<16x1xi32> to vector<16xi32>
        %gather3A_214 = tpu.dynamic_gather %select_n3A_205[%gather3A_213] in [0] : vector<16xi32>, vector<16xi32> -> vector<16xi32>
        %lt3A_215 = arith.cmpf olt, %gather3A_211, %select_n3A_204 : vector<16xf32>
        %eq3A_216 = arith.cmpf oeq, %gather3A_211, %select_n3A_204 : vector<16xf32>
        %lt3A_217 = arith.cmpi slt, %gather3A_214, %select_n3A_205 : vector<16xi32>
        %and3A_218 = arith.andi %eq3A_216, %lt3A_217 : vector<16xi1>
        %or3A_219 = arith.ori %lt3A_215, %and3A_218 : vector<16xi1>
        %select_n3A_220 = arith.select %or3A_219, %gather3A_211, %select_n3A_204 : vector<16xi1>, vector<16xf32>
        %select_n3A_221 = arith.select %or3A_219, %gather3A_214, %select_n3A_205 : vector<16xi1>, vector<16xi32>
        %broadcast_in_dim3A_222 = vector.shape_cast %xor3A_10 : vector<16xi32> to vector<16x1xi32>
        %gather3A_223 = vector.shape_cast %broadcast_in_dim3A_222 : vector<16x1xi32> to vector<16xi32>
        %gather3A_224 = tpu.dynamic_gather %select_n3A_220[%gather3A_223] in [0] : vector<16xf32>, vector<16xi32> -> vector<16xf32>
        %broadcast_in_dim3A_225 = vector.shape_cast %xor3A_10 : vector<16xi32> to vector<16x1xi32>
        %gather3A_226 = vector.shape_cast %broadcast_in_dim3A_225 : vector<16x1xi32> to vector<16xi32>
        %gather3A_227 = tpu.dynamic_gather %select_n3A_221[%gather3A_226] in [0] : vector<16xi32>, vector<16xi32> -> vector<16xi32>
        %lt3A_228 = arith.cmpf olt, %gather3A_224, %select_n3A_220 : vector<16xf32>
        %eq3A_229 = arith.cmpf oeq, %gather3A_224, %select_n3A_220 : vector<16xf32>
        %lt3A_230 = arith.cmpi slt, %gather3A_227, %select_n3A_221 : vector<16xi32>
        %and3A_231 = arith.andi %eq3A_229, %lt3A_230 : vector<16xi1>
        %or3A_232 = arith.ori %lt3A_228, %and3A_231 : vector<16xi1>
        %select_n3A_233 = arith.select %or3A_232, %gather3A_224, %select_n3A_220 : vector<16xi1>, vector<16xf32>
        %select_n3A_234 = arith.select %or3A_232, %gather3A_227, %select_n3A_221 : vector<16xi1>, vector<16xi32>
        %broadcast_in_dim3A_235 = vector.shape_cast %xor3A_13 : vector<16xi32> to vector<16x1xi32>
        %gather3A_236 = vector.shape_cast %broadcast_in_dim3A_235 : vector<16x1xi32> to vector<16xi32>
        %gather3A_237 = tpu.dynamic_gather %select_n3A_233[%gather3A_236] in [0] : vector<16xf32>, vector<16xi32> -> vector<16xf32>
        %broadcast_in_dim3A_238 = vector.shape_cast %xor3A_13 : vector<16xi32> to vector<16x1xi32>
        %gather3A_239 = vector.shape_cast %broadcast_in_dim3A_238 : vector<16x1xi32> to vector<16xi32>
        %gather3A_240 = tpu.dynamic_gather %select_n3A_234[%gather3A_239] in [0] : vector<16xi32>, vector<16xi32> -> vector<16xi32>
        %lt3A_241 = arith.cmpf olt, %gather3A_237, %select_n3A_233 : vector<16xf32>
        %eq3A_242 = arith.cmpf oeq, %gather3A_237, %select_n3A_233 : vector<16xf32>
        %lt3A_243 = arith.cmpi slt, %gather3A_240, %select_n3A_234 : vector<16xi32>
        %and3A_244 = arith.andi %eq3A_242, %lt3A_243 : vector<16xi1>
        %or3A_245 = arith.ori %lt3A_241, %and3A_244 : vector<16xi1>
        %select_n3A_246 = arith.select %or3A_245, %gather3A_237, %select_n3A_233 : vector<16xi1>, vector<16xf32>
        %select_n3A_247 = arith.select %or3A_245, %gather3A_240, %select_n3A_234 : vector<16xi1>, vector<16xi32>
        %broadcast_in_dim3A_248 = vector.shape_cast %xor3A_16 : vector<16xi32> to vector<16x1xi32>
        %gather3A_249 = vector.shape_cast %broadcast_in_dim3A_248 : vector<16x1xi32> to vector<16xi32>
        %gather3A_250 = tpu.dynamic_gather %select_n3A_246[%gather3A_249] in [0] : vector<16xf32>, vector<16xi32> -> vector<16xf32>
        %broadcast_in_dim3A_251 = vector.shape_cast %xor3A_16 : vector<16xi32> to vector<16x1xi32>
        %gather3A_252 = vector.shape_cast %broadcast_in_dim3A_251 : vector<16x1xi32> to vector<16xi32>
        %gather3A_253 = tpu.dynamic_gather %select_n3A_247[%gather3A_252] in [0] : vector<16xi32>, vector<16xi32> -> vector<16xi32>
        %lt3A_254 = arith.cmpf olt, %gather3A_250, %select_n3A_246 : vector<16xf32>
        %eq3A_255 = arith.cmpf oeq, %gather3A_250, %select_n3A_246 : vector<16xf32>
        %lt3A_256 = arith.cmpi slt, %gather3A_253, %select_n3A_247 : vector<16xi32>
        %and3A_257 = arith.andi %eq3A_255, %lt3A_256 : vector<16xi1>
        %or3A_258 = arith.ori %lt3A_254, %and3A_257 : vector<16xi1>
        %select_n3A_259 = arith.select %or3A_258, %gather3A_250, %select_n3A_246 : vector<16xi1>, vector<16xf32>
        %select_n3A_260 = arith.select %or3A_258, %gather3A_253, %select_n3A_247 : vector<16xi1>, vector<16xi32>
        %eq3A_261 = arith.cmpf oeq, %select_n3A_204, %select_n3A_259 : vector<16xf32>
        %eq3A_262 = arith.cmpi eq, %select_n3A_205, %select_n3A_260 : vector<16xi32>
        %and3A_263 = arith.andi %eq3A_261, %eq3A_262 : vector<16xi1>
        %select_n3A_264 = arith.select %and3A_263, %select_n3A_206, %select_n3A_204 : vector<16xi1>, vector<16xf32>
        %select_n3A_265 = arith.select %and3A_263, %select_n3A_207, %select_n3A_205 : vector<16xi1>, vector<16xi32>
        %select_n3A_266 = arith.select %and3A_263, %select_n3A_208, %select_n3A_206 : vector<16xi1>, vector<16xf32>
        %select_n3A_267 = arith.select %and3A_263, %scan3A_87#5, %select_n3A_207 : vector<16xi1>, vector<16xi32>
        %select_n3A_268 = arith.select %and3A_263, %broadcast_in_dim3A_3, %select_n3A_208 : vector<16xi1>, vector<16xf32>
        %eq3A_269 = arith.constant 0 : i32
        %eq3A_270 = vector.broadcast %eq3A_269 : i32 to vector<16xi32>
        %eq3A_271 = arith.cmpi eq, %iota3A, %eq3A_270 : vector<16xi32>
        %eq3A_272 = arith.constant 1 : i32
        %eq3A_273 = vector.broadcast %eq3A_272 : i32 to vector<16xi32>
        %eq3A_274 = arith.cmpi eq, %iota3A, %eq3A_273 : vector<16xi32>
        %eq3A_275 = arith.constant 2 : i32
        %eq3A_276 = vector.broadcast %eq3A_275 : i32 to vector<16xi32>
        %eq3A_277 = arith.cmpi eq, %iota3A, %eq3A_276 : vector<16xi32>
        %jit3A = arith.constant 0 : i32
        %broadcast_in_dim3A_278 = vector.broadcast %jit3A : i32 to vector<16xi32>
        %select_n3A_279 = arith.select %eq3A_277, %select_n3A_260, %broadcast_in_dim3A_278 : vector<16xi1>, vector<16xi32>
        %select_n3A_280 = arith.select %eq3A_274, %select_n3A_200, %select_n3A_279 : vector<16xi1>, vector<16xi32>
        %select_n3A_281 = arith.select %eq3A_271, %select_n3A_140, %select_n3A_280 : vector<16xi1>, vector<16xi32>
        %gather3A_282 = tpu.vector_load_idx %arg8[%select_n3A_281] : memref<12288xf32, #tpu.memory_space<vmem>>[vector<16xi32>], vector<16xf32>,
        %add3A_283 = arith.constant 4096 : i32
        %add3A_284 = vector.broadcast %add3A_283 : i32 to vector<16xi32>
        %add3A_285 = arith.addi %select_n3A_281, %add3A_284 : vector<16xi32>
        %gather3A_286 = tpu.vector_load_idx %arg8[%add3A_285] : memref<12288xf32, #tpu.memory_space<vmem>>[vector<16xi32>], vector<16xf32>,
        %add3A_287 = arith.constant 8192 : i32
        %add3A_288 = vector.broadcast %add3A_287 : i32 to vector<16xi32>
        %add3A_289 = arith.addi %select_n3A_281, %add3A_288 : vector<16xi32>
        %gather3A_290 = tpu.vector_load_idx %arg8[%add3A_289] : memref<12288xf32, #tpu.memory_space<vmem>>[vector<16xi32>], vector<16xf32>,
        %add3A_291 = vector.broadcast %add3A_93 : i32 to vector<16xi32>
        %add3A_292 = arith.addi %broadcast_in_dim3A_5, %add3A_291 : vector<16xi32>
        %gather3A_293 = tpu.vector_load_idx %arg9[%add3A_292] : memref<768xf32, #tpu.memory_space<vmem>>[vector<16xi32>], vector<16xf32>,
        %add3A_294 = arith.constant 256 : i32
        %add3A_295 = arith.addi %add3A_294, %add3A_93 : i32
        %add3A_296 = vector.broadcast %add3A_295 : i32 to vector<16xi32>
        %add3A_297 = arith.addi %broadcast_in_dim3A_5, %add3A_296 : vector<16xi32>
        %gather3A_298 = tpu.vector_load_idx %arg9[%add3A_297] : memref<768xf32, #tpu.memory_space<vmem>>[vector<16xi32>], vector<16xf32>,
        %add3A_299 = arith.constant 512 : i32
        %add3A_300 = arith.addi %add3A_299, %add3A_93 : i32
        %add3A_301 = vector.broadcast %add3A_300 : i32 to vector<16xi32>
        %add3A_302 = arith.addi %broadcast_in_dim3A_5, %add3A_301 : vector<16xi32>
        %gather3A_303 = tpu.vector_load_idx %arg9[%add3A_302] : memref<768xf32, #tpu.memory_space<vmem>>[vector<16xi32>], vector<16xf32>,
        %sub3A = arith.subf %gather3A_293, %gather3A_282 : vector<16xf32>
        %sub3A_304 = arith.subf %gather3A_298, %gather3A_286 : vector<16xf32>
        %sub3A_305 = arith.subf %gather3A_303, %gather3A_290 : vector<16xf32>
        %mul3A_306 = arith.mulf %sub3A, %sub3A : vector<16xf32>
        %mul3A_307 = arith.mulf %sub3A_304, %sub3A_304 : vector<16xf32>
        %add3A_308 = arith.addf %mul3A_306, %mul3A_307 : vector<16xf32>
        %mul3A_309 = arith.mulf %sub3A_305, %sub3A_305 : vector<16xf32>
        %add3A_310 = arith.addf %add3A_308, %mul3A_309 : vector<16xf32>
        %mul3A_311 = arith.constant 3 : i32
        %mul3A_312 = arith.muli %add3A_93, %mul3A_311 : i32
        %min3A = arith.constant 2 : i32
        %min3A_313 = vector.broadcast %min3A : i32 to vector<16xi32>
        %min3A_314 = arith.minsi %iota3A, %min3A_313 : vector<16xi32>
        %add3A_315 = vector.broadcast %mul3A_312 : i32 to vector<16xi32>
        %add3A_316 = arith.addi %add3A_315, %min3A_314 : vector<16xi32>
        %lt3A_317 = arith.constant 3 : i32
        %lt3A_318 = vector.broadcast %lt3A_317 : i32 to vector<16xi32>
        %lt3A_319 = arith.cmpi slt, %iota3A, %lt3A_318 : vector<16xi32>
        tpu.vector_store_idx %arg10[%add3A_316], %add3A_310 masked %lt3A_319 : memref<768xf32, #tpu.memory_space<vmem>>[vector<16xi32>], vector<16xf32>, vector<16xi1>
        %mul3A_320 = arith.constant 8 : i32
        %mul3A_321 = arith.muli %add3A_66, %mul3A_320 : i32
        %mul3A_322 = arith.constant 2 : i32
        %mul3A_323 = arith.muli %mul3A_322, %scan3A_75 : i32
        %add3A_324 = arith.addi %mul3A_321, %mul3A_323 : i32
        %add3A_325 = arith.constant 1 : i32
        %add3A_326 = arith.addi %add3A_324, %add3A_325 : i32
        %broadcast_in_dim3A_327 = vector.shape_cast %xor3A_7 : vector<16xi32> to vector<16x1xi32>
        %gather3A_328 = vector.shape_cast %broadcast_in_dim3A_327 : vector<16x1xi32> to vector<16xi32>
        %gather3A_329 = tpu.dynamic_gather %scan3A_87#6[%gather3A_328] in [0] : vector<16xf32>, vector<16xi32> -> vector<16xf32>
        %broadcast_in_dim3A_330 = vector.shape_cast %xor3A_7 : vector<16xi32> to vector<16x1xi32>
        %gather3A_331 = vector.shape_cast %broadcast_in_dim3A_330 : vector<16x1xi32> to vector<16xi32>
        %gather3A_332 = tpu.dynamic_gather %scan3A_87#9[%gather3A_331] in [0] : vector<16xi32>, vector<16xi32> -> vector<16xi32>
        %lt3A_333 = arith.cmpf olt, %gather3A_329, %scan3A_87#6 : vector<16xf32>
        %eq3A_334 = arith.cmpf oeq, %gather3A_329, %scan3A_87#6 : vector<16xf32>
        %lt3A_335 = arith.cmpi slt, %gather3A_332, %scan3A_87#9 : vector<16xi32>
        %and3A_336 = arith.andi %eq3A_334, %lt3A_335 : vector<16xi1>
        %or3A_337 = arith.ori %lt3A_333, %and3A_336 : vector<16xi1>
        %select_n3A_338 = arith.select %or3A_337, %gather3A_329, %scan3A_87#6 : vector<16xi1>, vector<16xf32>
        %select_n3A_339 = arith.select %or3A_337, %gather3A_332, %scan3A_87#9 : vector<16xi1>, vector<16xi32>
        %broadcast_in_dim3A_340 = vector.shape_cast %xor3A_10 : vector<16xi32> to vector<16x1xi32>
        %gather3A_341 = vector.shape_cast %broadcast_in_dim3A_340 : vector<16x1xi32> to vector<16xi32>
        %gather3A_342 = tpu.dynamic_gather %select_n3A_338[%gather3A_341] in [0] : vector<16xf32>, vector<16xi32> -> vector<16xf32>
        %broadcast_in_dim3A_343 = vector.shape_cast %xor3A_10 : vector<16xi32> to vector<16x1xi32>
        %gather3A_344 = vector.shape_cast %broadcast_in_dim3A_343 : vector<16x1xi32> to vector<16xi32>
        %gather3A_345 = tpu.dynamic_gather %select_n3A_339[%gather3A_344] in [0] : vector<16xi32>, vector<16xi32> -> vector<16xi32>
        %lt3A_346 = arith.cmpf olt, %gather3A_342, %select_n3A_338 : vector<16xf32>
        %eq3A_347 = arith.cmpf oeq, %gather3A_342, %select_n3A_338 : vector<16xf32>
        %lt3A_348 = arith.cmpi slt, %gather3A_345, %select_n3A_339 : vector<16xi32>
        %and3A_349 = arith.andi %eq3A_347, %lt3A_348 : vector<16xi1>
        %or3A_350 = arith.ori %lt3A_346, %and3A_349 : vector<16xi1>
        %select_n3A_351 = arith.select %or3A_350, %gather3A_342, %select_n3A_338 : vector<16xi1>, vector<16xf32>
        %select_n3A_352 = arith.select %or3A_350, %gather3A_345, %select_n3A_339 : vector<16xi1>, vector<16xi32>
        %broadcast_in_dim3A_353 = vector.shape_cast %xor3A_13 : vector<16xi32> to vector<16x1xi32>
        %gather3A_354 = vector.shape_cast %broadcast_in_dim3A_353 : vector<16x1xi32> to vector<16xi32>
        %gather3A_355 = tpu.dynamic_gather %select_n3A_351[%gather3A_354] in [0] : vector<16xf32>, vector<16xi32> -> vector<16xf32>
        %broadcast_in_dim3A_356 = vector.shape_cast %xor3A_13 : vector<16xi32> to vector<16x1xi32>
        %gather3A_357 = vector.shape_cast %broadcast_in_dim3A_356 : vector<16x1xi32> to vector<16xi32>
        %gather3A_358 = tpu.dynamic_gather %select_n3A_352[%gather3A_357] in [0] : vector<16xi32>, vector<16xi32> -> vector<16xi32>
        %lt3A_359 = arith.cmpf olt, %gather3A_355, %select_n3A_351 : vector<16xf32>
        %eq3A_360 = arith.cmpf oeq, %gather3A_355, %select_n3A_351 : vector<16xf32>
        %lt3A_361 = arith.cmpi slt, %gather3A_358, %select_n3A_352 : vector<16xi32>
        %and3A_362 = arith.andi %eq3A_360, %lt3A_361 : vector<16xi1>
        %or3A_363 = arith.ori %lt3A_359, %and3A_362 : vector<16xi1>
        %select_n3A_364 = arith.select %or3A_363, %gather3A_355, %select_n3A_351 : vector<16xi1>, vector<16xf32>
        %select_n3A_365 = arith.select %or3A_363, %gather3A_358, %select_n3A_352 : vector<16xi1>, vector<16xi32>
        %broadcast_in_dim3A_366 = vector.shape_cast %xor3A_16 : vector<16xi32> to vector<16x1xi32>
        %gather3A_367 = vector.shape_cast %broadcast_in_dim3A_366 : vector<16x1xi32> to vector<16xi32>
        %gather3A_368 = tpu.dynamic_gather %select_n3A_364[%gather3A_367] in [0] : vector<16xf32>, vector<16xi32> -> vector<16xf32>
        %broadcast_in_dim3A_369 = vector.shape_cast %xor3A_16 : vector<16xi32> to vector<16x1xi32>
        %gather3A_370 = vector.shape_cast %broadcast_in_dim3A_369 : vector<16x1xi32> to vector<16xi32>
        %gather3A_371 = tpu.dynamic_gather %select_n3A_365[%gather3A_370] in [0] : vector<16xi32>, vector<16xi32> -> vector<16xi32>
        %lt3A_372 = arith.cmpf olt, %gather3A_368, %select_n3A_364 : vector<16xf32>
        %eq3A_373 = arith.cmpf oeq, %gather3A_368, %select_n3A_364 : vector<16xf32>
        %lt3A_374 = arith.cmpi slt, %gather3A_371, %select_n3A_365 : vector<16xi32>
        %and3A_375 = arith.andi %eq3A_373, %lt3A_374 : vector<16xi1>
        %or3A_376 = arith.ori %lt3A_372, %and3A_375 : vector<16xi1>
        %select_n3A_377 = arith.select %or3A_376, %gather3A_368, %select_n3A_364 : vector<16xi1>, vector<16xf32>
        %select_n3A_378 = arith.select %or3A_376, %gather3A_371, %select_n3A_365 : vector<16xi1>, vector<16xi32>
        %eq3A_379 = arith.cmpf oeq, %scan3A_87#6, %select_n3A_377 : vector<16xf32>
        %eq3A_380 = arith.cmpi eq, %scan3A_87#9, %select_n3A_378 : vector<16xi32>
        %and3A_381 = arith.andi %eq3A_379, %eq3A_380 : vector<16xi1>
        %select_n3A_382 = arith.select %and3A_381, %scan3A_87#7, %scan3A_87#6 : vector<16xi1>, vector<16xf32>
        %select_n3A_383 = arith.select %and3A_381, %scan3A_87#10, %scan3A_87#9 : vector<16xi1>, vector<16xi32>
        %select_n3A_384 = arith.select %and3A_381, %scan3A_87#8, %scan3A_87#7 : vector<16xi1>, vector<16xf32>
        %select_n3A_385 = arith.select %and3A_381, %scan3A_87#11, %scan3A_87#10 : vector<16xi1>, vector<16xi32>
        %select_n3A_386 = arith.select %and3A_381, %broadcast_in_dim3A_3, %scan3A_87#8 : vector<16xi1>, vector<16xf32>
        %broadcast_in_dim3A_387 = vector.shape_cast %xor3A_7 : vector<16xi32> to vector<16x1xi32>
        %gather3A_388 = vector.shape_cast %broadcast_in_dim3A_387 : vector<16x1xi32> to vector<16xi32>
        %gather3A_389 = tpu.dynamic_gather %select_n3A_382[%gather3A_388] in [0] : vector<16xf32>, vector<16xi32> -> vector<16xf32>
        %broadcast_in_dim3A_390 = vector.shape_cast %xor3A_7 : vector<16xi32> to vector<16x1xi32>
        %gather3A_391 = vector.shape_cast %broadcast_in_dim3A_390 : vector<16x1xi32> to vector<16xi32>
        %gather3A_392 = tpu.dynamic_gather %select_n3A_383[%gather3A_391] in [0] : vector<16xi32>, vector<16xi32> -> vector<16xi32>
        %lt3A_393 = arith.cmpf olt, %gather3A_389, %select_n3A_382 : vector<16xf32>
        %eq3A_394 = arith.cmpf oeq, %gather3A_389, %select_n3A_382 : vector<16xf32>
        %lt3A_395 = arith.cmpi slt, %gather3A_392, %select_n3A_383 : vector<16xi32>
        %and3A_396 = arith.andi %eq3A_394, %lt3A_395 : vector<16xi1>
        %or3A_397 = arith.ori %lt3A_393, %and3A_396 : vector<16xi1>
        %select_n3A_398 = arith.select %or3A_397, %gather3A_389, %select_n3A_382 : vector<16xi1>, vector<16xf32>
        %select_n3A_399 = arith.select %or3A_397, %gather3A_392, %select_n3A_383 : vector<16xi1>, vector<16xi32>
        %broadcast_in_dim3A_400 = vector.shape_cast %xor3A_10 : vector<16xi32> to vector<16x1xi32>
        %gather3A_401 = vector.shape_cast %broadcast_in_dim3A_400 : vector<16x1xi32> to vector<16xi32>
        %gather3A_402 = tpu.dynamic_gather %select_n3A_398[%gather3A_401] in [0] : vector<16xf32>, vector<16xi32> -> vector<16xf32>
        %broadcast_in_dim3A_403 = vector.shape_cast %xor3A_10 : vector<16xi32> to vector<16x1xi32>
        %gather3A_404 = vector.shape_cast %broadcast_in_dim3A_403 : vector<16x1xi32> to vector<16xi32>
        %gather3A_405 = tpu.dynamic_gather %select_n3A_399[%gather3A_404] in [0] : vector<16xi32>, vector<16xi32> -> vector<16xi32>
        %lt3A_406 = arith.cmpf olt, %gather3A_402, %select_n3A_398 : vector<16xf32>
        %eq3A_407 = arith.cmpf oeq, %gather3A_402, %select_n3A_398 : vector<16xf32>
        %lt3A_408 = arith.cmpi slt, %gather3A_405, %select_n3A_399 : vector<16xi32>
        %and3A_409 = arith.andi %eq3A_407, %lt3A_408 : vector<16xi1>
        %or3A_410 = arith.ori %lt3A_406, %and3A_409 : vector<16xi1>
        %select_n3A_411 = arith.select %or3A_410, %gather3A_402, %select_n3A_398 : vector<16xi1>, vector<16xf32>
        %select_n3A_412 = arith.select %or3A_410, %gather3A_405, %select_n3A_399 : vector<16xi1>, vector<16xi32>
        %broadcast_in_dim3A_413 = vector.shape_cast %xor3A_13 : vector<16xi32> to vector<16x1xi32>
        %gather3A_414 = vector.shape_cast %broadcast_in_dim3A_413 : vector<16x1xi32> to vector<16xi32>
        %gather3A_415 = tpu.dynamic_gather %select_n3A_411[%gather3A_414] in [0] : vector<16xf32>, vector<16xi32> -> vector<16xf32>
        %broadcast_in_dim3A_416 = vector.shape_cast %xor3A_13 : vector<16xi32> to vector<16x1xi32>
        %gather3A_417 = vector.shape_cast %broadcast_in_dim3A_416 : vector<16x1xi32> to vector<16xi32>
        %gather3A_418 = tpu.dynamic_gather %select_n3A_412[%gather3A_417] in [0] : vector<16xi32>, vector<16xi32> -> vector<16xi32>
        %lt3A_419 = arith.cmpf olt, %gather3A_415, %select_n3A_411 : vector<16xf32>
        %eq3A_420 = arith.cmpf oeq, %gather3A_415, %select_n3A_411 : vector<16xf32>
        %lt3A_421 = arith.cmpi slt, %gather3A_418, %select_n3A_412 : vector<16xi32>
        %and3A_422 = arith.andi %eq3A_420, %lt3A_421 : vector<16xi1>
        %or3A_423 = arith.ori %lt3A_419, %and3A_422 : vector<16xi1>
        %select_n3A_424 = arith.select %or3A_423, %gather3A_415, %select_n3A_411 : vector<16xi1>, vector<16xf32>
        %select_n3A_425 = arith.select %or3A_423, %gather3A_418, %select_n3A_412 : vector<16xi1>, vector<16xi32>
        %broadcast_in_dim3A_426 = vector.shape_cast %xor3A_16 : vector<16xi32> to vector<16x1xi32>
        %gather3A_427 = vector.shape_cast %broadcast_in_dim3A_426 : vector<16x1xi32> to vector<16xi32>
        %gather3A_428 = tpu.dynamic_gather %select_n3A_424[%gather3A_427] in [0] : vector<16xf32>, vector<16xi32> -> vector<16xf32>
        %broadcast_in_dim3A_429 = vector.shape_cast %xor3A_16 : vector<16xi32> to vector<16x1xi32>
        %gather3A_430 = vector.shape_cast %broadcast_in_dim3A_429 : vector<16x1xi32> to vector<16xi32>
        %gather3A_431 = tpu.dynamic_gather %select_n3A_425[%gather3A_430] in [0] : vector<16xi32>, vector<16xi32> -> vector<16xi32>
        %lt3A_432 = arith.cmpf olt, %gather3A_428, %select_n3A_424 : vector<16xf32>
        %eq3A_433 = arith.cmpf oeq, %gather3A_428, %select_n3A_424 : vector<16xf32>
        %lt3A_434 = arith.cmpi slt, %gather3A_431, %select_n3A_425 : vector<16xi32>
        %and3A_435 = arith.andi %eq3A_433, %lt3A_434 : vector<16xi1>
        %or3A_436 = arith.ori %lt3A_432, %and3A_435 : vector<16xi1>
        %select_n3A_437 = arith.select %or3A_436, %gather3A_428, %select_n3A_424 : vector<16xi1>, vector<16xf32>
        %select_n3A_438 = arith.select %or3A_436, %gather3A_431, %select_n3A_425 : vector<16xi1>, vector<16xi32>
        %eq3A_439 = arith.cmpf oeq, %select_n3A_382, %select_n3A_437 : vector<16xf32>
        %eq3A_440 = arith.cmpi eq, %select_n3A_383, %select_n3A_438 : vector<16xi32>
        %and3A_441 = arith.andi %eq3A_439, %eq3A_440 : vector<16xi1>
        %select_n3A_442 = arith.select %and3A_441, %select_n3A_384, %select_n3A_382 : vector<16xi1>, vector<16xf32>
        %select_n3A_443 = arith.select %and3A_441, %select_n3A_385, %select_n3A_383 : vector<16xi1>, vector<16xi32>
        %select_n3A_444 = arith.select %and3A_441, %select_n3A_386, %select_n3A_384 : vector<16xi1>, vector<16xf32>
        %select_n3A_445 = arith.select %and3A_441, %scan3A_87#11, %select_n3A_385 : vector<16xi1>, vector<16xi32>
        %select_n3A_446 = arith.select %and3A_441, %broadcast_in_dim3A_3, %select_n3A_386 : vector<16xi1>, vector<16xf32>
        %broadcast_in_dim3A_447 = vector.shape_cast %xor3A_7 : vector<16xi32> to vector<16x1xi32>
        %gather3A_448 = vector.shape_cast %broadcast_in_dim3A_447 : vector<16x1xi32> to vector<16xi32>
        %gather3A_449 = tpu.dynamic_gather %select_n3A_442[%gather3A_448] in [0] : vector<16xf32>, vector<16xi32> -> vector<16xf32>
        %broadcast_in_dim3A_450 = vector.shape_cast %xor3A_7 : vector<16xi32> to vector<16x1xi32>
        %gather3A_451 = vector.shape_cast %broadcast_in_dim3A_450 : vector<16x1xi32> to vector<16xi32>
        %gather3A_452 = tpu.dynamic_gather %select_n3A_443[%gather3A_451] in [0] : vector<16xi32>, vector<16xi32> -> vector<16xi32>
        %lt3A_453 = arith.cmpf olt, %gather3A_449, %select_n3A_442 : vector<16xf32>
        %eq3A_454 = arith.cmpf oeq, %gather3A_449, %select_n3A_442 : vector<16xf32>
        %lt3A_455 = arith.cmpi slt, %gather3A_452, %select_n3A_443 : vector<16xi32>
        %and3A_456 = arith.andi %eq3A_454, %lt3A_455 : vector<16xi1>
        %or3A_457 = arith.ori %lt3A_453, %and3A_456 : vector<16xi1>
        %select_n3A_458 = arith.select %or3A_457, %gather3A_449, %select_n3A_442 : vector<16xi1>, vector<16xf32>
        %select_n3A_459 = arith.select %or3A_457, %gather3A_452, %select_n3A_443 : vector<16xi1>, vector<16xi32>
        %broadcast_in_dim3A_460 = vector.shape_cast %xor3A_10 : vector<16xi32> to vector<16x1xi32>
        %gather3A_461 = vector.shape_cast %broadcast_in_dim3A_460 : vector<16x1xi32> to vector<16xi32>
        %gather3A_462 = tpu.dynamic_gather %select_n3A_458[%gather3A_461] in [0] : vector<16xf32>, vector<16xi32> -> vector<16xf32>
        %broadcast_in_dim3A_463 = vector.shape_cast %xor3A_10 : vector<16xi32> to vector<16x1xi32>
        %gather3A_464 = vector.shape_cast %broadcast_in_dim3A_463 : vector<16x1xi32> to vector<16xi32>
        %gather3A_465 = tpu.dynamic_gather %select_n3A_459[%gather3A_464] in [0] : vector<16xi32>, vector<16xi32> -> vector<16xi32>
        %lt3A_466 = arith.cmpf olt, %gather3A_462, %select_n3A_458 : vector<16xf32>
        %eq3A_467 = arith.cmpf oeq, %gather3A_462, %select_n3A_458 : vector<16xf32>
        %lt3A_468 = arith.cmpi slt, %gather3A_465, %select_n3A_459 : vector<16xi32>
        %and3A_469 = arith.andi %eq3A_467, %lt3A_468 : vector<16xi1>
        %or3A_470 = arith.ori %lt3A_466, %and3A_469 : vector<16xi1>
        %select_n3A_471 = arith.select %or3A_470, %gather3A_462, %select_n3A_458 : vector<16xi1>, vector<16xf32>
        %select_n3A_472 = arith.select %or3A_470, %gather3A_465, %select_n3A_459 : vector<16xi1>, vector<16xi32>
        %broadcast_in_dim3A_473 = vector.shape_cast %xor3A_13 : vector<16xi32> to vector<16x1xi32>
        %gather3A_474 = vector.shape_cast %broadcast_in_dim3A_473 : vector<16x1xi32> to vector<16xi32>
        %gather3A_475 = tpu.dynamic_gather %select_n3A_471[%gather3A_474] in [0] : vector<16xf32>, vector<16xi32> -> vector<16xf32>
        %broadcast_in_dim3A_476 = vector.shape_cast %xor3A_13 : vector<16xi32> to vector<16x1xi32>
        %gather3A_477 = vector.shape_cast %broadcast_in_dim3A_476 : vector<16x1xi32> to vector<16xi32>
        %gather3A_478 = tpu.dynamic_gather %select_n3A_472[%gather3A_477] in [0] : vector<16xi32>, vector<16xi32> -> vector<16xi32>
        %lt3A_479 = arith.cmpf olt, %gather3A_475, %select_n3A_471 : vector<16xf32>
        %eq3A_480 = arith.cmpf oeq, %gather3A_475, %select_n3A_471 : vector<16xf32>
        %lt3A_481 = arith.cmpi slt, %gather3A_478, %select_n3A_472 : vector<16xi32>
        %and3A_482 = arith.andi %eq3A_480, %lt3A_481 : vector<16xi1>
        %or3A_483 = arith.ori %lt3A_479, %and3A_482 : vector<16xi1>
        %select_n3A_484 = arith.select %or3A_483, %gather3A_475, %select_n3A_471 : vector<16xi1>, vector<16xf32>
        %select_n3A_485 = arith.select %or3A_483, %gather3A_478, %select_n3A_472 : vector<16xi1>, vector<16xi32>
        %broadcast_in_dim3A_486 = vector.shape_cast %xor3A_16 : vector<16xi32> to vector<16x1xi32>
        %gather3A_487 = vector.shape_cast %broadcast_in_dim3A_486 : vector<16x1xi32> to vector<16xi32>
        %gather3A_488 = tpu.dynamic_gather %select_n3A_484[%gather3A_487] in [0] : vector<16xf32>, vector<16xi32> -> vector<16xf32>
        %broadcast_in_dim3A_489 = vector.shape_cast %xor3A_16 : vector<16xi32> to vector<16x1xi32>
        %gather3A_490 = vector.shape_cast %broadcast_in_dim3A_489 : vector<16x1xi32> to vector<16xi32>
        %gather3A_491 = tpu.dynamic_gather %select_n3A_485[%gather3A_490] in [0] : vector<16xi32>, vector<16xi32> -> vector<16xi32>
        %lt3A_492 = arith.cmpf olt, %gather3A_488, %select_n3A_484 : vector<16xf32>
        %eq3A_493 = arith.cmpf oeq, %gather3A_488, %select_n3A_484 : vector<16xf32>
        %lt3A_494 = arith.cmpi slt, %gather3A_491, %select_n3A_485 : vector<16xi32>
        %and3A_495 = arith.andi %eq3A_493, %lt3A_494 : vector<16xi1>
        %or3A_496 = arith.ori %lt3A_492, %and3A_495 : vector<16xi1>
        %select_n3A_497 = arith.select %or3A_496, %gather3A_488, %select_n3A_484 : vector<16xi1>, vector<16xf32>
        %select_n3A_498 = arith.select %or3A_496, %gather3A_491, %select_n3A_485 : vector<16xi1>, vector<16xi32>
        %eq3A_499 = arith.cmpf oeq, %select_n3A_442, %select_n3A_497 : vector<16xf32>
        %eq3A_500 = arith.cmpi eq, %select_n3A_443, %select_n3A_498 : vector<16xi32>
        %and3A_501 = arith.andi %eq3A_499, %eq3A_500 : vector<16xi1>
        %select_n3A_502 = arith.select %and3A_501, %select_n3A_444, %select_n3A_442 : vector<16xi1>, vector<16xf32>
        %select_n3A_503 = arith.select %and3A_501, %select_n3A_445, %select_n3A_443 : vector<16xi1>, vector<16xi32>
        %select_n3A_504 = arith.select %and3A_501, %select_n3A_446, %select_n3A_444 : vector<16xi1>, vector<16xf32>
        %select_n3A_505 = arith.select %and3A_501, %scan3A_87#11, %select_n3A_445 : vector<16xi1>, vector<16xi32>
        %select_n3A_506 = arith.select %and3A_501, %broadcast_in_dim3A_3, %select_n3A_446 : vector<16xi1>, vector<16xf32>
        %eq3A_507 = arith.constant 0 : i32
        %eq3A_508 = vector.broadcast %eq3A_507 : i32 to vector<16xi32>
        %eq3A_509 = arith.cmpi eq, %iota3A, %eq3A_508 : vector<16xi32>
        %eq3A_510 = arith.constant 1 : i32
        %eq3A_511 = vector.broadcast %eq3A_510 : i32 to vector<16xi32>
        %eq3A_512 = arith.cmpi eq, %iota3A, %eq3A_511 : vector<16xi32>
        %eq3A_513 = arith.constant 2 : i32
        %eq3A_514 = vector.broadcast %eq3A_513 : i32 to vector<16xi32>
        %eq3A_515 = arith.cmpi eq, %iota3A, %eq3A_514 : vector<16xi32>
        %jit3A_516 = arith.constant 0 : i32
        %broadcast_in_dim3A_517 = vector.broadcast %jit3A_516 : i32 to vector<16xi32>
        %select_n3A_518 = arith.select %eq3A_515, %select_n3A_498, %broadcast_in_dim3A_517 : vector<16xi1>, vector<16xi32>
        %select_n3A_519 = arith.select %eq3A_512, %select_n3A_438, %select_n3A_518 : vector<16xi1>, vector<16xi32>
        %select_n3A_520 = arith.select %eq3A_509, %select_n3A_378, %select_n3A_519 : vector<16xi1>, vector<16xi32>
        %gather3A_521 = tpu.vector_load_idx %arg8[%select_n3A_520] : memref<12288xf32, #tpu.memory_space<vmem>>[vector<16xi32>], vector<16xf32>,
        %add3A_522 = arith.constant 4096 : i32
        %add3A_523 = vector.broadcast %add3A_522 : i32 to vector<16xi32>
        %add3A_524 = arith.addi %select_n3A_520, %add3A_523 : vector<16xi32>
        %gather3A_525 = tpu.vector_load_idx %arg8[%add3A_524] : memref<12288xf32, #tpu.memory_space<vmem>>[vector<16xi32>], vector<16xf32>,
        %add3A_526 = arith.constant 8192 : i32
        %add3A_527 = vector.broadcast %add3A_526 : i32 to vector<16xi32>
        %add3A_528 = arith.addi %select_n3A_520, %add3A_527 : vector<16xi32>
        %gather3A_529 = tpu.vector_load_idx %arg8[%add3A_528] : memref<12288xf32, #tpu.memory_space<vmem>>[vector<16xi32>], vector<16xf32>,
        %add3A_530 = vector.broadcast %add3A_326 : i32 to vector<16xi32>
        %add3A_531 = arith.addi %broadcast_in_dim3A_5, %add3A_530 : vector<16xi32>
        %gather3A_532 = tpu.vector_load_idx %arg9[%add3A_531] : memref<768xf32, #tpu.memory_space<vmem>>[vector<16xi32>], vector<16xf32>,
        %add3A_533 = arith.constant 256 : i32
        %add3A_534 = arith.addi %add3A_533, %add3A_326 : i32
        %add3A_535 = vector.broadcast %add3A_534 : i32 to vector<16xi32>
        %add3A_536 = arith.addi %broadcast_in_dim3A_5, %add3A_535 : vector<16xi32>
        %gather3A_537 = tpu.vector_load_idx %arg9[%add3A_536] : memref<768xf32, #tpu.memory_space<vmem>>[vector<16xi32>], vector<16xf32>,
        %add3A_538 = arith.constant 512 : i32
        %add3A_539 = arith.addi %add3A_538, %add3A_326 : i32
        %add3A_540 = vector.broadcast %add3A_539 : i32 to vector<16xi32>
        %add3A_541 = arith.addi %broadcast_in_dim3A_5, %add3A_540 : vector<16xi32>
        %gather3A_542 = tpu.vector_load_idx %arg9[%add3A_541] : memref<768xf32, #tpu.memory_space<vmem>>[vector<16xi32>], vector<16xf32>,
        %sub3A_543 = arith.subf %gather3A_532, %gather3A_521 : vector<16xf32>
        %sub3A_544 = arith.subf %gather3A_537, %gather3A_525 : vector<16xf32>
        %sub3A_545 = arith.subf %gather3A_542, %gather3A_529 : vector<16xf32>
        %mul3A_546 = arith.mulf %sub3A_543, %sub3A_543 : vector<16xf32>
        %mul3A_547 = arith.mulf %sub3A_544, %sub3A_544 : vector<16xf32>
        %add3A_548 = arith.addf %mul3A_546, %mul3A_547 : vector<16xf32>
        %mul3A_549 = arith.mulf %sub3A_545, %sub3A_545 : vector<16xf32>
        %add3A_550 = arith.addf %add3A_548, %mul3A_549 : vector<16xf32>
        %mul3A_551 = arith.constant 3 : i32
        %mul3A_552 = arith.muli %add3A_326, %mul3A_551 : i32
        %min3A_553 = arith.constant 2 : i32
        %min3A_554 = vector.broadcast %min3A_553 : i32 to vector<16xi32>
        %min3A_555 = arith.minsi %iota3A, %min3A_554 : vector<16xi32>
        %add3A_556 = vector.broadcast %mul3A_552 : i32 to vector<16xi32>
        %add3A_557 = arith.addi %add3A_556, %min3A_555 : vector<16xi32>
        %lt3A_558 = arith.constant 3 : i32
        %lt3A_559 = vector.broadcast %lt3A_558 : i32 to vector<16xi32>
        %lt3A_560 = arith.cmpi slt, %iota3A, %lt3A_559 : vector<16xi32>
        tpu.vector_store_idx %arg10[%add3A_557], %add3A_550 masked %lt3A_560 : memref<768xf32, #tpu.memory_space<vmem>>[vector<16xi32>], vector<16xf32>, vector<16xi1>
        %scan3A_561 = arith.constant 0 : i32
        scf.yield %scan3A_561 : i32
      }
      %scan3A_73 = arith.constant 4 : i32
      %scan3A_74 = arith.constant 0 : i32
      scf.yield %scan3A_74 : i32
    }
    %scan3A_31 = arith.constant 16 : i32
    "tpu.region"() ({
      %run_scoped3A = tpu.sem_alloc : memref<!tpu.dma_semaphore, #tpu.memory_space<semaphore_mem>>
      %dma_start3A_32 = arith.constant 0 : i32
      %dma_start3A_33 = tpu.memref_slice %arg5[%add3A, %dma_start3A_32] : memref<32x768xf32, #tpu.memory_space<hbm>> -> memref<1x768xf32, #tpu.memory_space<hbm>>
      %dma_start3A_34 = tpu.memref_squeeze %dma_start3A_33 : memref<1x768xf32, #tpu.memory_space<hbm>> -> memref<768xf32, #tpu.memory_space<hbm>>
      %dma_start3A_35 = arith.constant 0 : i32
      %dma_start3A_36 = tpu.memref_slice %arg5[%add3A, %dma_start3A_35] : memref<32x768xf32, #tpu.memory_space<hbm>> -> memref<1x768xf32, #tpu.memory_space<hbm>>
      %dma_start3A_37 = tpu.memref_squeeze %dma_start3A_36 : memref<1x768xf32, #tpu.memory_space<hbm>> -> memref<768xf32, #tpu.memory_space<hbm>>
      tpu.enqueue_dma source(%arg10 : memref<768xf32, #tpu.memory_space<vmem>>) target(%dma_start3A_37 : memref<768xf32, #tpu.memory_space<hbm>>) target_semaphore(%run_scoped3A : memref<!tpu.dma_semaphore, #tpu.memory_space<semaphore_mem>>)
      %dma_wait3A = arith.constant 0 : i32
      %dma_wait3A_38 = tpu.memref_slice %arg5[%add3A, %dma_wait3A] : memref<32x768xf32, #tpu.memory_space<hbm>> -> memref<1x768xf32, #tpu.memory_space<hbm>>
      %dma_wait3A_39 = tpu.memref_squeeze %dma_wait3A_38 : memref<1x768xf32, #tpu.memory_space<hbm>> -> memref<768xf32, #tpu.memory_space<hbm>>
      %dma_wait3A_40 = arith.constant 0 : i32
      %dma_wait3A_41 = tpu.memref_slice %arg5[%add3A, %dma_wait3A_40] : memref<32x768xf32, #tpu.memory_space<hbm>> -> memref<1x768xf32, #tpu.memory_space<hbm>>
      %dma_wait3A_42 = tpu.memref_squeeze %dma_wait3A_41 : memref<1x768xf32, #tpu.memory_space<hbm>> -> memref<768xf32, #tpu.memory_space<hbm>>
      tpu.wait_dma2 semaphore(%run_scoped3A : memref<!tpu.dma_semaphore, #tpu.memory_space<semaphore_mem>>) src(%arg10 : memref<768xf32, #tpu.memory_space<vmem>>) dst(%dma_wait3A_42 : memref<768xf32, #tpu.memory_space<hbm>>)
      tpu.yield
    }) : () -> ()
    return
  }
}

module attributes {stable_mosaic.version = 14 : i64} {
  func.func @_rank_body(%arg0: i32, %arg1: memref<256x3xf32, #tpu.memory_space<vmem>>, %arg2: memref<3x4096xf32, #tpu.memory_space<vmem>>, %arg3: memref<256x4096xf32, #tpu.memory_space<vmem>>) attributes {dimension_semantics = [#tpu.dimension_semantics<arbitrary>], iteration_bounds = array<i64: 32>, scalar_prefetch = 0 : i64, scratch_operands = 0 : i64, tpu.core_type = #tpu.core_type<tc>, window_params = [{transform_indices = @transform_0, window_bounds = array<i64: 256, 3>}, {pipeline_mode = #tpu.pipeline_mode<synchronous>, transform_indices = @transform_1, window_bounds = array<i64: 3, 4096>}, {transform_indices = @transform_2, window_bounds = array<i64: 256, 4096>}]} {
    %get3A = arith.constant 0 : index
    %get3A_0 = arith.constant 0 : index
    %get3A_1 = vector.load %arg1[%get3A, %get3A_0] : memref<256x3xf32, #tpu.memory_space<vmem>>, vector<256x3xf32>
    %get3A_2 = arith.constant 0 : index
    %get3A_3 = arith.constant 0 : index
    %get3A_4 = vector.load %arg2[%get3A_2, %get3A_3] : memref<3x4096xf32, #tpu.memory_space<vmem>>, vector<3x4096xf32>
    %convert_element_type3A = arith.truncf %get3A_1 : vector<256x3xf32> to vector<256x3xbf16>
    %convert_element_type3A_5 = arith.truncf %get3A_4 : vector<3x4096xf32> to vector<3x4096xbf16>
    %dot_general3A = arith.constant dense<0.000000e+00> : vector<256x4096xf32>
    %dot_general3A_6 = tpu.matmul %convert_element_type3A, %convert_element_type3A_5, %dot_general3A {dimension_numbers = #tpu.dot_dimension_numbers<[1], [0], [0], [1], [0, 0, 1, 1], [], []>, transpose_lhs_hint = false} : vector<256x3xbf16>, vector<3x4096xbf16>, vector<256x4096xf32> -> vector<256x4096xf32>
    %slice3A = vector.extract_strided_slice %get3A_1 {offsets = [0, 0], sizes = [256, 1], strides = [1, 1]} : vector<256x3xf32> to vector<256x1xf32>
    %integer_pow3A = arith.mulf %slice3A, %slice3A : vector<256x1xf32>
    %slice3A_7 = vector.extract_strided_slice %get3A_1 {offsets = [0, 1], sizes = [256, 1], strides = [1, 1]} : vector<256x3xf32> to vector<256x1xf32>
    %integer_pow3A_8 = arith.mulf %slice3A_7, %slice3A_7 : vector<256x1xf32>
    %add3A = arith.addf %integer_pow3A, %integer_pow3A_8 : vector<256x1xf32>
    %slice3A_9 = vector.extract_strided_slice %get3A_1 {offsets = [0, 2], sizes = [256, 1], strides = [1, 1]} : vector<256x3xf32> to vector<256x1xf32>
    %integer_pow3A_10 = arith.mulf %slice3A_9, %slice3A_9 : vector<256x1xf32>
    %add3A_11 = arith.addf %add3A, %integer_pow3A_10 : vector<256x1xf32>
    %slice3A_12 = vector.extract_strided_slice %get3A_4 {offsets = [0, 0], sizes = [1, 4096], strides = [1, 1]} : vector<3x4096xf32> to vector<1x4096xf32>
    %integer_pow3A_13 = arith.mulf %slice3A_12, %slice3A_12 : vector<1x4096xf32>
    %slice3A_14 = vector.extract_strided_slice %get3A_4 {offsets = [1, 0], sizes = [1, 4096], strides = [1, 1]} : vector<3x4096xf32> to vector<1x4096xf32>
    %integer_pow3A_15 = arith.mulf %slice3A_14, %slice3A_14 : vector<1x4096xf32>
    %add3A_16 = arith.addf %integer_pow3A_13, %integer_pow3A_15 : vector<1x4096xf32>
    %slice3A_17 = vector.extract_strided_slice %get3A_4 {offsets = [2, 0], sizes = [1, 4096], strides = [1, 1]} : vector<3x4096xf32> to vector<1x4096xf32>
    %integer_pow3A_18 = arith.mulf %slice3A_17, %slice3A_17 : vector<1x4096xf32>
    %add3A_19 = arith.addf %add3A_16, %integer_pow3A_18 : vector<1x4096xf32>
    %mul3A = arith.constant -2.000000e+00 : f32
    %mul3A_20 = vector.broadcast %mul3A : f32 to vector<256x4096xf32>
    %mul3A_21 = arith.mulf %mul3A_20, %dot_general3A_6 : vector<256x4096xf32>
    %add3A_22 = vector.broadcast %add3A_11 : vector<256x1xf32> to vector<256x4096xf32>
    %add3A_23 = arith.addf %mul3A_21, %add3A_22 : vector<256x4096xf32>
    %add3A_24 = vector.broadcast %add3A_19 : vector<1x4096xf32> to vector<256x4096xf32>
    %add3A_25 = arith.addf %add3A_23, %add3A_24 : vector<256x4096xf32>
    %swap3A = arith.constant 0 : index
    %swap3A_26 = arith.constant 0 : index
    %swap3A_27 = vector.load %arg3[%swap3A, %swap3A_26] : memref<256x4096xf32, #tpu.memory_space<vmem>>, vector<256x4096xf32>
    tpu.vector_store %arg3[%swap3A, %swap3A_26], %add3A_25 {strides = array<i32>} : memref<256x4096xf32, #tpu.memory_space<vmem>>, vector<256x4096xf32>,
    return
  }
  func.func @transform_0(%arg0: i32) -> (i32, i32) {
    %c0_i32 = arith.constant 0 : i32
    %c0_i32_0 = arith.constant 0 : i32
    return %arg0, %c0_i32 : i32, i32
  }
  func.func @transform_1(%arg0: i32) -> (i32, i32) {
    %c0_i32 = arith.constant 0 : i32
    %c0_i32_0 = arith.constant 0 : i32
    %c0_i32_1 = arith.constant 0 : i32
    return %c0_i32, %c0_i32_0 : i32, i32
  }
  func.func @transform_2(%arg0: i32) -> (i32, i32) {
    %c0_i32 = arith.constant 0 : i32
    %c0_i32_0 = arith.constant 0 : i32
    return %arg0, %c0_i32 : i32, i32
  }
}

module attributes {stable_mosaic.version = 14 : i64} {
  func.func @_out_body(%arg0: i32, %arg1: memref<256x3xf32, #tpu.memory_space<vmem>>, %arg2: memref<4096x3xf32, #tpu.memory_space<vmem>>, %arg3: memref<4096x256xf32, #tpu.memory_space<vmem>>) attributes {dimension_semantics = [#tpu.dimension_semantics<arbitrary>], iteration_bounds = array<i64: 32>, scalar_prefetch = 0 : i64, scratch_operands = 0 : i64, tpu.core_type = #tpu.core_type<tc>, window_params = [{transform_indices = @transform_0, window_bounds = array<i64: 256, 3>}, {pipeline_mode = #tpu.pipeline_mode<synchronous>, transform_indices = @transform_1, window_bounds = array<i64: 4096, 3>}, {transform_indices = @transform_2, window_bounds = array<i64: 4096, 256>}]} {
    %get3A = arith.constant 0 : index
    %get3A_0 = arith.constant 0 : index
    %get3A_1 = vector.load %arg1[%get3A, %get3A_0] : memref<256x3xf32, #tpu.memory_space<vmem>>, vector<256x1xf32>
    %sqrt3A = math.sqrt %get3A_1 : vector<256x1xf32>
    %max3A = arith.constant 1.000000e-10 : f32
    %max3A_2 = vector.broadcast %max3A : f32 to vector<256x1xf32>
    %max3A_3 = arith.maximumf %sqrt3A, %max3A_2 : vector<256x1xf32>
    %div3A = arith.constant 1.000000e+00 : f32
    %div3A_4 = vector.broadcast %div3A : f32 to vector<256x1xf32>
    %div3A_5 = arith.divf %div3A_4, %max3A_3 : vector<256x1xf32>
    %get3A_6 = arith.constant 0 : index
    %get3A_7 = arith.constant 1 : index
    %get3A_8 = vector.load %arg1[%get3A_6, %get3A_7] : memref<256x3xf32, #tpu.memory_space<vmem>>, vector<256x1xf32>
    %sqrt3A_9 = math.sqrt %get3A_8 : vector<256x1xf32>
    %max3A_10 = arith.constant 1.000000e-10 : f32
    %max3A_11 = vector.broadcast %max3A_10 : f32 to vector<256x1xf32>
    %max3A_12 = arith.maximumf %sqrt3A_9, %max3A_11 : vector<256x1xf32>
    %div3A_13 = arith.constant 1.000000e+00 : f32
    %div3A_14 = vector.broadcast %div3A_13 : f32 to vector<256x1xf32>
    %div3A_15 = arith.divf %div3A_14, %max3A_12 : vector<256x1xf32>
    %get3A_16 = arith.constant 0 : index
    %get3A_17 = arith.constant 2 : index
    %get3A_18 = vector.load %arg1[%get3A_16, %get3A_17] : memref<256x3xf32, #tpu.memory_space<vmem>>, vector<256x1xf32>
    %sqrt3A_19 = math.sqrt %get3A_18 : vector<256x1xf32>
    %max3A_20 = arith.constant 1.000000e-10 : f32
    %max3A_21 = vector.broadcast %max3A_20 : f32 to vector<256x1xf32>
    %max3A_22 = arith.maximumf %sqrt3A_19, %max3A_21 : vector<256x1xf32>
    %div3A_23 = arith.constant 1.000000e+00 : f32
    %div3A_24 = vector.broadcast %div3A_23 : f32 to vector<256x1xf32>
    %div3A_25 = arith.divf %div3A_24, %max3A_22 : vector<256x1xf32>
    %add3A = arith.addf %div3A_5, %div3A_15 : vector<256x1xf32>
    %add3A_26 = arith.addf %add3A, %div3A_25 : vector<256x1xf32>
    %concatenate3A = tpu.concatenate %div3A_5, %div3A_15, %div3A_25 in 1 : vector<256x1xf32>, vector<256x1xf32>, vector<256x1xf32> -> vector<256x3xf32>
    %div3A_27 = vector.broadcast %add3A_26 : vector<256x1xf32> to vector<256x3xf32>
    %div3A_28 = arith.divf %concatenate3A, %div3A_27 : vector<256x3xf32>
    %get3A_29 = arith.constant 0 : index
    %get3A_30 = arith.constant 0 : index
    %get3A_31 = vector.load %arg2[%get3A_29, %get3A_30] : memref<4096x3xf32, #tpu.memory_space<vmem>>, vector<4096x3xf32>
    %dot_general3A = arith.constant dense<0.000000e+00> : vector<4096x256xf32>
    %dot_general3A_32 = tpu.matmul %get3A_31, %div3A_28, %dot_general3A {dimension_numbers = #tpu.dot_dimension_numbers<[1], [1], [0], [0], [0, 0, 1, 0], [], []>, transpose_lhs_hint = false} : vector<4096x3xf32>, vector<256x3xf32>, vector<4096x256xf32> -> vector<4096x256xf32>
    %swap3A = arith.constant 0 : index
    %swap3A_33 = arith.constant 0 : index
    %swap3A_34 = vector.load %arg3[%swap3A, %swap3A_33] : memref<4096x256xf32, #tpu.memory_space<vmem>>, vector<4096x256xf32>
    tpu.vector_store %arg3[%swap3A, %swap3A_33], %dot_general3A_32 {strides = array<i32>} : memref<4096x256xf32, #tpu.memory_space<vmem>>, vector<4096x256xf32>,
    return
  }
  func.func @transform_0(%arg0: i32) -> (i32, i32) {
    %c0_i32 = arith.constant 0 : i32
    %c0_i32_0 = arith.constant 0 : i32
    return %arg0, %c0_i32 : i32, i32
  }
  func.func @transform_1(%arg0: i32) -> (i32, i32) {
    %c0_i32 = arith.constant 0 : i32
    %c0_i32_0 = arith.constant 0 : i32
    %c0_i32_1 = arith.constant 0 : i32
    return %c0_i32, %c0_i32_0 : i32, i32
  }
  func.func @transform_2(%arg0: i32) -> (i32, i32) {
    %c0_i32 = arith.constant 0 : i32
    %c0_i32_0 = arith.constant 0 : i32
    return %c0_i32, %arg0 : i32, i32
  }
}

</mosaic_0001>

<sc_bundles>
// kernel: kernel.5.cloned.1.call-start
scs
__scs_entry_jumppad:
0x0: {  	(pc) =	sbr.rel $0x88, $3  }
0x1: {  	(tag) =	ssettag $0x0;
	lr =	simm.s32 $0x1  }
0x2: {  	[smem:$0x3F9E] =	sst lr;
	_ =	strace $0xD0000000  }
0x3: {  	_ = 	snop  }
0x4: {  	_ = 	snop  }
0x5: {  	_ = 	snop  }
0x6: {  	_ = 	snop  }
0x7: {  	_ = 	snop  }
__scs_overlays_trampoline_lowered:
0x8: {  	[smem:$0x3FAD] =	sst s0  }
0x9: {  	[smem:$0x3FAE] =	sst s1  }
0xa: {  	[smem:$0x3FAF] =	sst s2  }
0xb: {  	[smem:$0x3FB0] =	sst s3  }
0xc: {  	[smem:$0x3FB1] =	sst s4  }
0xd: {  	[smem:$0x3FB2] =	sst s5  }
0xe: {  	[smem:$0x3FB3] =	sst s6  }
0xf: {  	[smem:$0x3FB4] =	sst s7  }
0x10: {  	[smem:$0x3FB5] =	sst s8  }
0x11: {  	[smem:$0x3FB6] =	sst s9;
	s0 =	simm.s32 @!p0 $0x0  }
0x12: {  	s1 =	sld [smem:$0x3F9C];
	s0 =	simm.s32 @p0 $0x1  }
0x13: {  	[smem:$0x3FB7] =	sst s0;
	s0 =	simm.s32 @!p1 $0x0  }
0x14: {  	s2 =	sld [smem:$0x3F9B];
	s0 =	simm.s32 @p1 $0x1  }
0x15: {  	[smem:$0x3FB8] =	sst s0;
	s0 =	simm.s32 @!p2 $0x0  }
0x16: {  	s3 =	sld [smem:$0x3FDB];
	s0 =	simm.s32 @p2 $0x1  }
0x17: {  	s4 =	simm.s32 $0x1BF5;
	[smem:$0x3FBA] =	sst s0  }
0x18: {  	s0 =	sld [smem:$0x3F9D];
	_ =	swait.ge [sflag:s4], $0x0  }
0x19: {  	s7 =	sld [smem:$0x3F9E]  }
0x1a: {  	s8 =	sadd.s32 $0xFFFFE003, lr  }
0x1b: {  	s9 =	sadd.s32 $0xFFFFFEF7, lr;
	s5 =	simm.s32 $0xFFFFFFFF;
	p2 =	slt.u32 s8, $0xFFFFF086  }
0x1c: {  	p1 =	slt.u32 s9, $0xF7A;
	s5 =	simm.s32 @!p2 $0x0  }
0x1d: {  	s5 =	simm.s32 @p1 $0x1;
	p0 =	seq.s32 s7, s2  }
0x1e: {  	s7 =	smul.u32 @!p0 $0xF7A, s2;
	p2 =	seq.s32 @!p0 s5, $0x0  }
0x1f: {  	s9 =	smul.u32 $0xF7A, s1;
	s8 =	simm.s32 @!p0 $0x1BF5;
	p2 =	por !p2, p0  }
0x20: {  	[sflag:s8] =	ssyncset.s32 @!p0 $0xFFFFF086;
	s6 =	sadd.s32 @!p0 s3, s7;
	s7 =	simm.s32 @!p0 $0x108  }
0x21: {  	s3 =	sadd.s32 s3, s9;
	s6 =	sadd.s32 @!p0 $0x88, s6;
	s7 =	simm.s32 @p2 $0x1082  }
0x22: {  	[simem:s7], [sflag:s8] =	dma.local @!p0 [hbm:s6], $0xF7A  }
0x23: {  	s9 =	sor.u32 $0xD0000000, s2;
	s6 =	simm.s32 $0x108;
	_ =	swait.ge @!p0 [sflag:s8], $0x0  }
0x24: {  	s3 =	sadd.s32 $0x88, s3;
	s6 =	simm.s32 @!p1 $0x1082;
	[sflag:s4] =	ssyncset.s32 $0xFFFFF086  }
0x25: {  	[simem:s6], [sflag:s4] =	dma.local [hbm:s3], $0xF7A  }
0x26: {  	[smem:$0x3F9E] =	sst s1;
	(tag) =	ssettag s2;
	_ =	strace s9  }
0x27: {  	s1 =	sld [smem:$0x3FAE]  }
0x28: {  	s2 =	sld [smem:$0x3FAF]  }
0x29: {  	s4 =	sld [smem:$0x3FB1]  }
0x2a: {  	p0 =	seq.s32 s5, $0x0;
	s5 =	sld [smem:$0x3FB2]  }
0x2b: {  	s6 =	sld [smem:$0x3FB3]  }
0x2c: {  	s7 =	sld [smem:$0x3FB4]  }
0x2d: {  	s3 =	simm.s32 $0x108;
	s8 =	sld [smem:$0x3FB5]  }
0x2e: {  	s3 =	simm.s32 @!p0 $0x1082;
	s9 =	sld [smem:$0x3FB6]  }
0x2f: {  	lr =	sadd.s32 s0, s3;
	s0 =	sld [smem:$0x3FAD]  }
0x30: {  	s3 =	sld [smem:$0x3FB0]  }
0x31: {  	[smem:$0x3FB9] =	sst s10  }
0x32: {  	s10 =	sld [smem:$0x3FB7];
	_ =	sdelay $0x3  }
0x33: {  	p0 =	seq.s32 s10, $0x1;
	s10 =	sld [smem:$0x3FB9];
	_ =	sdelay $0x3  }
0x34: {  	[smem:$0x3FB9] =	sst s10  }
0x35: {  	s10 =	sld [smem:$0x3FB8];
	_ =	sdelay $0x3  }
0x36: {  	p1 =	seq.s32 s10, $0x1;
	s10 =	sld [smem:$0x3FB9];
	_ =	sdelay $0x3  }
0x37: {  	[smem:$0x3FB9] =	sst s10  }
0x38: {  	s10 =	sld [smem:$0x3FBA]  }
0x39: {  	_ = 	snop;
	(pc) =	sbr.ind lr, $3  }
0x3a: {  	_ = 	snop  }
0x3b: {  	_ = 	snop  }
0x3c: {  	p2 =	seq.s32 s10, $0x1;
	s10 =	sld [smem:$0x3FB9]  }
0x3d: {  	_ =	shalt  }
0x3e: {  	_ =	shalt  }
0x3f: {  	_ =	shalt  }
0x40: {  	_ =	shalt  }
0x41: {  	_ =	shalt  }
0x42: {  	_ =	shalt  }
0x43: {  	_ =	shalt  }
0x44: {  	_ =	shalt  }
0x45: {  	_ =	shalt  }
0x46: {  	_ =	shalt  }
0x47: {  	_ =	shalt  }
0x48: {  	_ =	shalt  }
0x49: {  	_ =	shalt  }
0x4a: {  	_ =	shalt  }
0x4b: {  	_ =	shalt  }
0x4c: {  	_ =	shalt  }
0x4d: {  	_ =	shalt  }
0x4e: {  	_ =	shalt  }
0x4f: {  	_ =	shalt  }
0x50: {  	_ =	shalt  }
0x51: {  	_ =	shalt  }
0x52: {  	_ =	shalt  }
0x53: {  	_ =	shalt  }
0x54: {  	_ =	shalt  }
0x55: {  	_ =	shalt  }
0x56: {  	_ =	shalt  }
0x57: {  	_ =	shalt  }
0x58: {  	_ =	shalt  }
0x59: {  	_ =	shalt  }
0x5a: {  	_ =	shalt  }
0x5b: {  	_ =	shalt  }
0x5c: {  	_ =	shalt  }
0x5d: {  	_ =	shalt  }
0x5e: {  	_ =	shalt  }
0x5f: {  	_ =	shalt  }
0x60: {  	_ =	shalt  }
0x61: {  	_ =	shalt  }
0x62: {  	_ =	shalt  }
0x63: {  	_ =	shalt  }
0x64: {  	_ =	shalt  }
0x65: {  	_ =	shalt  }
0x66: {  	_ =	shalt  }
0x67: {  	_ =	shalt  }
0x68: {  	_ =	shalt  }
0x69: {  	_ =	shalt  }
0x6a: {  	_ =	shalt  }
0x6b: {  	_ =	shalt  }
0x6c: {  	_ =	shalt  }
0x6d: {  	_ =	shalt  }
0x6e: {  	_ =	shalt  }
0x6f: {  	_ =	shalt  }
0x70: {  	_ =	shalt  }
0x71: {  	_ =	shalt  }
0x72: {  	_ =	shalt  }
0x73: {  	_ =	shalt  }
0x74: {  	_ =	shalt  }
0x75: {  	_ =	shalt  }
0x76: {  	_ =	shalt  }
0x77: {  	_ =	shalt  }
0x78: {  	_ =	shalt  }
0x79: {  	_ =	shalt  }
0x7a: {  	_ =	shalt  }
0x7b: {  	_ =	shalt  }
0x7c: {  	_ =	shalt  }
0x7d: {  	_ =	shalt  }
0x7e: {  	_ =	shalt  }
0x7f: {  	_ =	shalt  }
0x80: {  	_ =	shalt  }
0x81: {  	_ =	shalt  }
0x82: {  	_ =	shalt  }
0x83: {  	_ =	shalt  }
0x84: {  	_ =	shalt  }
0x85: {  	_ =	shalt  }
0x86: {  	_ =	shalt  }
0x87: {  	_ =	shalt  }
.Lfunc_end0:
.L_simem_size_0:
called_computation_lowered:
.L_overlay_start_0:
0x88: {  	s2 =	sld [smem:$0x3FD9]  }
0x89: {  	s3 =	sld [smem:$0x3FFE];
	_ =	sdelay $0x1  }
0x8a: {  	s1 =	srdreg.scid  }
0x8b: {  	s0 =	sand.u32 $0x1, s1  }
0x8c: {  	s17 =	sshll.u32 s0, $0xA;
	s2 =	sadd.s32 s3, s2  }
0x8d: {  	s2 =	sadd.s32 s2, s17  }
0x8e: {  	[smem:$0x3FC5] =	sst s2  }
0x8f: {  	_ = 	snop  }
0x90: {  	s2 =	sld [smem:$0x3FC9]  }
0x91: {  	s18 =	sld [smem:$0x3FC8]  }
0x92: {  	s4 =	sld [smem:$0x3FD0];
	(tm) =	ssettm $0x1  }
0x93: {  	s5 =	sld [smem:$0x3FFB];
	_ =	sdelay $0x3  }
0x94: {  	_ =	strace s5  }
0x95: {  	s5 =	sld [smem:$0x3FFC];
	_ =	sdelay $0x3  }
0x96: {  	_ =	strace s5  }
0x97: {  	s5 =	sld [smem:$0x3FFD];
	_ =	sdelay $0x3  }
0x98: {  	_ =	strace s5  }
0x99: {  	_ =	strace $0x8FFFFFFF  }
0x9a: {  	s19 =	sld [smem:$0x3FDB];
	_ =	sdelay $0x1  }
0x9b: {  	s6 =	simm.s32 $_scs_section_size  }
0x9c: {  	s7 =	simm.s32 $_size__tile_overlayer_lowered;
	s8 =	simm.s32 $_tile_overlayer_lowered  }
0x9d: {  	s22 =	simm.s32 $0x1BFF;
	s21 =	sshll.u32 s8, $0x1;
	s5 =	sadd.s32 s6, s19  }
0x9e: {  	s9 =	simm.s32 $0x0;
	s20 =	sshll.u32 s7, $0x1;
	s7 =	sadd.s32 s21, s5  }
0x9f: {  	[timem:s9], [sflag:s22] =	dma.local [hbm:s7], s20  }
0xa0: {  	_ =	swait.ge [sflag:s22], s20  }
0xa1: {  	s6 =	ssub.s32 $0x0, s20;
	[sflag:s22] =	ssyncset.done $0x0  }
0xa2: {  	[sflag:s22] =	ssyncadd.s32 s6;
	_ =	sdelay $0x1  }
0xa3: {  	s23 =	simm.s32 $0x1B8B  }
0xa4: {  	_ =	swait.ge [sflag:s23], $0x1  }
0xa5: {  	[sflag:s23] =	ssyncset.done $0x0  }
0xa6: {  	s25 =	simm.s32 $0x1B8E;
	s24 =	sld [smem:$0x3FFE];
	[sflag:s23] =	ssyncadd.s32 $0xFFFFFFFF  }
0xa7: {  	s26 =	simm.s32 $execute0_lowered;
	[smem:$0x3FD2] =	sst s25  }
0xa8: {  	s7 =	sshll.u32 s26, $0x1;
	_ =	strace $0x80000046;
	[dreg:$0x1] =	wrdreg $0xFFFFFFFF  }
0xa9: {  	s28 =	simm.s32 $_size_execute0_lowered;
	s5 =	sadd.s32 s5, s7;
	[dreg:$0x0] =	wrdreg $0x0  }
0xaa: {  	s7 =	sshll.u32 s28, $0x1;
	[dreg:$0x2] =	wrdreg s5  }
0xab: {  	[dreg:$0x3] =	wrdreg s7  }
0xac: {  	[dreg:$0x4] =	wrdreg $0xC0  }
0xad: {  	_ =	task [dreg:s9], $0x5FFFF  }
0xae: {  	[dreg:$0x1] =	wrdreg $0xFFFFFFFF  }
0xaf: {  	[dreg:$0x0] =	wrdreg $0x60  }
0xb0: {  	[dreg:$0x2] =	wrdreg s4  }
0xb1: {  	[dreg:$0x3] =	wrdreg s2  }
0xb2: {  	[dreg:$0x4] =	wrdreg s18  }
0xb3: {  	[dreg:$0x5] =	wrdreg s24  }
0xb4: {  	[dreg:$0x6] =	wrdreg $0x9  }
0xb5: {  	_ =	task.clear_ibuf [dreg:s9], $0x7FFFF;
	_ =	strace $0x90000046  }
0xb6: {  	s29 =	simm.s32 $0x9;
	_ =	strace $0x80000048  }
0xb7: {  	_ =	swait.ge [sflag:s29], $0x1  }
0xb8: {  	[sflag:s29] =	ssyncadd.s32 $0xFFFFFFFF  }
0xb9: {  	_ =	strace $0x90000048  }
0xba: {  	_ =	sfence  }
0xbb: {  	s30 =	sld [smem:$0x0];
	_ =	sdelay $0x2  }
0xbc: {  	s31 =	sshll.u32 s1, $0xD;
	s1 =	sshrl.u32 s1, $0x2  }
0xbd: {  	s3 =	sand.u32 $0x4000, s31;
	s1 =	sadd.s32 s1, s30  }
0xbe: {  	s0 =	sor.u32 s3, s0;
	s1 =	sshll.u32 s1, $0x11  }
0xbf: {  	s0 =	sor.u32 s1, s0  }
0xc0: {  	s0 =	sadd.s32 $0x8F2B, s0  }
0xc1: {  	[sflag:s0] =	ssyncadd.remote.s32 $0x1  }
0xc2: {  	_ =	sfence.sel $0xFFFF  }
0xc3: {  	[dreg:$0x0] =	wrdreg $0xFFFFFFFF;
	(pc) =	sbr.abs _section_cstart, $3  }
0xc4: {  	[dreg:$0x1] =	wrdreg $0xFFFFFFFF  }
0xc5: {  	_ =	task.clear_ibuf [dreg:s9], $0x2FFFF;
	_ =	strace $0x9FFFFFFF  }
0xc6: {  	(tm) =	ssettm $0x7FFFFFFF  }
0xc7: {  	_ =	shalt  }
tec
execute0_lowered:
.L_overlay_start_1:
0x0: {  	(tag) =	ssettag $0x1  }
0x1: {  	s1 =	rddreg [dreg:$0x0]  }
0x2: {  	s0 =	rddreg [dreg:$0x1];
	s2 =	srdreg.scid  }
0x3: {  	v0 =	vimm.s32 $0xFEDCBA98;
	s5 =	stileid.u32;
	v1 =	vimm.s32 $0x76543210;
	s4 =	rddreg [dreg:$0x3];
	s24 =	simm.s32 $0x0  }
0x4: {  	v2 =	vimm.s32 $0xBA98FEDC;
	v3 =	vimm.s32 $0x32107654;
	s13 =	simm.s32 $0x10000;
	s14 =	simm.s32 $0x3;
	s15 =	simm.s32 $0x13000  }
0x5: {  	v4 =	vimm.s32 $0xDCFE98BA;
	v5 =	vimm.s32 $0x54761032;
	s18 =	simm.s32 $0x1;
	s19 =	simm.s32 $0x8000;
	s20 =	simm.s32 $0x13300  }
0x6: {  	v6 =	vimm.s32 $0xEFCDAB89;
	v7 =	vimm.s32 $0x67452301;
	vm2 =	vcmask $0xF00;
	s21 =	simm.s32 $0x2;
	s2 =	sand.u32 $0x1, s2;
	s3 =	sshll.u32 s5, $0x1  }
0x7: {  	vm0 =	vcmask $0x3F0C;
	vm1 =	vcmask $0x3F08;
	v0 =	vunpack.c.l.s4.s8 v0;
	s5 =	sshrl.u32 s5, $0x2;
	[smem:$0x7FF] =	sst s24;
	s7 =	sor.u32 s2, s3  }
0x8: {  	v1 =	vunpack.c.l.s4.s8 v1;
	v2 =	vunpack.c.l.s4.s8 v2;
	v3 =	vunpack.c.l.s4.s8 v3;
	s5 =	smul.u32 $0x1800, s5;
	_ =	strace $0x80000047;
	s2 =	ssub.s32 $0x2, s2  }
0x9: {  	v4 =	vunpack.c.l.s4.s8 v4;
	v5 =	vunpack.c.l.s4.s8 v5;
	v6 =	vunpack.c.l.s4.s8 v6;
	s6 =	sshll.u32 s7, $0x7;
	s25 =	sshrl.u32 s2, $0x1;
	s26 =	sshll.u32 s7, $0x5  }
0xa: {  	v7 =	vunpack.c.l.s4.s8 v7;
	v0 =	vunpack.c.0.s8.s32 v0;
	s29 =	sshll.u32 s7, $0x11;
	v2 =	vunpack.c.0.s8.s32 v2;
	s6 =	sand.u32 $0x380, s6;
	s28 =	sadd.s32 s0, s26  }
0xb: {  	v3 =	vunpack.c.0.s8.s32 v3;
	v4 =	vunpack.c.0.s8.s32 v4;
	v5 =	vunpack.c.0.s8.s32 v5;
	s2 =	ssub.s32 s2, s25;
	s0 =	sadd.s32 s1, s29;
	[dreg:$0x7] =	wrdreg s28  }
0xc: {  	v1 =	vunpack.c.0.s8.s32 v1;
	v6 =	vunpack.c.0.s8.s32 v6;
	v7 =	vunpack.c.0.s8.s32 v7;
	s5 =	sor.u32 s5, s6;
	s6 =	sadd.s32 $0x400, s28;
	[dreg:$0xa] =	wrdreg s0  }
0xd: {  	s3 =	sadd.s32 $0x800, s28;
	v2 =	vcombine.low v3, v2;
	v3 =	vcombine.low v5, v4;
	v5 =	vimm.s32 $0x2020100;
	s5 =	sshrl.u32 s5, $0x3;
	[dreg:$0x8] =	wrdreg s6  }
0xe: {  	v0 =	vand.u32 $0xF, v0;
	s31 =	smax.u32 s2, $0x1;
	v4 =	vcombine.low v7, v6;
	[dreg:$0x9] =	wrdreg s3;
	v5 =	vunpack.c.0.s8.s32 v5;
	s4 =	sadd.s32 s5, s4  }
0xf: {  	v0 =	vcombine.low v0, v1;
	[dreg:$0xc] =	wrdreg s31;
	v1 =	vlaneseq.u32;
	s5 =	sshll.u32 s7, $0x8;
	v2 =	vand.u32 $0xF, v2;
	s30 =	sadd.s32 $0x800, s4  }
0x10: {  	s2 =	simm.s32 $0x0;
	v3 =	vand.u32 $0xF, v3;
	v4 =	vand.u32 $0xF, v4;
	s10 =	sor.u32 $0x10, s5;
	v5 =	vnsel vm2, $0x2, v5;
	[dreg:$0xb] =	wrdreg s30  }
.LBB2_1:
0x11: {  	[dreg:$0xd] =	wrdreg s2  }
0x12: {  	s0 =	rddreg [dreg:$0x2];
	s25 =	simm.s32 $0x0  }
0x13: {  	[tilespmem:s13], [sflag:$0x3] =	stream.linear.gather [hbm4b:s0+s25], $0x3000, $0x38;
	[tilespmem:$0x13600] =	vst v63  }
0x14: {  	_ =	swait.ge [sflag:s14], $0x3000  }
0x15: {  	[sflag:s14] =	ssyncset.done $0x0  }
0x16: {  	s26 =	rddreg [dreg:$0x7];
	[sflag:s14] =	ssyncadd.s32 $0xFFFFD000  }
0x17: {  	[tilespmem:s15], [sflag:$0x3] =	stream.linear.gather [hbm4b:s26+s25], $0x100, $0x38;
	[tilespmem:$0x13600] =	vst v63  }
0x18: {  	_ =	swait.ge [sflag:s14], $0x100  }
0x19: {  	[sflag:s14] =	ssyncset.done $0x0  }
0x1a: {  	s3 =	simm.s32 $0x13100;
	s28 =	rddreg [dreg:$0x8];
	[sflag:s14] =	ssyncadd.s32 $0xFFFFFF00  }
0x1b: {  	[tilespmem:s3], [sflag:$0x3] =	stream.linear.gather [hbm4b:s28+s25], $0x100, $0x38;
	[tilespmem:$0x13600] =	vst v63  }
0x1c: {  	_ =	swait.ge [sflag:s14], $0x100  }
0x1d: {  	[sflag:s14] =	ssyncset.done $0x0  }
0x1e: {  	s30 =	simm.s32 $0x13200;
	s29 =	rddreg [dreg:$0x9];
	[sflag:s14] =	ssyncadd.s32 $0xFFFFFF00  }
0x1f: {  	[tilespmem:s30], [sflag:$0x3] =	stream.linear.gather [hbm4b:s29+s25], $0x100, $0x38;
	[tilespmem:$0x13600] =	vst v63  }
0x20: {  	_ =	swait.ge [sflag:s14], $0x100  }
0x21: {  	[sflag:s14] =	ssyncset.done $0x0  }
0x22: {  	s31 =	rddreg [dreg:$0xa];
	[sflag:s14] =	ssyncadd.s32 $0xFFFFFF00  }
0x23: {  	[tilespmem:s25], [sflag:$0x1] =	stream.linear.gather [hbm4b:s31+s25], $0x8000, $0x38;
	[tilespmem:$0x13600] =	vst v63  }
0x24: {  	s25 =	simm.s32 $0x0  }
.LBB2_2:
0x25: {  	s28 =	sshll.u32 s25, $0x4  }
0x26: {  	s26 =	sor.u32 $0x8, s28  }
0x27: {  	_ =	swait.ge [sflag:s18], $0x8000;
	s0 =	sadd.s32 s5, s26  }
0x28: {  	s29 =	simm.s32 $0x0;
	[sflag:s18] =	ssyncset.done $0x0;
	s0 =	sshll.u32 s0, $0x9  }
0x29: {  	s30 =	simm.s32 $0x0;
	[sflag:s18] =	ssyncadd.s32 $0xFFFF8000;
	s0 =	sadd.s32 s1, s0  }
0x2a: {  	[tilespmem:s19], [sflag:$0x2] =	stream.linear.gather [hbm4b:s0+s29], $0x8000, $0x38;
	[tilespmem:$0x13600] =	vst v63  }
.LBB2_3:
0x2b: {  	s0 =	sshll.u32 s30, $0xA  }
0x2c: {  	s0 =	sshra.s32 s0, $0x2  }
0x2d: {  	[dreg:$0x5] =	wrdreg s0  }
0x2e: {  	s2 =	simm.s32 $0x0;
	s4 =	sand.u32 $0x7C00, s29;
	s0 =	rddreg [dreg:$0x5]  }
0x2f: {  	s16 =	sand.u32 $0x40, s2;
	s4 =	sadd.s32 s4, s0  }
0x30: {  	s17 =	sadd.s32 s16, s4;
	s0 =	sadd.s32 $0x80, s4  }
0x31: {  	v6 =	vld [tilespmem:s17+$0x0];
	s16 =	sadd.s32 s16, s0  }
0x32: {  	s9 =	simm.s32 $0x10;
	v7 =	vld [tilespmem:s16+$0x0]  }
0x33: {  	s11 =	sand.u32 $0x50, s9  }
0x34: {  	s22 =	sadd.s32 s11, s4  }
0x35: {  	v9 =	vimm.f32 $+Inf;
	v10 =	vimm.s32 $0x0;
	v8 =	vld [tilespmem:s22+$0x0];
	s16 =	sadd.s32 s11, s0  }
0x36: {  	v11 =	vor.u32 s2, v1;
	v17 =	vor.u32 s9, v1;
	v12 =	vld [tilespmem:s16+$0x0];
	vm4 =	vlt.f32 v6, v9  }
0x37: {  	vm3 =	vlt.f32 v7, v9;
	v13 =	vsel vm4, v9, v6;
	v15 =	vsel vm4, v10, v11  }
0x38: {  	v6 =	vsel vm4, v6, v9;
	v21 =	vsel vm4, v11, v10;
	v14 =	vsel vm3, v9, v7  }
0x39: {  	v18 =	vsel vm4, v13, v9;
	v16 =	vsel vm3, v7, v9;
	v20 =	vsel vm3, v11, v10  }
0x3a: {  	s12 =	simm.s32 $0x20;
	v15 =	vsel vm4, v15, v10;
	vm4 =	vlt.f32 v8, v6;
	v23 =	vsel vm3, v10, v11  }
0x3b: {  	s17 =	sand.u32 $0x60, s12;
	vm2 =	vlt.f32 v8, v18;
	v9 =	vsel vm3, v14, v9;
	vm5 =	vlt.f32 v12, v16  }
0x3c: {  	s16 =	sadd.s32 s17, s4;
	v13 =	vsel vm4, v21, v17;
	v25 =	vsel vm4, v6, v8;
	v30 =	vsel vm3, v23, v10  }
0x3d: {  	v19 =	vld [tilespmem:s16+$0x0];
	v28 =	vsel vm4, v17, v21;
	v21 =	vor.u32 s12, v1;
	v22 =	vsel vm2, v18, v8  }
0x3e: {  	v14 =	vsel vm5, v16, v12;
	vm7 =	vlt.f32 v12, v9;
	v24 =	vsel vm2, v15, v17  }
0x3f: {  	s23 =	simm.s32 $0x30;
	v13 =	vsel vm2, v13, v15;
	v8 =	vsel vm4, v8, v6;
	v27 =	vsel vm5, v20, v17  }
0x40: {  	s22 =	sadd.s32 s17, s0;
	v31 =	vsel vm5, v17, v20;
	v6 =	vor.u32 s23, v1;
	v7 =	vsel vm7, v9, v12  }
0x41: {  	s24 =	sand.u32 $0x70, s23;
	v11 =	vld [tilespmem:s22+$0x0];
	v15 =	vsel vm2, v24, v15;
	v12 =	vsel vm5, v12, v16;
	v16 =	vsel vm7, v14, v9  }
0x42: {  	s4 =	sadd.s32 s24, s4;
	v14 =	vsel vm2, v22, v18;
	v24 =	vsel vm2, v25, v18;
	vm3 =	vlt.f32 v19, v8  }
0x43: {  	v10 =	vld [tilespmem:s4+$0x0];
	v25 =	vsel vm7, v27, v30;
	v7 =	vsel vm7, v7, v9;
	v18 =	vsel vm3, v8, v19  }
0x44: {  	v26 =	vsel vm3, v28, v21;
	vm4 =	vlt.f32 v19, v24;
	v29 =	vsel vm3, v19, v8  }
0x45: {  	v28 =	vsel vm3, v21, v28;
	vm3 =	vlt.f32 v19, v14;
	v9 =	vsel vm7, v30, v17  }
0x46: {  	vm8 =	vlt.f32 v11, v12;
	vm2 =	vlt.f32 v11, v7;
	v20 =	vsel vm4, v13, v21  }
0x47: {  	vm5 =	vlt.f32 v11, v16;
	v9 =	vsel vm7, v9, v30;
	v18 =	vsel vm4, v18, v24  }
0x48: {  	s0 =	sadd.s32 s24, s0;
	v23 =	vsel vm8, v12, v11;
	v12 =	vsel vm8, v11, v12;
	vm6 =	vlt.f32 v10, v29  }
0x49: {  	s31 =	simm.s32 $0x0;
	s4 =	simm.s32 $0x200;
	v8 =	vld [tilespmem:s0+$0x0];
	s0 =	simm.s32 $0x70;
	v22 =	vsel vm8, v31, v21;
	v17 =	vsel vm8, v21, v31;
	v27 =	vsel vm6, v29, v10  }
.LBB2_4:
0x4a: {  	v19 =	vsel vm4, v24, v19;
	v21 =	vsel vm5, v25, v21;
	v24 =	vsel vm6, v28, v6  }
0x4b: {  	v23 =	vsel vm5, v23, v16;
	v22 =	vsel vm5, v22, v25;
	v15 =	vsel vm3, v20, v15  }
0x4c: {  	v13 =	vsel vm4, v26, v13;
	v26 =	vsel vm6, v6, v28;
	v11 =	vsel vm5, v16, v11  }
0x4d: {  	v16 =	vsel vm6, v10, v29;
	v14 =	vsel vm3, v19, v14;
	vm3 =	vlt.f32 v10, v18  }
0x4e: {  	s16 =	rddreg [dreg:$0x5];
	s8 =	sadd.s32 $0xFFFFFFD0, s0;
	s22 =	sand.u32 $0x7C00, s4;
	v7 =	vsel vm2, v11, v7;
	v9 =	vsel vm2, v21, v9;
	vm6 =	vlt.f32 v10, v14  }
0x4f: {  	s23 =	sand.u32 $0x40, s8;
	s16 =	sadd.s32 s22, s16;
	v10 =	vsel vm3, v18, v10;
	vm7 =	vlt.f32 v8, v12;
	vm4 =	vlt.f32 v8, v23  }
0x50: {  	s11 =	sadd.s32 s23, s16;
	s12 =	sadd.s32 $0x80, s16;
	vm5 =	vlt.f32 v8, v7;
	v20 =	vsel vm7, v12, v8;
	v25 =	vsel vm7, v6, v17  }
0x51: {  	v28 =	vld [tilespmem:s11+$0x0];
	s24 =	sadd.s32 s23, s12;
	v12 =	vsel vm7, v8, v12;
	v17 =	vsel vm7, v17, v6;
	v11 =	vsel vm4, v23, v8  }
0x52: {  	s9 =	sadd.s32 $0xFFFFFFE0, s0;
	v19 =	vld [tilespmem:s24+$0x0];
	v8 =	vsel vm6, v10, v14;
	v10 =	vsel vm3, v27, v18;
	v14 =	vor.u32 s8, v1  }
0x53: {  	v27 =	vor.u32 s9, v1;
	v7 =	vsel vm5, v11, v7;
	v11 =	vsel vm4, v22, v6  }
0x54: {  	s3 =	sand.u32 $0x50, s9;
	v6 =	vsel vm3, v13, v6;
	v13 =	vsel vm3, v24, v13;
	v20 =	vsel vm4, v20, v23  }
0x55: {  	s6 =	sadd.s32 s3, s16;
	v17 =	vsel vm4, v17, v22;
	v6 =	vsel vm6, v6, v15;
	v9 =	vsel vm5, v11, v9  }
0x56: {  	v18 =	vld [tilespmem:s6+$0x0];
	vm8 =	vlt.f32 v28, v16;
	vm7 =	vlt.f32 v28, v10;
	vm10 =	vlt.f32 v28, v8  }
0x57: {  	s3 =	sadd.s32 s3, s12;
	v21 =	vsel vm8, v16, v28;
	vm2 =	vlt.f32 v19, v12;
	v24 =	vsel vm7, v13, v14  }
0x58: {  	v29 =	vld [tilespmem:s3+$0x0];
	v16 =	vsel vm8, v28, v16;
	vm3 =	vlt.f32 v19, v20;
	vm15 =	vlt.f32 v19, v7  }
0x59: {  	v15 =	vsel vm2, v12, v19;
	v30 =	vsel vm7, v21, v10;
	v12 =	vsel vm2, v19, v12  }
0x5a: {  	v21 =	vsel vm8, v26, v14;
	v23 =	vsel vm2, v14, v25;
	v6 =	vsel vm10, v24, v6  }
0x5b: {  	v24 =	vsel vm8, v14, v26;
	v10 =	vsel vm7, v10, v28;
	vm8 =	vlt.f32 v18, v16  }
0x5c: {  	v11 =	vsel vm3, v20, v19;
	v25 =	vsel vm2, v25, v14;
	vm6 =	vlt.f32 v18, v30  }
0x5d: {  	v20 =	vsel vm3, v15, v20;
	vm9 =	vlt.f32 v29, v12;
	v8 =	vsel vm10, v10, v8  }
0x5e: {  	v7 =	vsel vm15, v11, v7;
	v15 =	vsel vm8, v24, v27;
	v13 =	vsel vm7, v21, v13  }
0x5f: {  	s2 =	sadd.s32 $0xFFFFFFF0, s0;
	v21 =	vsel vm3, v17, v14;
	v28 =	vsel vm8, v16, v18;
	v33 =	vsel vm8, v27, v24  }
0x60: {  	s17 =	sand.u32 $0x60, s2;
	v17 =	vsel vm3, v25, v17;
	v26 =	vsel vm6, v30, v18;
	v10 =	vsel vm9, v12, v29  }
0x61: {  	s11 =	sadd.s32 s17, s16;
	vm4 =	vlt.f32 v18, v8;
	vm5 =	vlt.f32 v29, v20;
	vm7 =	vlt.f32 v29, v7  }
0x62: {  	v19 =	vld [tilespmem:s11+$0x0];
	v22 =	vsel vm6, v13, v27;
	v13 =	vsel vm6, v15, v13;
	v18 =	vsel vm8, v18, v16  }
0x63: {  	s7 =	sand.u32 $0x70, s0;
	v31 =	vsel vm9, v23, v27;
	v9 =	vsel vm15, v21, v9;
	v32 =	vsel vm9, v27, v23  }
0x64: {  	s16 =	sadd.s32 s7, s16;
	v12 =	vsel vm9, v29, v12;
	v21 =	vor.u32 s2, v1;
	v24 =	vsel vm6, v28, v30  }
0x65: {  	s23 =	sadd.s32 s17, s12;
	v11 =	vsel vm5, v20, v29;
	v15 =	vsel vm4, v22, v6;
	v16 =	vsel vm5, v10, v20;
	v10 =	vld [tilespmem:s16+$0x0]  }
0x66: {  	v6 =	vor.u32 s0, v1;
	v14 =	vsel vm4, v26, v8;
	v7 =	vsel vm7, v11, v7;
	v11 =	vld [tilespmem:s23+$0x0]  }
0x67: {  	s31 =	sadd.s32 $0x4, s31;
	v25 =	vsel vm5, v31, v17;
	vm6 =	vlt.f32 v19, v18;
	vm4 =	vlt.f32 v19, v24  }
0x68: {  	p0 =	slt.u32 s31, $0xFC;
	vm3 =	vlt.f32 v19, v14;
	v30 =	vsel vm6, v18, v19;
	v26 =	vsel vm6, v33, v21  }
.Ltmp0:
0x69: {  	v29 =	vsel vm6, v19, v18;
	v20 =	vsel vm4, v13, v21;
	v18 =	vsel vm5, v17, v27;
	(pc) =	sbr.rel @p0 .LBB2_4-.Ltmp0, $4  }
0x6a: {  	v28 =	vsel vm6, v21, v33;
	v9 =	vsel vm7, v18, v9;
	v18 =	vsel vm4, v30, v24  }
0x6b: {  	vm6 =	vlt.f32 v10, v29;
	vm8 =	vlt.f32 v11, v12;
	vm2 =	vlt.f32 v11, v7  }
0x6c: {  	s24 =	sadd.s32 s7, s12;
	vm5 =	vlt.f32 v11, v16;
	v27 =	vsel vm6, v29, v10;
	v23 =	vsel vm8, v12, v11  }
0x6d: {  	s4 =	sadd.s32 $0x200, s4;
	v8 =	vld [tilespmem:s24+$0x0];
	s0 =	sadd.s32 $0x40, s0;
	v12 =	vsel vm8, v11, v12;
	v22 =	vsel vm8, v32, v21;
	v17 =	vsel vm8, v21, v32  }
0x6e: {  	v30 =	vsel vm6, v6, v28;
	v29 =	vsel vm6, v10, v29  }
0x6f: {  	v31 =	vperm.xlane v29, v0;
	v32 =	vperm.xlane v30, v0;
	_ =	sdelay $0x1  }
0x70: {  	vm7 =	veq.f32 v31, v29;
	vm8 =	vlt.s32 v32, v30  }
0x71: {  	vm9 =	vlt.f32 v31, v29;
	vm7 =	vmand vm7, vm8  }
0x72: {  	vm7 =	vmor vm9, vm7  }
0x73: {  	v31 =	vsel vm7, v31, v29;
	v32 =	vsel vm7, v32, v30  }
0x74: {  	v33 =	vperm.xlane v31, v2;
	v34 =	vperm.xlane v32, v2;
	_ =	sdelay $0x1  }
0x75: {  	vm12 =	veq.f32 v33, v31;
	vm13 =	vlt.s32 v34, v32  }
0x76: {  	vm14 =	vlt.f32 v33, v31;
	vm7 =	vmand vm12, vm13  }
0x77: {  	vm7 =	vmor vm14, vm7  }
0x78: {  	v31 =	vsel vm7, v33, v31;
	v32 =	vsel vm7, v34, v32  }
0x79: {  	v33 =	vperm.xlane v31, v3;
	v34 =	vperm.xlane v32, v3;
	_ =	sdelay $0x1  }
0x7a: {  	vm15 =	veq.f32 v33, v31;
	vm12 =	vlt.s32 v34, v32  }
0x7b: {  	vm13 =	vlt.f32 v33, v31;
	vm7 =	vmand vm15, vm12  }
0x7c: {  	vm7 =	vmor vm13, vm7  }
0x7d: {  	v31 =	vsel vm7, v33, v31;
	v32 =	vsel vm7, v34, v32  }
0x7e: {  	v33 =	vperm.xlane v31, v4;
	v34 =	vperm.xlane v32, v4;
	_ =	sdelay $0x1  }
0x7f: {  	vm14 =	veq.f32 v33, v31;
	vm15 =	vlt.s32 v34, v32  }
0x80: {  	vm12 =	vlt.f32 v33, v31;
	vm7 =	vmand vm14, vm15  }
0x81: {  	v52 =	vsel vm6, v28, v6;
	vm13 =	vmor vm12, vm7  }
0x82: {  	v26 =	vsel vm4, v26, v13;
	v31 =	vsel vm13, v33, v31;
	v13 =	vsel vm13, v34, v32  }
0x83: {  	vm7 =	vlt.f32 v10, v18;
	vm14 =	veq.f32 v29, v31;
	vm15 =	veq.s32 v30, v13  }
0x84: {  	v27 =	vsel vm7, v27, v18;
	v28 =	vsel vm7, v52, v26;
	vm6 =	vmand vm14, vm15  }
0x85: {  	v29 =	vsel vm6, v27, v29;
	v30 =	vsel vm6, v28, v30  }
0x86: {  	v19 =	vsel vm4, v24, v19;
	v53 =	vperm.xlane v29, v0;
	v54 =	vperm.xlane v30, v0  }
0x87: {  	v21 =	vsel vm5, v25, v21;
	v23 =	vsel vm5, v23, v16;
	v22 =	vsel vm5, v22, v25  }
0x88: {  	v11 =	vsel vm5, v16, v11;
	vm12 =	veq.f32 v53, v29;
	vm13 =	vlt.s32 v54, v30  }
0x89: {  	v15 =	vsel vm3, v20, v15;
	vm10 =	vlt.f32 v53, v29;
	vm8 =	vmand vm12, vm13  }
0x8a: {  	v14 =	vsel vm3, v19, v14;
	v11 =	vsel vm2, v11, v7;
	vm8 =	vmor vm10, vm8  }
0x8b: {  	vm4 =	vlt.f32 v8, v12;
	v31 =	vsel vm8, v53, v29;
	v32 =	vsel vm8, v54, v30  }
0x8c: {  	v58 =	vsel vm4, v6, v17;
	v55 =	vperm.xlane v31, v2;
	v56 =	vperm.xlane v32, v2  }
0x8d: {  	v59 =	vsel vm4, v8, v12;
	v47 =	vsel vm4, v12, v8;
	v48 =	vsel vm4, v17, v6  }
0x8e: {  	v60 =	vperm.xlane v59, v0;
	vm14 =	veq.f32 v55, v31;
	vm15 =	vlt.s32 v56, v32  }
0x8f: {  	v36 =	vperm.xlane v58, v0;
	vm12 =	vlt.f32 v55, v31;
	vm8 =	vmand vm14, vm15  }
0x90: {  	v39 =	vsel vm7, v18, v10;
	vm13 =	veq.f32 v60, v59;
	vm8 =	vmor vm12, vm8  }
0x91: {  	vm14 =	vlt.s32 v36, v58;
	vm12 =	vlt.f32 v60, v59;
	v57 =	vsel vm8, v55, v31  }
0x92: {  	v32 =	vsel vm8, v56, v32;
	vm8 =	vmand vm13, vm14;
	v35 =	vperm.xlane v57, v3  }
0x93: {  	v43 =	vsel vm7, v26, v6;
	v61 =	vperm.xlane v32, v3;
	vm8 =	vmor vm12, vm8  }
0x94: {  	v62 =	vsel vm8, v60, v59;
	v63 =	vsel vm8, v36, v58;
	vm5 =	veq.f32 v35, v57  }
0x95: {  	vm15 =	vlt.s32 v61, v32;
	v34 =	vperm.xlane v62, v2;
	v36 =	vperm.xlane v63, v2  }
0x96: {  	vm13 =	vlt.f32 v35, v57;
	vm5 =	vmand vm5, vm15;
	vm15 =	vlt.f32 v10, v14  }
0x97: {  	vm5 =	vmor vm13, vm5;
	vm3 =	veq.f32 v34, v62;
	vm14 =	vlt.s32 v36, v63  }
0x98: {  	vm11 =	vlt.f32 v34, v62;
	v38 =	vsel vm5, v35, v57;
	vm3 =	vmand vm3, vm14  }
0x99: {  	v16 =	vsel vm5, v61, v32;
	v40 =	vperm.xlane v38, v4;
	vm3 =	vmor vm11, vm3  }
0x9a: {  	v41 =	vperm.xlane v16, v4;
	v20 =	vsel vm3, v34, v62;
	v42 =	vsel vm3, v36, v63  }
0x9b: {  	v10 =	vsel vm15, v39, v14;
	v44 =	vperm.xlane v20, v3;
	v45 =	vperm.xlane v42, v3  }
0x9c: {  	v15 =	vsel vm15, v43, v15;
	vm3 =	veq.f32 v40, v38;
	vm12 =	vlt.s32 v41, v16  }
0x9d: {  	vm15 =	vlt.f32 v40, v38;
	vm13 =	veq.f32 v44, v20;
	vm14 =	vlt.s32 v45, v42  }
0x9e: {  	vm3 =	vmand vm3, vm12;
	vm9 =	vlt.f32 v44, v20;
	vm5 =	vmand vm13, vm14  }
0x9f: {  	vm4 =	vlt.f32 v8, v23;
	vm3 =	vmor vm15, vm3;
	vm5 =	vmor vm9, vm5  }
0xa0: {  	v7 =	vsel vm3, v40, v38;
	v46 =	vsel vm5, v44, v20;
	v49 =	vsel vm5, v45, v42  }
0xa1: {  	v16 =	vsel vm3, v41, v16;
	v50 =	vperm.xlane v46, v4;
	v51 =	vperm.xlane v49, v4  }
0xa2: {  	v12 =	vsel vm4, v47, v23;
	vm3 =	veq.f32 v29, v7;
	vm10 =	veq.s32 v30, v16  }
0xa3: {  	v7 =	vsel vm6, v10, v27;
	vm11 =	veq.f32 v50, v46;
	vm12 =	vlt.s32 v51, v49  }
0xa4: {  	vm3 =	vmand vm3, vm10;
	vm13 =	vlt.f32 v50, v46;
	vm5 =	vmand vm11, vm12  }
0xa5: {  	v52 =	vsel vm6, v15, v28;
	v53 =	vsel vm3, v7, v29;
	vm5 =	vmor vm13, vm5  }
0xa6: {  	v10 =	vsel vm3, v52, v30;
	v14 =	vsel vm5, v50, v46;
	v7 =	vsel vm5, v51, v49  }
0xa7: {  	v54 =	vperm.xlane v53, v0;
	vm3 =	veq.f32 v59, v14;
	vm5 =	veq.s32 v58, v7  }
0xa8: {  	v55 =	vsel vm4, v48, v22;
	v56 =	vperm.xlane v10, v0;
	vm3 =	vmand vm3, vm5  }
0xa9: {  	vm14 =	veq.f32 v54, v53;
	v57 =	vsel vm3, v12, v59;
	v58 =	vsel vm3, v55, v58  }
0xaa: {  	vm15 =	vlt.s32 v56, v10;
	v59 =	vperm.xlane v57, v0;
	v60 =	vperm.xlane v58, v0  }
0xab: {  	v9 =	vsel vm2, v21, v9;
	vm9 =	vlt.f32 v54, v53;
	vm5 =	vmand vm14, vm15  }
0xac: {  	vm5 =	vmor vm9, vm5;
	vm10 =	veq.f32 v59, v57;
	vm11 =	vlt.s32 v60, v58  }
0xad: {  	v15 =	vsel vm5, v54, v53;
	vm12 =	vlt.f32 v59, v57;
	vm6 =	vmand vm10, vm11  }
0xae: {  	v10 =	vsel vm5, v56, v10;
	v61 =	vperm.xlane v15, v2;
	vm13 =	vmor vm12, vm6  }
0xaf: {  	v62 =	vperm.xlane v10, v2;
	v24 =	vsel vm13, v59, v57;
	v25 =	vsel vm13, v60, v58  }
0xb0: {  	v23 =	vsel vm4, v23, v8;
	v63 =	vperm.xlane v24, v2;
	v28 =	vperm.xlane v25, v2  }
0xb1: {  	v6 =	vsel vm4, v22, v6;
	vm2 =	vlt.f32 v61, v15;
	vm14 =	veq.f32 v61, v15  }
0xb2: {  	s0 =	sshll.u32 s30, $0x1;
	vm15 =	vlt.s32 v62, v10;
	vm9 =	veq.f32 v63, v24;
	vm10 =	vlt.s32 v28, v25  }
0xb3: {  	s0 =	sadd.s32 s28, s0;
	vm5 =	vmand vm14, vm15;
	vm11 =	vlt.f32 v63, v24;
	vm6 =	vmand vm9, vm10  }
0xb4: {  	v44 =	vmov s0;
	vm2 =	vmor vm2, vm5;
	vm5 =	vmor vm11, vm6  }
0xb5: {  	v45 =	vand.u32 $0xFFFFFFFE, v44;
	v30 =	vsel vm5, v63, v24;
	v31 =	vsel vm5, v28, v25  }
0xb6: {  	v29 =	vsel vm2, v61, v15;
	v32 =	vperm.xlane v30, v3;
	v33 =	vperm.xlane v31, v3  }
0xb7: {  	vm12 =	vlt.f32 v8, v11;
	v10 =	vsel vm2, v62, v10;
	v15 =	vperm.xlane v29, v3  }
0xb8: {  	v34 =	vperm.xlane v10, v3;
	vm13 =	veq.f32 v32, v30;
	vm5 =	vlt.s32 v33, v31  }
0xb9: {  	vm2 =	veq.f32 v15, v29;
	vm15 =	vlt.f32 v32, v30;
	vm4 =	vmand vm13, vm5  }
0xba: {  	vm14 =	vlt.s32 v34, v10;
	vm9 =	vlt.f32 v15, v29;
	vm4 =	vmor vm15, vm4  }
0xbb: {  	vm2 =	vmand vm2, vm14;
	v17 =	vsel vm4, v32, v30;
	v35 =	vsel vm4, v33, v31  }
0xbc: {  	s2 =	sor.u32 $0x100, s0;
	vm2 =	vmor vm9, vm2;
	v36 =	vperm.xlane v17, v4;
	v21 =	vperm.xlane v35, v4  }
0xbd: {  	v49 =	vmov s2;
	v11 =	vsel vm12, v23, v11;
	v8 =	vsel vm2, v15, v29  }
0xbe: {  	v37 =	vsel vm2, v34, v10;
	vm2 =	veq.f32 v36, v17;
	vm4 =	vlt.s32 v21, v35  }
0xbf: {  	v6 =	vsel vm12, v6, v9;
	vm11 =	vlt.f32 v36, v17;
	vm2 =	vmand vm2, vm4  }
0xc0: {  	v41 =	vsel vm3, v11, v12;
	v6 =	vsel vm3, v6, v55;
	vm2 =	vmor vm11, vm2  }
0xc1: {  	v38 =	vperm.xlane v8, v4;
	v39 =	vsel vm2, v36, v17;
	v40 =	vsel vm2, v21, v35  }
0xc2: {  	v22 =	vperm.xlane v37, v4;
	vm14 =	veq.f32 v57, v39;
	vm15 =	veq.s32 v58, v40  }
0xc3: {  	vm10 =	vlt.f32 v38, v8;
	vm12 =	veq.f32 v38, v8;
	vm3 =	vmand vm14, vm15  }
0xc4: {  	vm13 =	vlt.s32 v22, v37;
	v8 =	vsel vm3, v41, v57;
	v6 =	vsel vm3, v6, v58  }
0xc5: {  	s22 =	sor.u32 $0x200, s0;
	vm4 =	vmand vm12, vm13;
	v42 =	vperm.xlane v8, v0;
	v43 =	vperm.xlane v6, v0  }
0xc6: {  	v50 =	vmov s22;
	v11 =	vbroadcast v45, $0x0;
	vm2 =	vmor vm10, vm4  }
0xc7: {  	v17 =	vand.u32 $0xFFFFFFFE, v50;
	vm3 =	veq.f32 v42, v8;
	vm8 =	vlt.s32 v43, v6  }
0xc8: {  	v9 =	vsel vm2, v22, v37;
	vm9 =	vlt.f32 v42, v8;
	vm3 =	vmand vm3, vm8  }
0xc9: {  	vm2 =	vmmov $0x1;
	v17 =	vbroadcast v17, $0x0;
	vm3 =	vmor vm9, vm3  }
0xca: {  	v9 =	vsel vm0, $0x0, v9;
	v8 =	vsel vm3, v42, v8;
	v6 =	vsel vm3, v43, v6  }
0xcb: {  	v9 =	vsel vm1, v9, v16;
	v46 =	vperm.xlane v8, v2;
	v47 =	vperm.xlane v6, v2  }
0xcc: {  	v16 =	vand.u32 $0xFFFFFFFE, v49;
	v9 =	vsel vm2, v13, v9  }
0xcd: {  	v16 =	vbroadcast v16, $0x0;
	vm3 =	veq.f32 v46, v8;
	vm10 =	vlt.s32 v47, v6  }
0xce: {  	v13 =	vadd.s32 $0x1000, v9;
	vm11 =	vlt.f32 v46, v8;
	vm3 =	vmand vm3, vm10  }
0xcf: {  	vm3 =	vmor vm11, vm3  }
0xd0: {  	v11 =	vld.idx.msk [tilespmem:v11+s15+$0x0], $0xffff;
	v48 =	vadd.s32 $0x2000, v9;
	v8 =	vsel vm3, v46, v8;
	v6 =	vsel vm3, v47, v6  }
0xd1: {  	v51 =	vld.idx.msk [tilespmem:v17+s15+$0x0], $0xffff;
	v12 =	vperm.xlane v8, v3;
	v14 =	vperm.xlane v6, v3  }
0xd2: {  	v9 =	vld.idx.msk [tilespmem:v9+s13+$0x0], $0xffff  }
0xd3: {  	v13 =	vld.idx.msk [tilespmem:v13+s13+$0x0], $0xffff;
	vm3 =	veq.f32 v12, v8;
	vm12 =	vlt.s32 v14, v6  }
0xd4: {  	v16 =	vld.idx.msk [tilespmem:v16+s15+$0x0], $0xffff;
	vm13 =	vlt.f32 v12, v8;
	vm3 =	vmand vm3, vm12  }
0xd5: {  	v15 =	vld.idx.msk [tilespmem:v48+s13+$0x0], $0xffff;
	vm3 =	vmor vm13, vm3  }
0xd6: {  	v8 =	vsel vm3, v12, v8;
	v6 =	vsel vm3, v14, v6  }
0xd7: {  	v52 =	vperm.xlane v8, v4;
	v53 =	vperm.xlane v6, v4  }
0xd8: {  	v54 =	vsub.f32 v11, v9  }
0xd9: {  	v55 =	vsub.f32 v16, v13;
	vm3 =	veq.f32 v52, v8;
	vm14 =	vlt.s32 v53, v6  }
0xda: {  	s23 =	smul.u32 $0x3, s0;
	v56 =	vsub.f32 v51, v15;
	vm15 =	vlt.f32 v52, v8;
	vm3 =	vmand vm3, vm14  }
0xdb: {  	s24 =	sor.u32 $0x1, s0;
	v9 =	vmul.f32 v55, v55;
	v8 =	vmul.f32 v54, v54;
	vm3 =	vmor vm15, vm3  }
0xdc: {  	v59 =	vmov s24;
	v57 =	vadd.s32 s23, v5;
	v6 =	vsel vm3, v53, v6  }
0xdd: {  	s3 =	sor.u32 $0x101, s0;
	v58 =	vmul.f32 v56, v56;
	v8 =	vadd.f32 v9, v8;
	v6 =	vsel vm0, $0x0, v6  }
0xde: {  	v60 =	vmov s3;
	v6 =	vsel vm1, v6, v40  }
0xdf: {  	v8 =	vadd.f32 v58, v8;
	v6 =	vsel vm2, v7, v6  }
0xe0: {  	s0 =	sor.u32 $0x201, s0;
	v7 =	vadd.s32 $0x1000, v6  }
0xe1: {  	v62 =	vmov s0;
	[tilespmem:v57+s20+$0x0] =	vst.idx.msk $0x7, v8  }
0xe2: {  	v61 =	vadd.s32 $0x2000, v6;
	v9 =	vld.idx.msk [tilespmem:v59+s15+$0x0], $0xffff  }
0xe3: {  	v10 =	vld.idx.msk [tilespmem:v60+s15+$0x0], $0xffff  }
0xe4: {  	v6 =	vld.idx.msk [tilespmem:v6+s13+$0x0], $0xffff  }
0xe5: {  	v7 =	vld.idx.msk [tilespmem:v7+s13+$0x0], $0xffff  }
0xe6: {  	v11 =	vld.idx.msk [tilespmem:v62+s15+$0x0], $0xffff  }
0xe7: {  	v8 =	vld.idx.msk [tilespmem:v61+s13+$0x0], $0xffff;
	_ =	sdelay $0x2  }
0xe8: {  	v6 =	vsub.f32 v9, v6;
	v7 =	vsub.f32 v10, v7  }
0xe9: {  	s31 =	smul.u32 $0x3, s24  }
0xea: {  	s30 =	sadd.s32 $0x1, s30;
	v8 =	vsub.f32 v11, v8;
	v6 =	vmul.f32 v6, v6;
	v7 =	vmul.f32 v7, v7  }
0xeb: {  	p0 =	sne.s32 s30, $0x4;
	v63 =	vadd.s32 s31, v5  }
.Ltmp1:
0xec: {  	v6 =	vadd.f32 v7, v6;
	v7 =	vmul.f32 v8, v8;
	(pc) =	sbr.rel @p0 .LBB2_3-.Ltmp1, $3  }
0xed: {  	_ = 	snop  }
0xee: {  	v6 =	vadd.f32 v7, v6;
	_ =	sdelay $0x1  }
0xef: {  	[tilespmem:v63+s20+$0x0] =	vst.idx.msk $0x7, v6  }
0xf0: {  	p0 =	seq.s32 s25, $0xF  }
0xf1: {  	_ =	swait.ge [sflag:s21], $0x8000;
	s29 =	simm.s32 $0x0;
	s0 =	sadd.s32 @!p0 s28, s10  }
0xf2: {  	[sflag:s21] =	ssyncset.done $0x0;
	s2 =	simm.s32 @!p0 $0x0;
	s0 =	sshll.u32 @!p0 s0, $0x9  }
0xf3: {  	s28 =	simm.s32 $0x0;
	[sflag:s21] =	ssyncadd.s32 $0xFFFF8000;
	s0 =	sadd.s32 @!p0 s1, s0  }
0xf4: {  	[tilespmem:s2], [sflag:$0x1] =	stream.linear.gather @!p0 [hbm4b:s0+s2], $0x8000, $0x38;
	[tilespmem:$0x13600] =	vst v63  }
.LBB2_7:
0xf5: {  	s0 =	sshll.u32 s29, $0xA  }
0xf6: {  	s0 =	sshra.s32 s0, $0x2  }
0xf7: {  	s0 =	sadd.s32 $0x8000, s0  }
0xf8: {  	[dreg:$0x6] =	wrdreg s0  }
0xf9: {  	s2 =	simm.s32 $0x0;
	s3 =	sand.u32 $0x7C00, s28;
	s0 =	rddreg [dreg:$0x6]  }
0xfa: {  	s4 =	sand.u32 $0x40, s2;
	s3 =	sadd.s32 s3, s0  }
0xfb: {  	s6 =	sadd.s32 s4, s3;
	s0 =	sadd.s32 $0x80, s3  }
0xfc: {  	v6 =	vld [tilespmem:s6+$0x0];
	s4 =	sadd.s32 s4, s0  }
0xfd: {  	s12 =	simm.s32 $0x10;
	v7 =	vld [tilespmem:s4+$0x0]  }
0xfe: {  	s16 =	sand.u32 $0x50, s12  }
0xff: {  	s7 =	sadd.s32 s16, s3  }
0x100: {  	v9 =	vimm.f32 $+Inf;
	v11 =	vimm.s32 $0x0;
	v8 =	vld [tilespmem:s7+$0x0];
	s4 =	sadd.s32 s16, s0  }
0x101: {  	v10 =	vor.u32 s2, v1;
	v14 =	vor.u32 s12, v1;
	v12 =	vld [tilespmem:s4+$0x0];
	vm5 =	vlt.f32 v6, v9  }
0x102: {  	vm4 =	vlt.f32 v7, v9;
	v13 =	vsel vm5, v9, v6;
	v16 =	vsel vm5, v11, v10  }
0x103: {  	v6 =	vsel vm5, v6, v9;
	v22 =	vsel vm5, v10, v11;
	v15 =	vsel vm4, v9, v7  }
0x104: {  	v18 =	vsel vm5, v13, v9;
	v20 =	vsel vm4, v7, v9;
	v21 =	vsel vm4, v10, v11  }
0x105: {  	s17 =	simm.s32 $0x20;
	v16 =	vsel vm5, v16, v11;
	vm5 =	vlt.f32 v8, v6;
	v17 =	vsel vm4, v11, v10  }
0x106: {  	s22 =	sand.u32 $0x60, s17;
	vm3 =	vlt.f32 v8, v18;
	v9 =	vsel vm4, v15, v9;
	vm6 =	vlt.f32 v12, v20  }
0x107: {  	s4 =	sadd.s32 s22, s3;
	v13 =	vsel vm5, v22, v14;
	v25 =	vsel vm5, v6, v8;
	v30 =	vsel vm4, v17, v11  }
0x108: {  	v19 =	vld [tilespmem:s4+$0x0];
	v27 =	vsel vm5, v14, v22;
	v23 =	vsel vm3, v18, v8;
	v15 =	vsel vm6, v20, v12  }
0x109: {  	vm8 =	vlt.f32 v12, v9;
	v24 =	vsel vm3, v16, v14;
	v13 =	vsel vm3, v13, v16  }
0x10a: {  	s24 =	simm.s32 $0x30;
	v8 =	vsel vm5, v8, v6;
	v26 =	vsel vm6, v21, v14;
	v31 =	vsel vm6, v14, v21  }
0x10b: {  	s23 =	sadd.s32 s22, s0;
	v6 =	vor.u32 s24, v1;
	v22 =	vsel vm3, v25, v18;
	v7 =	vsel vm8, v9, v12  }
0x10c: {  	s31 =	sand.u32 $0x70, s24;
	v10 =	vld [tilespmem:s23+$0x0];
	v17 =	vsel vm3, v24, v16;
	v12 =	vsel vm6, v12, v20;
	v16 =	vsel vm8, v15, v9  }
0x10d: {  	s3 =	sadd.s32 s31, s3;
	v20 =	vor.u32 s17, v1;
	v15 =	vsel vm3, v23, v18;
	vm4 =	vlt.f32 v19, v8  }
0x10e: {  	v11 =	vld [tilespmem:s3+$0x0];
	vm6 =	vlt.f32 v19, v22;
	v7 =	vsel vm8, v7, v9;
	v18 =	vsel vm4, v8, v19  }
0x10f: {  	v25 =	vsel vm4, v27, v20;
	v29 =	vsel vm4, v19, v8;
	v24 =	vsel vm6, v13, v20  }
0x110: {  	v28 =	vsel vm4, v20, v27;
	v27 =	vsel vm8, v26, v30;
	vm4 =	vlt.f32 v19, v15  }
0x111: {  	v9 =	vsel vm8, v30, v14;
	vm9 =	vlt.f32 v10, v12;
	vm3 =	vlt.f32 v10, v7  }
0x112: {  	vm5 =	vlt.f32 v10, v16;
	v9 =	vsel vm8, v9, v30;
	v18 =	vsel vm6, v18, v22  }
0x113: {  	s0 =	sadd.s32 s31, s0;
	v21 =	vsel vm9, v12, v10;
	v12 =	vsel vm9, v10, v12;
	vm7 =	vlt.f32 v11, v29  }
0x114: {  	s30 =	simm.s32 $0x0;
	s4 =	simm.s32 $0x200;
	v8 =	vld [tilespmem:s0+$0x0];
	s0 =	simm.s32 $0x70;
	v23 =	vsel vm9, v31, v20;
	v14 =	vsel vm9, v20, v31;
	v26 =	vsel vm7, v29, v11  }
.LBB2_8:
0x115: {  	v19 =	vsel vm6, v22, v19;
	v20 =	vsel vm5, v27, v20;
	v22 =	vsel vm7, v28, v6  }
0x116: {  	v21 =	vsel vm5, v21, v16;
	v23 =	vsel vm5, v23, v27;
	v17 =	vsel vm4, v24, v17  }
0x117: {  	v13 =	vsel vm6, v25, v13;
	v25 =	vsel vm7, v6, v28;
	v10 =	vsel vm5, v16, v10  }
0x118: {  	s3 =	rddreg [dreg:$0x6];
	s8 =	sadd.s32 $0xFFFFFFD0, s0;
	s9 =	sand.u32 $0x7C00, s4;
	v16 =	vsel vm7, v11, v29;
	v15 =	vsel vm4, v19, v15;
	vm4 =	vlt.f32 v11, v18  }
0x119: {  	s12 =	sand.u32 $0x40, s8;
	s3 =	sadd.s32 s9, s3;
	v7 =	vsel vm3, v10, v7;
	v9 =	vsel vm3, v20, v9;
	vm6 =	vlt.f32 v11, v15  }
0x11a: {  	s16 =	sadd.s32 s12, s3;
	v11 =	vsel vm4, v18, v11;
	vm8 =	vlt.f32 v8, v12;
	vm5 =	vlt.f32 v8, v21  }
0x11b: {  	s31 =	sadd.s32 $0x80, s3;
	v28 =	vld [tilespmem:s16+$0x0];
	v24 =	vsel vm8, v12, v8;
	v27 =	vsel vm8, v6, v14;
	v12 =	vsel vm8, v8, v12  }
0x11c: {  	s12 =	sadd.s32 s12, s31;
	v14 =	vsel vm8, v14, v6;
	v10 =	vsel vm5, v21, v8;
	vm8 =	vlt.f32 v8, v7  }
0x11d: {  	s11 =	sadd.s32 $0xFFFFFFE0, s0;
	v19 =	vld [tilespmem:s12+$0x0];
	v8 =	vsel vm6, v11, v15;
	v11 =	vsel vm4, v26, v18;
	v15 =	vor.u32 s8, v1  }
0x11e: {  	v26 =	vor.u32 s11, v1;
	v7 =	vsel vm8, v10, v7;
	v10 =	vsel vm5, v23, v6  }
0x11f: {  	s23 =	sand.u32 $0x50, s11;
	v6 =	vsel vm4, v13, v6;
	v13 =	vsel vm4, v22, v13;
	v14 =	vsel vm5, v14, v23  }
0x120: {  	s24 =	sadd.s32 s23, s3;
	v6 =	vsel vm6, v6, v17;
	v9 =	vsel vm8, v10, v9;
	vm9 =	vlt.f32 v28, v16  }
0x121: {  	s9 =	sadd.s32 s23, s31;
	v18 =	vld [tilespmem:s24+$0x0];
	vm7 =	vlt.f32 v28, v11;
	vm10 =	vlt.f32 v28, v8;
	v20 =	vsel vm9, v16, v28  }
0x122: {  	v29 =	vld [tilespmem:s9+$0x0];
	vm3 =	vlt.f32 v19, v12;
	v22 =	vsel vm7, v13, v15;
	v16 =	vsel vm9, v28, v16  }
0x123: {  	vm12 =	vlt.f32 v19, v7;
	v17 =	vsel vm3, v12, v19;
	v30 =	vsel vm7, v20, v11  }
0x124: {  	v20 =	vsel vm5, v24, v21;
	v12 =	vsel vm3, v19, v12;
	v21 =	vsel vm9, v25, v15  }
0x125: {  	v24 =	vsel vm3, v15, v27;
	v6 =	vsel vm10, v22, v6;
	v22 =	vsel vm9, v15, v25  }
0x126: {  	v11 =	vsel vm7, v11, v28;
	vm9 =	vlt.f32 v18, v16;
	vm4 =	vlt.f32 v19, v20  }
0x127: {  	vm6 =	vlt.f32 v18, v30;
	vm11 =	vlt.f32 v29, v12;
	v8 =	vsel vm10, v11, v8  }
0x128: {  	v13 =	vsel vm7, v21, v13;
	v28 =	vsel vm9, v16, v18;
	v25 =	vsel vm6, v30, v18  }
0x129: {  	v10 =	vsel vm4, v20, v19;
	v20 =	vsel vm4, v17, v20;
	v11 =	vsel vm11, v12, v29  }
0x12a: {  	s2 =	sadd.s32 $0xFFFFFFF0, s0;
	vm10 =	vlt.f32 v18, v8;
	v17 =	vsel vm9, v22, v26;
	v21 =	vsel vm4, v14, v15  }
0x12b: {  	s6 =	sand.u32 $0x60, s2;
	v23 =	vsel vm6, v13, v26;
	v18 =	vsel vm9, v18, v16;
	v31 =	vsel vm11, v24, v26  }
0x12c: {  	s23 =	sadd.s32 s6, s3;
	v32 =	vsel vm11, v26, v24;
	v24 =	vsel vm3, v27, v15;
	v12 =	vsel vm11, v29, v12  }
0x12d: {  	v19 =	vld [tilespmem:s23+$0x0];
	v27 =	vsel vm9, v26, v22;
	v22 =	vsel vm6, v28, v30;
	vm5 =	vlt.f32 v29, v20  }
0x12e: {  	s7 =	sand.u32 $0x70, s0;
	v7 =	vsel vm12, v10, v7;
	v13 =	vsel vm6, v17, v13;
	v9 =	vsel vm12, v21, v9  }
0x12f: {  	s17 =	sadd.s32 s7, s3;
	v17 =	vsel vm10, v23, v6;
	v6 =	vor.u32 s0, v1;
	v15 =	vsel vm10, v25, v8  }
0x130: {  	s22 =	sadd.s32 s6, s31;
	v10 =	vsel vm5, v20, v29;
	vm8 =	vlt.f32 v29, v7;
	v16 =	vsel vm5, v11, v20;
	v11 =	vld [tilespmem:s17+$0x0]  }
0x131: {  	v14 =	vsel vm4, v24, v14;
	v20 =	vor.u32 s2, v1;
	v7 =	vsel vm8, v10, v7;
	v10 =	vld [tilespmem:s22+$0x0]  }
0x132: {  	s30 =	sadd.s32 $0x4, s30;
	vm7 =	vlt.f32 v19, v18;
	vm6 =	vlt.f32 v19, v22;
	vm4 =	vlt.f32 v19, v15  }
0x133: {  	p0 =	slt.u32 s30, $0xFC;
	v30 =	vsel vm7, v18, v19;
	v25 =	vsel vm7, v27, v20;
	v29 =	vsel vm7, v19, v18  }
.Ltmp2:
0x134: {  	v24 =	vsel vm6, v13, v20;
	v28 =	vsel vm7, v20, v27;
	v18 =	vsel vm5, v14, v26;
	(pc) =	sbr.rel @p0 .LBB2_8-.Ltmp2, $4  }
0x135: {  	v27 =	vsel vm5, v31, v14;
	vm7 =	vlt.f32 v11, v29;
	v9 =	vsel vm8, v18, v9  }
0x136: {  	v18 =	vsel vm6, v30, v22;
	vm15 =	vlt.f32 v10, v12;
	vm3 =	vlt.f32 v10, v7  }
0x137: {  	s31 =	sadd.s32 s7, s31;
	vm5 =	vlt.f32 v10, v16;
	v26 =	vsel vm7, v29, v11;
	v21 =	vsel vm15, v12, v10  }
0x138: {  	s4 =	sadd.s32 $0x200, s4;
	v8 =	vld [tilespmem:s31+$0x0];
	s0 =	sadd.s32 $0x40, s0;
	v12 =	vsel vm15, v10, v12;
	v23 =	vsel vm15, v32, v20;
	v14 =	vsel vm15, v20, v32  }
0x139: {  	v30 =	vsel vm7, v6, v28;
	v29 =	vsel vm7, v11, v29  }
0x13a: {  	v31 =	vperm.xlane v29, v0;
	v32 =	vperm.xlane v30, v0;
	_ =	sdelay $0x1  }
0x13b: {  	vm8 =	veq.f32 v31, v29;
	vm9 =	vlt.s32 v32, v30  }
0x13c: {  	vm10 =	vlt.f32 v31, v29;
	vm8 =	vmand vm8, vm9  }
0x13d: {  	vm8 =	vmor vm10, vm8  }
0x13e: {  	v31 =	vsel vm8, v31, v29;
	v32 =	vsel vm8, v32, v30  }
0x13f: {  	v33 =	vperm.xlane v31, v2;
	v34 =	vperm.xlane v32, v2;
	_ =	sdelay $0x1  }
0x140: {  	vm13 =	veq.f32 v33, v31;
	vm14 =	vlt.s32 v34, v32  }
0x141: {  	vm15 =	vlt.f32 v33, v31;
	vm8 =	vmand vm13, vm14  }
0x142: {  	vm8 =	vmor vm15, vm8  }
0x143: {  	v31 =	vsel vm8, v33, v31;
	v32 =	vsel vm8, v34, v32  }
0x144: {  	v33 =	vperm.xlane v31, v3;
	v34 =	vperm.xlane v32, v3;
	_ =	sdelay $0x1  }
0x145: {  	vm12 =	veq.f32 v33, v31;
	vm13 =	vlt.s32 v34, v32  }
0x146: {  	vm14 =	vlt.f32 v33, v31;
	vm8 =	vmand vm12, vm13  }
0x147: {  	vm8 =	vmor vm14, vm8  }
0x148: {  	v31 =	vsel vm8, v33, v31;
	v32 =	vsel vm8, v34, v32  }
0x149: {  	v33 =	vperm.xlane v31, v4;
	v34 =	vperm.xlane v32, v4;
	_ =	sdelay $0x1  }
0x14a: {  	vm15 =	veq.f32 v33, v31;
	vm12 =	vlt.s32 v34, v32  }
0x14b: {  	vm13 =	vlt.f32 v33, v31;
	vm8 =	vmand vm15, vm12  }
0x14c: {  	v59 =	vsel vm7, v28, v6;
	v25 =	vsel vm6, v25, v13;
	vm14 =	vmor vm13, vm8  }
0x14d: {  	v22 =	vsel vm6, v22, v19;
	v31 =	vsel vm14, v33, v31;
	v13 =	vsel vm14, v34, v32  }
0x14e: {  	vm8 =	vlt.f32 v11, v18;
	vm15 =	veq.f32 v29, v31;
	vm12 =	veq.s32 v30, v13  }
0x14f: {  	v26 =	vsel vm8, v26, v18;
	v28 =	vsel vm8, v59, v25;
	vm7 =	vmand vm15, vm12  }
0x150: {  	v20 =	vsel vm5, v27, v20;
	v29 =	vsel vm7, v26, v29;
	v30 =	vsel vm7, v28, v30  }
0x151: {  	v21 =	vsel vm5, v21, v16;
	v60 =	vperm.xlane v29, v0;
	v61 =	vperm.xlane v30, v0  }
0x152: {  	v19 =	vsel vm5, v23, v27;
	v17 =	vsel vm4, v24, v17;
	v39 =	vsel vm5, v16, v10  }
0x153: {  	v40 =	vsel vm4, v22, v15;
	vm13 =	veq.f32 v60, v29;
	vm14 =	vlt.s32 v61, v30  }
0x154: {  	vm6 =	vlt.f32 v8, v12;
	vm15 =	vlt.f32 v60, v29;
	vm9 =	vmand vm13, vm14  }
0x155: {  	v7 =	vsel vm3, v39, v7;
	v37 =	vsel vm6, v8, v12;
	vm12 =	vmor vm15, vm9  }
0x156: {  	v38 =	vperm.xlane v37, v0;
	v31 =	vsel vm12, v60, v29;
	v32 =	vsel vm12, v61, v30  }
0x157: {  	v36 =	vsel vm6, v6, v14;
	v62 =	vperm.xlane v31, v2;
	v63 =	vperm.xlane v32, v2  }
0x158: {  	vm4 =	vlt.f32 v11, v40;
	v51 =	vsel vm6, v12, v8;
	v35 =	vperm.xlane v36, v0  }
0x159: {  	vm12 =	veq.f32 v38, v37;
	vm13 =	veq.f32 v62, v31;
	vm14 =	vlt.s32 v63, v32  }
0x15a: {  	vm15 =	vlt.f32 v62, v31;
	vm9 =	vmand vm13, vm14;
	vm13 =	vlt.s32 v35, v36  }
0x15b: {  	vm14 =	vlt.f32 v38, v37;
	vm9 =	vmor vm15, vm9;
	vm5 =	vmand vm12, vm13  }
0x15c: {  	v41 =	vsel vm9, v62, v31;
	v42 =	vsel vm9, v63, v32;
	vm5 =	vmor vm14, vm5  }
0x15d: {  	v31 =	vperm.xlane v41, v3;
	v32 =	vperm.xlane v42, v3;
	v27 =	vsel vm5, v38, v37  }
0x15e: {  	v55 =	vsel vm6, v14, v6;
	v43 =	vsel vm5, v35, v36;
	v44 =	vperm.xlane v27, v2  }
0x15f: {  	v35 =	vperm.xlane v43, v2;
	vm15 =	veq.f32 v31, v41;
	vm12 =	vlt.s32 v32, v42  }
0x160: {  	v45 =	vsel vm8, v18, v11;
	vm13 =	vlt.f32 v31, v41;
	vm5 =	vmand vm15, vm12  }
0x161: {  	vm14 =	veq.f32 v44, v27;
	vm15 =	vlt.s32 v35, v43;
	vm5 =	vmor vm13, vm5  }
0x162: {  	vm12 =	vlt.f32 v44, v27;
	vm9 =	vmand vm14, vm15;
	v15 =	vsel vm5, v31, v41  }
0x163: {  	v46 =	vsel vm5, v32, v42;
	vm13 =	vmor vm12, vm9;
	v47 =	vperm.xlane v15, v4  }
0x164: {  	v27 =	vsel vm13, v44, v27;
	v48 =	vperm.xlane v46, v4;
	v49 =	vsel vm13, v35, v43  }
0x165: {  	v25 =	vsel vm8, v25, v6;
	v50 =	vperm.xlane v27, v3;
	v33 =	vperm.xlane v49, v3  }
0x166: {  	v10 =	vsel vm4, v45, v40;
	v17 =	vsel vm4, v25, v17;
	vm14 =	veq.f32 v47, v15  }
0x167: {  	vm15 =	vlt.s32 v48, v46;
	vm12 =	veq.f32 v50, v27;
	vm13 =	vlt.s32 v33, v49  }
0x168: {  	vm5 =	vmand vm14, vm15;
	vm15 =	vlt.f32 v50, v27;
	vm8 =	vmand vm12, vm13  }
0x169: {  	v10 =	vsel vm7, v10, v26;
	v17 =	vsel vm7, v17, v28;
	vm8 =	vmor vm15, vm8  }
0x16a: {  	vm14 =	vlt.f32 v47, v15;
	v11 =	vsel vm8, v50, v27;
	v52 =	vsel vm8, v33, v49  }
0x16b: {  	vm12 =	vmor vm14, vm5;
	v53 =	vperm.xlane v11, v4;
	v54 =	vperm.xlane v52, v4  }
0x16c: {  	vm5 =	vlt.f32 v8, v21;
	v15 =	vsel vm12, v47, v15;
	v18 =	vsel vm12, v48, v46  }
0x16d: {  	vm13 =	veq.f32 v29, v15;
	vm15 =	veq.f32 v53, v11;
	vm8 =	vlt.s32 v54, v52  }
0x16e: {  	vm14 =	veq.s32 v30, v18;
	vm12 =	vlt.f32 v53, v11;
	vm6 =	vmand vm15, vm8  }
0x16f: {  	v12 =	vsel vm5, v51, v21;
	vm4 =	vmand vm13, vm14;
	vm6 =	vmor vm12, vm6  }
0x170: {  	v26 =	vsel vm4, v10, v29;
	v11 =	vsel vm6, v53, v11;
	v10 =	vsel vm6, v54, v52  }
0x171: {  	v57 =	vsel vm5, v55, v19;
	vm13 =	veq.f32 v37, v11;
	vm6 =	veq.s32 v36, v10  }
0x172: {  	v17 =	vsel vm4, v17, v30;
	v56 =	vperm.xlane v26, v0;
	vm4 =	vmand vm13, vm6  }
0x173: {  	v58 =	vperm.xlane v17, v0;
	v59 =	vsel vm4, v12, v37;
	v23 =	vsel vm4, v57, v36  }
0x174: {  	v9 =	vsel vm3, v20, v9;
	v24 =	vperm.xlane v59, v0;
	v60 =	vperm.xlane v23, v0  }
0x175: {  	vm14 =	veq.f32 v56, v26;
	vm15 =	vlt.s32 v58, v17;
	vm12 =	vlt.f32 v56, v26  }
0x176: {  	vm6 =	vmand vm14, vm15;
	vm13 =	veq.f32 v24, v59;
	vm14 =	vlt.s32 v60, v23  }
0x177: {  	vm6 =	vmor vm12, vm6;
	vm15 =	vlt.f32 v24, v59;
	vm7 =	vmand vm13, vm14  }
0x178: {  	v21 =	vsel vm5, v21, v8;
	v15 =	vsel vm6, v56, v26;
	vm12 =	vmor vm15, vm7  }
0x179: {  	v61 =	vperm.xlane v15, v2;
	v24 =	vsel vm12, v24, v59;
	v25 =	vsel vm12, v60, v23  }
0x17a: {  	v14 =	vsel vm6, v58, v17;
	v62 =	vperm.xlane v24, v2;
	v63 =	vperm.xlane v25, v2  }
0x17b: {  	v6 =	vsel vm5, v19, v6;
	vm8 =	vlt.f32 v8, v7;
	v17 =	vperm.xlane v14, v2  }
0x17c: {  	vm3 =	veq.f32 v61, v15;
	vm14 =	veq.f32 v62, v24;
	vm15 =	vlt.s32 v63, v25  }
0x17d: {  	vm13 =	vlt.s32 v17, v14;
	vm9 =	vlt.f32 v62, v24;
	vm6 =	vmand vm14, vm15  }
0x17e: {  	vm10 =	vlt.f32 v61, v15;
	vm3 =	vmand vm3, vm13;
	vm6 =	vmor vm9, vm6  }
0x17f: {  	vm3 =	vmor vm10, vm3;
	v30 =	vsel vm6, v62, v24;
	v31 =	vsel vm6, v63, v25  }
0x180: {  	v15 =	vsel vm3, v61, v15;
	v32 =	vperm.xlane v30, v3;
	v33 =	vperm.xlane v31, v3  }
0x181: {  	v7 =	vsel vm8, v21, v7;
	v14 =	vsel vm3, v17, v14;
	v34 =	vperm.xlane v15, v3  }
0x182: {  	v35 =	vperm.xlane v14, v3;
	vm3 =	veq.f32 v32, v30;
	vm11 =	vlt.s32 v33, v31  }
0x183: {  	vm12 =	vlt.f32 v34, v15;
	vm13 =	vlt.f32 v32, v30;
	vm3 =	vmand vm3, vm11  }
0x184: {  	vm14 =	veq.f32 v34, v15;
	vm15 =	vlt.s32 v35, v14;
	vm3 =	vmor vm13, vm3  }
0x185: {  	s0 =	sshll.u32 s29, $0x1;
	vm5 =	vmand vm14, vm15;
	v8 =	vsel vm3, v32, v30;
	v36 =	vsel vm3, v33, v31  }
0x186: {  	s0 =	sadd.s32 s26, s0;
	vm3 =	vmor vm12, vm5;
	v37 =	vperm.xlane v8, v4;
	v21 =	vperm.xlane v36, v4  }
0x187: {  	v44 =	vmov s0;
	v38 =	vsel vm3, v34, v15  }
0x188: {  	v14 =	vsel vm3, v35, v14;
	vm3 =	veq.f32 v37, v8;
	vm9 =	vlt.s32 v21, v36  }
0x189: {  	v6 =	vsel vm8, v6, v9;
	vm10 =	vlt.f32 v37, v8;
	vm3 =	vmand vm3, vm9  }
0x18a: {  	v7 =	vsel vm4, v7, v12;
	v6 =	vsel vm4, v6, v57;
	vm3 =	vmor vm10, vm3  }
0x18b: {  	v15 =	vperm.xlane v38, v4;
	v8 =	vsel vm3, v37, v8;
	v40 =	vsel vm3, v21, v36  }
0x18c: {  	v39 =	vperm.xlane v14, v4;
	vm14 =	veq.f32 v59, v8;
	vm15 =	veq.s32 v23, v40  }
0x18d: {  	vm11 =	vlt.f32 v15, v38;
	vm12 =	veq.f32 v15, v38;
	vm8 =	vmand vm14, vm15  }
0x18e: {  	vm13 =	vlt.s32 v39, v14;
	v7 =	vsel vm8, v7, v59;
	v6 =	vsel vm8, v6, v23  }
0x18f: {  	vm3 =	vmand vm12, vm13;
	v42 =	vperm.xlane v7, v0;
	v43 =	vperm.xlane v6, v0  }
0x190: {  	v45 =	vand.u32 $0xFFFFFFFE, v44;
	vm3 =	vmor vm11, vm3  }
0x191: {  	s2 =	sor.u32 $0x100, s0;
	v41 =	vsel vm3, v39, v14;
	vm3 =	veq.f32 v42, v7;
	vm4 =	vlt.s32 v43, v6  }
0x192: {  	s23 =	sor.u32 $0x200, s0;
	v49 =	vmov s2;
	vm9 =	vlt.f32 v42, v7;
	vm3 =	vmand vm3, vm4  }
0x193: {  	v50 =	vmov s23;
	v16 =	vand.u32 $0xFFFFFFFE, v49;
	vm3 =	vmor vm9, vm3  }
0x194: {  	v16 =	vbroadcast v16, $0x0;
	v7 =	vsel vm3, v42, v7;
	v6 =	vsel vm3, v43, v6  }
0x195: {  	v17 =	vand.u32 $0xFFFFFFFE, v50;
	v46 =	vperm.xlane v7, v2;
	v47 =	vperm.xlane v6, v2  }
0x196: {  	v11 =	vbroadcast v45, $0x0;
	v17 =	vbroadcast v17, $0x0;
	v8 =	vsel vm0, $0x0, v41  }
0x197: {  	v8 =	vsel vm1, v8, v18;
	vm3 =	veq.f32 v46, v7;
	vm10 =	vlt.s32 v47, v6  }
0x198: {  	v8 =	vsel vm2, v13, v8;
	vm11 =	vlt.f32 v46, v7;
	vm3 =	vmand vm3, vm10  }
0x199: {  	v13 =	vadd.s32 $0x1000, v8;
	vm3 =	vmor vm11, vm3  }
0x19a: {  	v7 =	vsel vm3, v46, v7;
	v6 =	vsel vm3, v47, v6  }
0x19b: {  	v16 =	vld.idx.msk [tilespmem:v16+s15+$0x0], $0xffff;
	v48 =	vadd.s32 $0x2000, v8;
	v12 =	vperm.xlane v7, v3;
	v14 =	vperm.xlane v6, v3  }
0x19c: {  	v11 =	vld.idx.msk [tilespmem:v11+s15+$0x0], $0xffff  }
0x19d: {  	v51 =	vld.idx.msk [tilespmem:v17+s15+$0x0], $0xffff;
	vm3 =	veq.f32 v12, v7;
	vm12 =	vlt.s32 v14, v6  }
0x19e: {  	v13 =	vld.idx.msk [tilespmem:v13+s13+$0x0], $0xffff;
	vm13 =	vlt.f32 v12, v7;
	vm3 =	vmand vm3, vm12  }
0x19f: {  	v8 =	vld.idx.msk [tilespmem:v8+s13+$0x0], $0xffff;
	vm3 =	vmor vm13, vm3  }
0x1a0: {  	v15 =	vld.idx.msk [tilespmem:v48+s13+$0x0], $0xffff;
	v7 =	vsel vm3, v12, v7  }
0x1a1: {  	v6 =	vsel vm3, v14, v6;
	v52 =	vperm.xlane v7, v4  }
0x1a2: {  	v53 =	vperm.xlane v6, v4  }
0x1a3: {  	v54 =	vsub.f32 v16, v13;
	vm3 =	veq.f32 v52, v7  }
0x1a4: {  	vm14 =	vlt.s32 v53, v6;
	vm15 =	vlt.f32 v52, v7;
	v7 =	vsub.f32 v11, v8  }
0x1a5: {  	s24 =	smul.u32 $0x3, s0;
	v55 =	vsub.f32 v51, v15;
	vm3 =	vmand vm3, vm14  }
0x1a6: {  	s30 =	sor.u32 $0x1, s0;
	v8 =	vmul.f32 v54, v54;
	vm3 =	vmor vm15, vm3;
	v7 =	vmul.f32 v7, v7  }
0x1a7: {  	v56 =	vadd.s32 s24, v5;
	v59 =	vmov s30;
	v6 =	vsel vm3, v53, v6  }
0x1a8: {  	s3 =	sor.u32 $0x101, s0;
	v57 =	vmul.f32 v55, v55;
	v6 =	vsel vm0, $0x0, v6;
	v7 =	vadd.f32 v8, v7  }
0x1a9: {  	v60 =	vmov s3;
	v6 =	vsel vm1, v6, v40  }
0x1aa: {  	v6 =	vsel vm2, v10, v6;
	v7 =	vadd.f32 v57, v7  }
0x1ab: {  	s0 =	sor.u32 $0x201, s0;
	v58 =	vadd.s32 $0x1000, v6  }
0x1ac: {  	v61 =	vmov s0;
	[tilespmem:v56+s20+$0x0] =	vst.idx.msk $0x7, v7  }
0x1ad: {  	v7 =	vadd.s32 $0x2000, v6;
	v8 =	vld.idx.msk [tilespmem:v59+s15+$0x0], $0xffff  }
0x1ae: {  	v10 =	vld.idx.msk [tilespmem:v60+s15+$0x0], $0xffff  }
0x1af: {  	v6 =	vld.idx.msk [tilespmem:v6+s13+$0x0], $0xffff  }
0x1b0: {  	v9 =	vld.idx.msk [tilespmem:v58+s13+$0x0], $0xffff  }
0x1b1: {  	v11 =	vld.idx.msk [tilespmem:v61+s15+$0x0], $0xffff  }
0x1b2: {  	v7 =	vld.idx.msk [tilespmem:v7+s13+$0x0], $0xffff;
	_ =	sdelay $0x2  }
0x1b3: {  	v6 =	vsub.f32 v8, v6;
	v62 =	vsub.f32 v10, v9  }
0x1b4: {  	s31 =	smul.u32 $0x3, s30  }
0x1b5: {  	s29 =	sadd.s32 $0x1, s29;
	v7 =	vsub.f32 v11, v7;
	v6 =	vmul.f32 v6, v6;
	v8 =	vmul.f32 v62, v62  }
0x1b6: {  	p0 =	sne.s32 s29, $0x4;
	v63 =	vadd.s32 s31, v5  }
.Ltmp3:
0x1b7: {  	v7 =	vmul.f32 v7, v7;
	v6 =	vadd.f32 v8, v6;
	(pc) =	sbr.rel @p0 .LBB2_7-.Ltmp3, $3  }
0x1b8: {  	_ = 	snop  }
0x1b9: {  	v6 =	vadd.f32 v7, v6;
	_ =	sdelay $0x1  }
0x1ba: {  	[tilespmem:v63+s20+$0x0] =	vst.idx.msk $0x7, v6  }
0x1bb: {  	s25 =	sadd.s32 $0x1, s25  }
0x1bc: {  	p0 =	sne.s32 s25, $0x10  }
.Ltmp4:
0x1bd: {  	_ = 	snop;
	(pc) =	sbr.rel @p0 .LBB2_2-.Ltmp4, $1  }
0x1be: {  	_ =	sdelay $0x3  }
0x1bf: {  	s0 =	rddreg [dreg:$0xb];
	s2 =	simm.s32 $0x80;
	s3 =	simm.s32 $0x400  }
0x1c0: {  	[hbm4b:s0+s2] =	stream.strided.scatter [tilespmem:s20], [sflag:$0x3], $0x300, s3, s2, $0x38;
	[tilespmem:$0x13600] =	vst v63  }
0x1c1: {  	_ =	swait.ge [sflag:s14], $0x300  }
0x1c2: {  	s30 =	rddreg [dreg:$0xd]  }
0x1c3: {  	s31 =	rddreg [dreg:$0xc];
	s2 =	sadd.s32 $0x1, s30  }
0x1c4: {  	p0 =	sne.s32 s2, s31  }
.Ltmp5:
0x1c5: {  	_ = 	snop;
	(pc) =	sbr.rel @p0 .LBB2_1-.Ltmp5, $3  }
0x1c6: {  	_ =	sdelay $0x1  }
0x1c7: {  	[sflag:s14] =	ssyncset.done $0x0  }
0x1c8: {  	[sflag:s14] =	ssyncadd.s32 $0xFFFFFD00  }
0x1c9: {  	_ =	sfence.sel $0x180000  }
0x1ca: {  	[bflag:$0x0] =	sbarrier.arrive $0xFFFF  }
0x1cb: {  	_ =	strace $0x90000047  }
0x1cc: {  	s0 =	stileid.u32;
	[bflag:$0x2] =	sbarrier.arrive $0xFFFF  }
0x1cd: {  	p0 =	sne.s32 s0, $0x0;
	s0 =	rddreg [dreg:$0x4]  }
0x1ce: {  	s0 =	sadd.s32 @!p0 $0x100000, s0  }
0x1cf: {  	[sflag:s0] =	ssyncadd.tile.s32 @!p0 $0x1;
	_ =	shalt  }
.Lfunc_end2:
_tile_overlayer_lowered:
.L_overlay_start_2:
0x1d0: {  	(tag) =	ssettag $0x2  }
0x1d1: {  	s0 =	rddreg [dreg:$0x0];
	s2 =	stileid.u32  }
0x1d2: {  	s1 =	rddreg [dreg:$0x1];
	p0 =	sne.s32 s2, $0x0  }
0x1d3: {  	s3 =	rddreg [dreg:$0x2];
	[bflag:$0x3] =	sbarrier.arrive $0xFFFF;
	s2 =	simm.s32 @!p0 $0x1C03  }
0x1d4: {  	[timem:s3], [sflag:s2] =	dma.local @!p0 [hbm:s0], s1  }
0x1d5: {  	s0 =	simm.s32 @!p0 $0x3  }
0x1d6: {  	_ =	swait.ge @!p0 [sflag:s0], s1  }
0x1d7: {  	s1 =	ssub.s32 @!p0 $0x0, s1;
	[sflag:s0] =	ssyncset.done @!p0 $0x0  }
0x1d8: {  	[sflag:s0] =	ssyncadd.s32 @!p0 s1  }
0x1d9: {  	[bflag:$0x3] =	sbarrier.arrive $0xFFFF  }
0x1da: {  	_ =	shalt  }

</sc_bundles>
